<compile_context>
chip_gen: v7x
topology: tpu7x:2x2x1
jax: 0.10.2.dev20260603
libtpu: 0.0.44.dev20260713+nightly
codegen_flags: <defaults>
</compile_context>

<pallas_src>
import functools

import jax
import jax.numpy as jnp
from jax import lax
from jax.experimental import pallas as pl
from jax.experimental.pallas import tpu as pltpu
from jax.experimental.pallas import tpu_sc as plsc

N_ROWS = 8192
DIM = 4096
HDIM = DIM // 2
NC = 2
NS = 16
L = 16
NW = NC * NS
ROWS_PER_W = N_ROWS // NW
RBLK = 8
NB = ROWS_PER_W // RBLK

_mesh = plsc.VectorSubcoreMesh(core_axis_name="c", subcore_axis_name="s")


@functools.partial(
    pl.kernel,
    mesh=_mesh,
    out_type=jax.ShapeDtypeStruct((N_ROWS, DIM), jnp.float32),
    compiler_params=pltpu.CompilerParams(needs_layout_passes=False),
    scratch_types=[
        pltpu.VMEM((DIM // 2,), jnp.int32),
        pltpu.VMEM((RBLK, DIM), jnp.float32),
        pltpu.VMEM((RBLK, DIM), jnp.float32),
        pltpu.VMEM((RBLK, HDIM), jnp.float32),
        pltpu.VMEM((RBLK, HDIM), jnp.float32),
        pltpu.SemaphoreType.DMA,
        pltpu.SemaphoreType.DMA,
        pltpu.SemaphoreType.DMA,
        pltpu.SemaphoreType.DMA,
    ],
)
def _permute_cols(x_hbm, perm_hbm, out_hbm, perm_v,
                  in0, in1, out0, out1,
                  sem_in0, sem_in1, sem_out0, sem_out1):
    wid = lax.axis_index("s") * NC + lax.axis_index("c")
    base = wid * ROWS_PER_W
    pltpu.sync_copy(perm_hbm, perm_v)

    def src(b):
        return x_hbm.at[pl.ds(base + b * RBLK, RBLK)]

    def dsth(b, h):
        return out_hbm.at[pl.ds(base + b * RBLK, RBLK), pl.ds(h * HDIM, HDIM)]

    def compute(in_v, out_v, colbase):
        @plsc.parallel_loop(0, HDIM // (2 * L), unroll=4)
        def j_body(j):
            col0 = j * (2 * L)
            packed = perm_v[pl.ds(colbase // 2 + j * L, L)]
            idx_a = packed & jnp.int32(0xFFFF)
            idx_b = lax.shift_right_logical(packed, jnp.int32(16))
            for r in range(RBLK):
                row_idx = jnp.full((L,), r, jnp.int32)
                out_v[r, pl.ds(col0, L)] = plsc.load_gather(
                    in_v, [row_idx, idx_a])
                out_v[r, pl.ds(col0 + L, L)] = plsc.load_gather(
                    in_v, [row_idx, idx_b])

    pltpu.async_copy(src(0), in0, sem_in0)

    def block(b, in_v, sem_in, prefetch_in, prefetch_sem):
        @pl.when(b + 1 < NB)
        def _():
            pltpu.async_copy(src(b + 1), prefetch_in, prefetch_sem)

        pltpu.make_async_copy(src(b), in_v, sem_in).wait()

        @pl.when(b > 0)
        def _():
            pltpu.make_async_copy(out0, dsth(b - 1, 0), sem_out0).wait()

        compute(in_v, out0, 0)
        pltpu.async_copy(out0, dsth(b, 0), sem_out0)

        @pl.when(b > 0)
        def _():
            pltpu.make_async_copy(out1, dsth(b - 1, 1), sem_out1).wait()

        compute(in_v, out1, HDIM)
        pltpu.async_copy(out1, dsth(b, 1), sem_out1)

    def pair_body(p, carry):
        b = 2 * p
        block(b, in0, sem_in0, in1, sem_in1)
        block(b + 1, in1, sem_in1, in0, sem_in0)
        return carry

    lax.fori_loop(0, NB // 2, pair_body, 0)
    pltpu.make_async_copy(out0, dsth(NB - 1, 0), sem_out0).wait()
    pltpu.make_async_copy(out1, dsth(NB - 1, 1), sem_out1).wait()


def kernel(x, perm):
    p = perm.astype(jnp.int32).reshape(-1, 2, L)
    packed = (p[:, 0, :] | (p[:, 1, :] << 16)).reshape(-1)
    out = _permute_cols(x, packed)
    return out, 0

# --- scband reference (transcript-rebuilt; emitter-appended) ---
"""Pipeline reference for scband-random-perm-71691594105181 (READ-ONLY COPY).

The authoritative reference and input builder live on the scoring server;
editing this copy changes nothing except your own understanding.
"""

import jax, jax.numpy as jnp
import numpy as np

DIM = 4096
N_ROWS = 8192

def setup_inputs(seed: int = 0) -> dict:
    key = jax.random.key(seed)
    x = jax.random.normal(key, (N_ROWS, DIM), dtype=jnp.float32)
    # The torch module draws a random permutation at __init__ time; we
    # materialize it deterministically here as a constant index array.
    perm = jnp.asarray(np.random.default_rng(0).permutation(DIM), dtype=jnp.int64)
    return {"x": x, "perm": perm}

def reference(x, perm):
    # Faithful translation of RandomPerm.forward: return (x[:, self.perm], 0)
    out = jnp.take(x, perm, axis=1)
    return (out, 0)

if __name__ == "__main__":
    import jax
    _d = setup_inputs()
    print(jax.jit(kernel)(*tuple(_d.values())))

</pallas_src>

<mosaic_0001>
#map = affine_map<(d0, d1) -> (0, 0)>
#map1 = affine_map<(d0, d1) -> (0)>
module attributes {stable_mosaic.version = 14 : i64} {
  func.func @_permute_cols(%arg0: i32, %arg1: i32, %arg2: memref<8192x4096xf32, #tpu.memory_space<hbm>>, %arg3: memref<2048xi32, #tpu.memory_space<hbm>>, %arg4: memref<8192x4096xf32, #tpu.memory_space<hbm>>, %arg5: memref<2048xi32, #tpu.memory_space<vmem>>, %arg6: memref<8x4096xf32, #tpu.memory_space<vmem>>, %arg7: memref<8x4096xf32, #tpu.memory_space<vmem>>, %arg8: memref<8x2048xf32, #tpu.memory_space<vmem>>, %arg9: memref<8x2048xf32, #tpu.memory_space<vmem>>, %arg10: memref<!tpu.dma_semaphore, #tpu.memory_space<semaphore_mem>>, %arg11: memref<!tpu.dma_semaphore, #tpu.memory_space<semaphore_mem>>, %arg12: memref<!tpu.dma_semaphore, #tpu.memory_space<semaphore_mem>>, %arg13: memref<!tpu.dma_semaphore, #tpu.memory_space<semaphore_mem>>) attributes {dimension_semantics = [#tpu.dimension_semantics<core_parallel>, #tpu.dimension_semantics<subcore_parallel>], iteration_bounds = array<i64: 2, 16>, scalar_prefetch = 0 : i64, scratch_operands = 9 : i64, tpu.core_type = #tpu.core_type<sc_vector_subcore>, window_params = [{transform_indices = #map}, {transform_indices = #map1}, {transform_indices = #map}]} {
    %mul3A = arith.constant 2 : i32
    %mul3A_0 = arith.muli %arg1, %mul3A : i32
    %add3A = arith.addi %mul3A_0, %arg0 : i32
    %mul3A_1 = arith.constant 256 : i32
    %mul3A_2 = arith.muli %add3A, %mul3A_1 : i32
    "tpu.region"() ({
      %run_scoped3A = tpu.sem_alloc : memref<!tpu.dma_semaphore, #tpu.memory_space<semaphore_mem>>
      tpu.enqueue_dma source(%arg3 : memref<2048xi32, #tpu.memory_space<hbm>>) target(%arg5 : memref<2048xi32, #tpu.memory_space<vmem>>) target_semaphore(%run_scoped3A : memref<!tpu.dma_semaphore, #tpu.memory_space<semaphore_mem>>)
      tpu.wait_dma2 semaphore(%run_scoped3A : memref<!tpu.dma_semaphore, #tpu.memory_space<semaphore_mem>>) src(%arg3 : memref<2048xi32, #tpu.memory_space<hbm>>) dst(%arg5 : memref<2048xi32, #tpu.memory_space<vmem>>)
      tpu.yield
    }) : () -> ()
    %add3A_3 = arith.constant 0 : i32
    %add3A_4 = arith.addi %mul3A_2, %add3A_3 : i32
    %dma_start3A = arith.constant 0 : i32
    %dma_start3A_5 = tpu.memref_slice %arg2[%add3A_4, %dma_start3A] : memref<8192x4096xf32, #tpu.memory_space<hbm>> -> memref<8x4096xf32, #tpu.memory_space<hbm>>
    %dma_start3A_6 = arith.constant 0 : i32
    %dma_start3A_7 = tpu.memref_slice %arg2[%add3A_4, %dma_start3A_6] : memref<8192x4096xf32, #tpu.memory_space<hbm>> -> memref<8x4096xf32, #tpu.memory_space<hbm>>
    tpu.enqueue_dma source(%dma_start3A_7 : memref<8x4096xf32, #tpu.memory_space<hbm>>) target(%arg6 : memref<8x4096xf32, #tpu.memory_space<vmem>>) target_semaphore(%arg10 : memref<!tpu.dma_semaphore, #tpu.memory_space<semaphore_mem>>)
    %scan3A = arith.constant 0 : i32
    %scan3A_8 = arith.constant 0 : i32
    %scan3A_9 = arith.constant 16 : i32
    %scan3A_10 = arith.addi %scan3A_8, %scan3A_9 : i32
    %scan3A_11 = arith.constant 1 : i32
    scf.for %scan3A_24 = %scan3A_8 to %scan3A_10 step %scan3A_11  : i32 {
      %mul3A_25 = arith.constant 2 : i32
      %mul3A_26 = arith.muli %mul3A_25, %scan3A_24 : i32
      %add3A_27 = arith.constant 1 : i32
      %add3A_28 = arith.addi %mul3A_26, %add3A_27 : i32
      %lt3A = arith.constant 32 : i32
      %lt3A_29 = arith.cmpi slt, %add3A_28, %lt3A : i32
      %convert_element_type3A = arith.extui %lt3A_29 : i1 to i32
      %cond3A = arith.constant 0 : i32
      %cond3A_30 = arith.cmpi ne, %convert_element_type3A, %cond3A : i32
      scf.if %cond3A_30 {
        %add3A_112 = arith.constant 1 : i32
        %add3A_113 = arith.addi %mul3A_26, %add3A_112 : i32
        %mul3A_114 = arith.constant 8 : i32
        %mul3A_115 = arith.muli %add3A_113, %mul3A_114 : i32
        %add3A_116 = arith.addi %mul3A_2, %mul3A_115 : i32
        %dma_start3A_117 = arith.constant 0 : i32
        %dma_start3A_118 = tpu.memref_slice %arg2[%add3A_116, %dma_start3A_117] : memref<8192x4096xf32, #tpu.memory_space<hbm>> -> memref<8x4096xf32, #tpu.memory_space<hbm>>
        %dma_start3A_119 = arith.constant 0 : i32
        %dma_start3A_120 = tpu.memref_slice %arg2[%add3A_116, %dma_start3A_119] : memref<8192x4096xf32, #tpu.memory_space<hbm>> -> memref<8x4096xf32, #tpu.memory_space<hbm>>
        tpu.enqueue_dma source(%dma_start3A_120 : memref<8x4096xf32, #tpu.memory_space<hbm>>) target(%arg7 : memref<8x4096xf32, #tpu.memory_space<vmem>>) target_semaphore(%arg11 : memref<!tpu.dma_semaphore, #tpu.memory_space<semaphore_mem>>)
      } else {
      }
      %mul3A_31 = arith.constant 8 : i32
      %mul3A_32 = arith.muli %mul3A_26, %mul3A_31 : i32
      %add3A_33 = arith.addi %mul3A_2, %mul3A_32 : i32
      %dma_wait3A_34 = arith.constant 0 : i32
      %dma_wait3A_35 = tpu.memref_slice %arg2[%add3A_33, %dma_wait3A_34] : memref<8192x4096xf32, #tpu.memory_space<hbm>> -> memref<8x4096xf32, #tpu.memory_space<hbm>>
      %dma_wait3A_36 = arith.constant 0 : i32
      %dma_wait3A_37 = tpu.memref_slice %arg2[%add3A_33, %dma_wait3A_36] : memref<8192x4096xf32, #tpu.memory_space<hbm>> -> memref<8x4096xf32, #tpu.memory_space<hbm>>
      tpu.wait_dma2 semaphore(%arg10 : memref<!tpu.dma_semaphore, #tpu.memory_space<semaphore_mem>>) src(%dma_wait3A_37 : memref<8x4096xf32, #tpu.memory_space<hbm>>) dst(%arg6 : memref<8x4096xf32, #tpu.memory_space<vmem>>)
      %gt3A = arith.constant 0 : i32
      %gt3A_38 = arith.cmpi sgt, %mul3A_26, %gt3A : i32
      %convert_element_type3A_39 = arith.extui %gt3A_38 : i1 to i32
      %cond3A_40 = arith.constant 0 : i32
      %cond3A_41 = arith.cmpi ne, %convert_element_type3A_39, %cond3A_40 : i32
      scf.if %cond3A_41 {
        %sub3A = arith.constant 1 : i32
        %sub3A_112 = arith.subi %mul3A_26, %sub3A : i32
        %mul3A_113 = arith.constant 8 : i32
        %mul3A_114 = arith.muli %sub3A_112, %mul3A_113 : i32
        %add3A_115 = arith.addi %mul3A_2, %mul3A_114 : i32
        %dma_wait3A_116 = arith.constant 0 : i32
        %dma_wait3A_117 = tpu.memref_slice %arg4[%add3A_115, %dma_wait3A_116] : memref<8192x4096xf32, #tpu.memory_space<hbm>> -> memref<8x2048xf32, #tpu.memory_space<hbm>>
        %dma_wait3A_118 = arith.constant 0 : i32
        %dma_wait3A_119 = tpu.memref_slice %arg4[%add3A_115, %dma_wait3A_118] : memref<8192x4096xf32, #tpu.memory_space<hbm>> -> memref<8x2048xf32, #tpu.memory_space<hbm>>
        tpu.wait_dma2 semaphore(%arg12 : memref<!tpu.dma_semaphore, #tpu.memory_space<semaphore_mem>>) src(%arg8 : memref<8x2048xf32, #tpu.memory_space<vmem>>) dst(%dma_wait3A_119 : memref<8x2048xf32, #tpu.memory_space<hbm>>)
      } else {
      }
      %parallel_loop3A = arith.constant 0 : i32
      %parallel_loop3A_42 = arith.constant 64 : i32
      %parallel_loop3A_43 = arith.constant 1 : i32
      scf.for %parallel_loop3A_112 = %parallel_loop3A to %parallel_loop3A_42 step %parallel_loop3A_43  : i32 {
        %parallel_loop3A_113 = arith.constant 32 : i32
        %parallel_loop3A_114 = arith.muli %parallel_loop3A_112, %parallel_loop3A_113 : i32
        %parallel_loop3A_115 = arith.constant 16 : i32
        %parallel_loop3A_116 = arith.muli %parallel_loop3A_112, %parallel_loop3A_115 : i32
        %parallel_loop3A_117 = arith.constant 0 : i32
        %parallel_loop3A_118 = arith.addi %parallel_loop3A_117, %parallel_loop3A_116 : i32
        %parallel_loop3A_119 = arith.index_cast %parallel_loop3A_118 : i32 to index
        %parallel_loop3A_120 = tpu.vector_load %arg5[%parallel_loop3A_119] {strides = array<i32>} : memref<2048xi32, #tpu.memory_space<vmem>>, vector<16xi32>,
        %parallel_loop3A_121 = arith.constant 65535 : i32
        %parallel_loop3A_122 = vector.broadcast %parallel_loop3A_121 : i32 to vector<16xi32>
        %parallel_loop3A_123 = arith.andi %parallel_loop3A_120, %parallel_loop3A_122 : vector<16xi32>
        %parallel_loop3A_124 = arith.constant 16 : i32
        %parallel_loop3A_125 = vector.broadcast %parallel_loop3A_124 : i32 to vector<16xi32>
        %parallel_loop3A_126 = arith.shrui %parallel_loop3A_120, %parallel_loop3A_125 : vector<16xi32>
        %parallel_loop3A_127 = arith.constant 0 : i32
        %parallel_loop3A_128 = vector.broadcast %parallel_loop3A_127 : i32 to vector<16xi32>
        %parallel_loop3A_129 = tpu.vector_load_idx %arg6[%parallel_loop3A_128, %parallel_loop3A_123] : memref<8x4096xf32, #tpu.memory_space<vmem>>[vector<16xi32>, vector<16xi32>], vector<16xf32>,
        %parallel_loop3A_130 = arith.constant 0 : i32
        %parallel_loop3A_131 = arith.index_cast %parallel_loop3A_130 : i32 to index
        %parallel_loop3A_132 = arith.index_cast %parallel_loop3A_114 : i32 to index
        %parallel_loop3A_133 = tpu.vector_load %arg8[%parallel_loop3A_131, %parallel_loop3A_132] {strides = array<i32>} : memref<8x2048xf32, #tpu.memory_space<vmem>>, vector<16xf32>,
        tpu.vector_store %arg8[%parallel_loop3A_131, %parallel_loop3A_132], %parallel_loop3A_129 {strides = array<i32>} : memref<8x2048xf32, #tpu.memory_space<vmem>>, vector<16xf32>,
        %parallel_loop3A_134 = tpu.vector_load_idx %arg6[%parallel_loop3A_128, %parallel_loop3A_126] : memref<8x4096xf32, #tpu.memory_space<vmem>>[vector<16xi32>, vector<16xi32>], vector<16xf32>,
        %parallel_loop3A_135 = arith.constant 16 : i32
        %parallel_loop3A_136 = arith.addi %parallel_loop3A_114, %parallel_loop3A_135 : i32
        %parallel_loop3A_137 = arith.constant 0 : i32
        %parallel_loop3A_138 = arith.index_cast %parallel_loop3A_137 : i32 to index
        %parallel_loop3A_139 = arith.index_cast %parallel_loop3A_136 : i32 to index
        %parallel_loop3A_140 = tpu.vector_load %arg8[%parallel_loop3A_138, %parallel_loop3A_139] {strides = array<i32>} : memref<8x2048xf32, #tpu.memory_space<vmem>>, vector<16xf32>,
        tpu.vector_store %arg8[%parallel_loop3A_138, %parallel_loop3A_139], %parallel_loop3A_134 {strides = array<i32>} : memref<8x2048xf32, #tpu.memory_space<vmem>>, vector<16xf32>,
        %parallel_loop3A_141 = arith.constant 1 : i32
        %parallel_loop3A_142 = vector.broadcast %parallel_loop3A_141 : i32 to vector<16xi32>
        %parallel_loop3A_143 = tpu.vector_load_idx %arg6[%parallel_loop3A_142, %parallel_loop3A_123] : memref<8x4096xf32, #tpu.memory_space<vmem>>[vector<16xi32>, vector<16xi32>], vector<16xf32>,
        %parallel_loop3A_144 = arith.constant 1 : i32
        %parallel_loop3A_145 = arith.index_cast %parallel_loop3A_144 : i32 to index
        %parallel_loop3A_146 = arith.index_cast %parallel_loop3A_114 : i32 to index
        %parallel_loop3A_147 = tpu.vector_load %arg8[%parallel_loop3A_145, %parallel_loop3A_146] {strides = array<i32>} : memref<8x2048xf32, #tpu.memory_space<vmem>>, vector<16xf32>,
        tpu.vector_store %arg8[%parallel_loop3A_145, %parallel_loop3A_146], %parallel_loop3A_143 {strides = array<i32>} : memref<8x2048xf32, #tpu.memory_space<vmem>>, vector<16xf32>,
        %parallel_loop3A_148 = tpu.vector_load_idx %arg6[%parallel_loop3A_142, %parallel_loop3A_126] : memref<8x4096xf32, #tpu.memory_space<vmem>>[vector<16xi32>, vector<16xi32>], vector<16xf32>,
        %parallel_loop3A_149 = arith.constant 16 : i32
        %parallel_loop3A_150 = arith.addi %parallel_loop3A_114, %parallel_loop3A_149 : i32
        %parallel_loop3A_151 = arith.constant 1 : i32
        %parallel_loop3A_152 = arith.index_cast %parallel_loop3A_151 : i32 to index
        %parallel_loop3A_153 = arith.index_cast %parallel_loop3A_150 : i32 to index
        %parallel_loop3A_154 = tpu.vector_load %arg8[%parallel_loop3A_152, %parallel_loop3A_153] {strides = array<i32>} : memref<8x2048xf32, #tpu.memory_space<vmem>>, vector<16xf32>,
        tpu.vector_store %arg8[%parallel_loop3A_152, %parallel_loop3A_153], %parallel_loop3A_148 {strides = array<i32>} : memref<8x2048xf32, #tpu.memory_space<vmem>>, vector<16xf32>,
        %parallel_loop3A_155 = arith.constant 2 : i32
        %parallel_loop3A_156 = vector.broadcast %parallel_loop3A_155 : i32 to vector<16xi32>
        %parallel_loop3A_157 = tpu.vector_load_idx %arg6[%parallel_loop3A_156, %parallel_loop3A_123] : memref<8x4096xf32, #tpu.memory_space<vmem>>[vector<16xi32>, vector<16xi32>], vector<16xf32>,
        %parallel_loop3A_158 = arith.constant 2 : i32
        %parallel_loop3A_159 = arith.index_cast %parallel_loop3A_158 : i32 to index
        %parallel_loop3A_160 = arith.index_cast %parallel_loop3A_114 : i32 to index
        %parallel_loop3A_161 = tpu.vector_load %arg8[%parallel_loop3A_159, %parallel_loop3A_160] {strides = array<i32>} : memref<8x2048xf32, #tpu.memory_space<vmem>>, vector<16xf32>,
        tpu.vector_store %arg8[%parallel_loop3A_159, %parallel_loop3A_160], %parallel_loop3A_157 {strides = array<i32>} : memref<8x2048xf32, #tpu.memory_space<vmem>>, vector<16xf32>,
        %parallel_loop3A_162 = tpu.vector_load_idx %arg6[%parallel_loop3A_156, %parallel_loop3A_126] : memref<8x4096xf32, #tpu.memory_space<vmem>>[vector<16xi32>, vector<16xi32>], vector<16xf32>,
        %parallel_loop3A_163 = arith.constant 16 : i32
        %parallel_loop3A_164 = arith.addi %parallel_loop3A_114, %parallel_loop3A_163 : i32
        %parallel_loop3A_165 = arith.constant 2 : i32
        %parallel_loop3A_166 = arith.index_cast %parallel_loop3A_165 : i32 to index
        %parallel_loop3A_167 = arith.index_cast %parallel_loop3A_164 : i32 to index
        %parallel_loop3A_168 = tpu.vector_load %arg8[%parallel_loop3A_166, %parallel_loop3A_167] {strides = array<i32>} : memref<8x2048xf32, #tpu.memory_space<vmem>>, vector<16xf32>,
        tpu.vector_store %arg8[%parallel_loop3A_166, %parallel_loop3A_167], %parallel_loop3A_162 {strides = array<i32>} : memref<8x2048xf32, #tpu.memory_space<vmem>>, vector<16xf32>,
        %parallel_loop3A_169 = arith.constant 3 : i32
        %parallel_loop3A_170 = vector.broadcast %parallel_loop3A_169 : i32 to vector<16xi32>
        %parallel_loop3A_171 = tpu.vector_load_idx %arg6[%parallel_loop3A_170, %parallel_loop3A_123] : memref<8x4096xf32, #tpu.memory_space<vmem>>[vector<16xi32>, vector<16xi32>], vector<16xf32>,
        %parallel_loop3A_172 = arith.constant 3 : i32
        %parallel_loop3A_173 = arith.index_cast %parallel_loop3A_172 : i32 to index
        %parallel_loop3A_174 = arith.index_cast %parallel_loop3A_114 : i32 to index
        %parallel_loop3A_175 = tpu.vector_load %arg8[%parallel_loop3A_173, %parallel_loop3A_174] {strides = array<i32>} : memref<8x2048xf32, #tpu.memory_space<vmem>>, vector<16xf32>,
        tpu.vector_store %arg8[%parallel_loop3A_173, %parallel_loop3A_174], %parallel_loop3A_171 {strides = array<i32>} : memref<8x2048xf32, #tpu.memory_space<vmem>>, vector<16xf32>,
        %parallel_loop3A_176 = tpu.vector_load_idx %arg6[%parallel_loop3A_170, %parallel_loop3A_126] : memref<8x4096xf32, #tpu.memory_space<vmem>>[vector<16xi32>, vector<16xi32>], vector<16xf32>,
        %parallel_loop3A_177 = arith.constant 16 : i32
        %parallel_loop3A_178 = arith.addi %parallel_loop3A_114, %parallel_loop3A_177 : i32
        %parallel_loop3A_179 = arith.constant 3 : i32
        %parallel_loop3A_180 = arith.index_cast %parallel_loop3A_179 : i32 to index
        %parallel_loop3A_181 = arith.index_cast %parallel_loop3A_178 : i32 to index
        %parallel_loop3A_182 = tpu.vector_load %arg8[%parallel_loop3A_180, %parallel_loop3A_181] {strides = array<i32>} : memref<8x2048xf32, #tpu.memory_space<vmem>>, vector<16xf32>,
        tpu.vector_store %arg8[%parallel_loop3A_180, %parallel_loop3A_181], %parallel_loop3A_176 {strides = array<i32>} : memref<8x2048xf32, #tpu.memory_space<vmem>>, vector<16xf32>,
        %parallel_loop3A_183 = arith.constant 4 : i32
        %parallel_loop3A_184 = vector.broadcast %parallel_loop3A_183 : i32 to vector<16xi32>
        %parallel_loop3A_185 = tpu.vector_load_idx %arg6[%parallel_loop3A_184, %parallel_loop3A_123] : memref<8x4096xf32, #tpu.memory_space<vmem>>[vector<16xi32>, vector<16xi32>], vector<16xf32>,
        %parallel_loop3A_186 = arith.constant 4 : i32
        %parallel_loop3A_187 = arith.index_cast %parallel_loop3A_186 : i32 to index
        %parallel_loop3A_188 = arith.index_cast %parallel_loop3A_114 : i32 to index
        %parallel_loop3A_189 = tpu.vector_load %arg8[%parallel_loop3A_187, %parallel_loop3A_188] {strides = array<i32>} : memref<8x2048xf32, #tpu.memory_space<vmem>>, vector<16xf32>,
        tpu.vector_store %arg8[%parallel_loop3A_187, %parallel_loop3A_188], %parallel_loop3A_185 {strides = array<i32>} : memref<8x2048xf32, #tpu.memory_space<vmem>>, vector<16xf32>,
        %parallel_loop3A_190 = tpu.vector_load_idx %arg6[%parallel_loop3A_184, %parallel_loop3A_126] : memref<8x4096xf32, #tpu.memory_space<vmem>>[vector<16xi32>, vector<16xi32>], vector<16xf32>,
        %parallel_loop3A_191 = arith.constant 16 : i32
        %parallel_loop3A_192 = arith.addi %parallel_loop3A_114, %parallel_loop3A_191 : i32
        %parallel_loop3A_193 = arith.constant 4 : i32
        %parallel_loop3A_194 = arith.index_cast %parallel_loop3A_193 : i32 to index
        %parallel_loop3A_195 = arith.index_cast %parallel_loop3A_192 : i32 to index
        %parallel_loop3A_196 = tpu.vector_load %arg8[%parallel_loop3A_194, %parallel_loop3A_195] {strides = array<i32>} : memref<8x2048xf32, #tpu.memory_space<vmem>>, vector<16xf32>,
        tpu.vector_store %arg8[%parallel_loop3A_194, %parallel_loop3A_195], %parallel_loop3A_190 {strides = array<i32>} : memref<8x2048xf32, #tpu.memory_space<vmem>>, vector<16xf32>,
        %parallel_loop3A_197 = arith.constant 5 : i32
        %parallel_loop3A_198 = vector.broadcast %parallel_loop3A_197 : i32 to vector<16xi32>
        %parallel_loop3A_199 = tpu.vector_load_idx %arg6[%parallel_loop3A_198, %parallel_loop3A_123] : memref<8x4096xf32, #tpu.memory_space<vmem>>[vector<16xi32>, vector<16xi32>], vector<16xf32>,
        %parallel_loop3A_200 = arith.constant 5 : i32
        %parallel_loop3A_201 = arith.index_cast %parallel_loop3A_200 : i32 to index
        %parallel_loop3A_202 = arith.index_cast %parallel_loop3A_114 : i32 to index
        %parallel_loop3A_203 = tpu.vector_load %arg8[%parallel_loop3A_201, %parallel_loop3A_202] {strides = array<i32>} : memref<8x2048xf32, #tpu.memory_space<vmem>>, vector<16xf32>,
        tpu.vector_store %arg8[%parallel_loop3A_201, %parallel_loop3A_202], %parallel_loop3A_199 {strides = array<i32>} : memref<8x2048xf32, #tpu.memory_space<vmem>>, vector<16xf32>,
        %parallel_loop3A_204 = tpu.vector_load_idx %arg6[%parallel_loop3A_198, %parallel_loop3A_126] : memref<8x4096xf32, #tpu.memory_space<vmem>>[vector<16xi32>, vector<16xi32>], vector<16xf32>,
        %parallel_loop3A_205 = arith.constant 16 : i32
        %parallel_loop3A_206 = arith.addi %parallel_loop3A_114, %parallel_loop3A_205 : i32
        %parallel_loop3A_207 = arith.constant 5 : i32
        %parallel_loop3A_208 = arith.index_cast %parallel_loop3A_207 : i32 to index
        %parallel_loop3A_209 = arith.index_cast %parallel_loop3A_206 : i32 to index
        %parallel_loop3A_210 = tpu.vector_load %arg8[%parallel_loop3A_208, %parallel_loop3A_209] {strides = array<i32>} : memref<8x2048xf32, #tpu.memory_space<vmem>>, vector<16xf32>,
        tpu.vector_store %arg8[%parallel_loop3A_208, %parallel_loop3A_209], %parallel_loop3A_204 {strides = array<i32>} : memref<8x2048xf32, #tpu.memory_space<vmem>>, vector<16xf32>,
        %parallel_loop3A_211 = arith.constant 6 : i32
        %parallel_loop3A_212 = vector.broadcast %parallel_loop3A_211 : i32 to vector<16xi32>
        %parallel_loop3A_213 = tpu.vector_load_idx %arg6[%parallel_loop3A_212, %parallel_loop3A_123] : memref<8x4096xf32, #tpu.memory_space<vmem>>[vector<16xi32>, vector<16xi32>], vector<16xf32>,
        %parallel_loop3A_214 = arith.constant 6 : i32
        %parallel_loop3A_215 = arith.index_cast %parallel_loop3A_214 : i32 to index
        %parallel_loop3A_216 = arith.index_cast %parallel_loop3A_114 : i32 to index
        %parallel_loop3A_217 = tpu.vector_load %arg8[%parallel_loop3A_215, %parallel_loop3A_216] {strides = array<i32>} : memref<8x2048xf32, #tpu.memory_space<vmem>>, vector<16xf32>,
        tpu.vector_store %arg8[%parallel_loop3A_215, %parallel_loop3A_216], %parallel_loop3A_213 {strides = array<i32>} : memref<8x2048xf32, #tpu.memory_space<vmem>>, vector<16xf32>,
        %parallel_loop3A_218 = tpu.vector_load_idx %arg6[%parallel_loop3A_212, %parallel_loop3A_126] : memref<8x4096xf32, #tpu.memory_space<vmem>>[vector<16xi32>, vector<16xi32>], vector<16xf32>,
        %parallel_loop3A_219 = arith.constant 16 : i32
        %parallel_loop3A_220 = arith.addi %parallel_loop3A_114, %parallel_loop3A_219 : i32
        %parallel_loop3A_221 = arith.constant 6 : i32
        %parallel_loop3A_222 = arith.index_cast %parallel_loop3A_221 : i32 to index
        %parallel_loop3A_223 = arith.index_cast %parallel_loop3A_220 : i32 to index
        %parallel_loop3A_224 = tpu.vector_load %arg8[%parallel_loop3A_222, %parallel_loop3A_223] {strides = array<i32>} : memref<8x2048xf32, #tpu.memory_space<vmem>>, vector<16xf32>,
        tpu.vector_store %arg8[%parallel_loop3A_222, %parallel_loop3A_223], %parallel_loop3A_218 {strides = array<i32>} : memref<8x2048xf32, #tpu.memory_space<vmem>>, vector<16xf32>,
        %parallel_loop3A_225 = arith.constant 7 : i32
        %parallel_loop3A_226 = vector.broadcast %parallel_loop3A_225 : i32 to vector<16xi32>
        %parallel_loop3A_227 = tpu.vector_load_idx %arg6[%parallel_loop3A_226, %parallel_loop3A_123] : memref<8x4096xf32, #tpu.memory_space<vmem>>[vector<16xi32>, vector<16xi32>], vector<16xf32>,
        %parallel_loop3A_228 = arith.constant 7 : i32
        %parallel_loop3A_229 = arith.index_cast %parallel_loop3A_228 : i32 to index
        %parallel_loop3A_230 = arith.index_cast %parallel_loop3A_114 : i32 to index
        %parallel_loop3A_231 = tpu.vector_load %arg8[%parallel_loop3A_229, %parallel_loop3A_230] {strides = array<i32>} : memref<8x2048xf32, #tpu.memory_space<vmem>>, vector<16xf32>,
        tpu.vector_store %arg8[%parallel_loop3A_229, %parallel_loop3A_230], %parallel_loop3A_227 {strides = array<i32>} : memref<8x2048xf32, #tpu.memory_space<vmem>>, vector<16xf32>,
        %parallel_loop3A_232 = tpu.vector_load_idx %arg6[%parallel_loop3A_226, %parallel_loop3A_126] : memref<8x4096xf32, #tpu.memory_space<vmem>>[vector<16xi32>, vector<16xi32>], vector<16xf32>,
        %parallel_loop3A_233 = arith.constant 16 : i32
        %parallel_loop3A_234 = arith.addi %parallel_loop3A_114, %parallel_loop3A_233 : i32
        %parallel_loop3A_235 = arith.constant 7 : i32
        %parallel_loop3A_236 = arith.index_cast %parallel_loop3A_235 : i32 to index
        %parallel_loop3A_237 = arith.index_cast %parallel_loop3A_234 : i32 to index
        %parallel_loop3A_238 = tpu.vector_load %arg8[%parallel_loop3A_236, %parallel_loop3A_237] {strides = array<i32>} : memref<8x2048xf32, #tpu.memory_space<vmem>>, vector<16xf32>,
        tpu.vector_store %arg8[%parallel_loop3A_236, %parallel_loop3A_237], %parallel_loop3A_232 {strides = array<i32>} : memref<8x2048xf32, #tpu.memory_space<vmem>>, vector<16xf32>,
      } {sc.loop_unroll_factor = 4 : i64, sc.parallel_access}
      %mul3A_44 = arith.constant 8 : i32
      %mul3A_45 = arith.muli %mul3A_26, %mul3A_44 : i32
      %add3A_46 = arith.addi %mul3A_2, %mul3A_45 : i32
      %dma_start3A_47 = arith.constant 0 : i32
      %dma_start3A_48 = tpu.memref_slice %arg4[%add3A_46, %dma_start3A_47] : memref<8192x4096xf32, #tpu.memory_space<hbm>> -> memref<8x2048xf32, #tpu.memory_space<hbm>>
      %dma_start3A_49 = arith.constant 0 : i32
      %dma_start3A_50 = tpu.memref_slice %arg4[%add3A_46, %dma_start3A_49] : memref<8192x4096xf32, #tpu.memory_space<hbm>> -> memref<8x2048xf32, #tpu.memory_space<hbm>>
      tpu.enqueue_dma source(%arg8 : memref<8x2048xf32, #tpu.memory_space<vmem>>) target(%dma_start3A_50 : memref<8x2048xf32, #tpu.memory_space<hbm>>) target_semaphore(%arg12 : memref<!tpu.dma_semaphore, #tpu.memory_space<semaphore_mem>>)
      %gt3A_51 = arith.constant 0 : i32
      %gt3A_52 = arith.cmpi sgt, %mul3A_26, %gt3A_51 : i32
      %convert_element_type3A_53 = arith.extui %gt3A_52 : i1 to i32
      %cond3A_54 = arith.constant 0 : i32
      %cond3A_55 = arith.cmpi ne, %convert_element_type3A_53, %cond3A_54 : i32
      scf.if %cond3A_55 {
        %sub3A = arith.constant 1 : i32
        %sub3A_112 = arith.subi %mul3A_26, %sub3A : i32
        %mul3A_113 = arith.constant 8 : i32
        %mul3A_114 = arith.muli %sub3A_112, %mul3A_113 : i32
        %add3A_115 = arith.addi %mul3A_2, %mul3A_114 : i32
        %dma_wait3A_116 = arith.constant 2048 : i32
        %dma_wait3A_117 = tpu.memref_slice %arg4[%add3A_115, %dma_wait3A_116] : memref<8192x4096xf32, #tpu.memory_space<hbm>> -> memref<8x2048xf32, #tpu.memory_space<hbm>>
        %dma_wait3A_118 = arith.constant 2048 : i32
        %dma_wait3A_119 = tpu.memref_slice %arg4[%add3A_115, %dma_wait3A_118] : memref<8192x4096xf32, #tpu.memory_space<hbm>> -> memref<8x2048xf32, #tpu.memory_space<hbm>>
        tpu.wait_dma2 semaphore(%arg13 : memref<!tpu.dma_semaphore, #tpu.memory_space<semaphore_mem>>) src(%arg9 : memref<8x2048xf32, #tpu.memory_space<vmem>>) dst(%dma_wait3A_119 : memref<8x2048xf32, #tpu.memory_space<hbm>>)
      } else {
      }
      %parallel_loop3A_56 = arith.constant 0 : i32
      %parallel_loop3A_57 = arith.constant 64 : i32
      %parallel_loop3A_58 = arith.constant 1 : i32
      scf.for %parallel_loop3A_112 = %parallel_loop3A_56 to %parallel_loop3A_57 step %parallel_loop3A_58  : i32 {
        %parallel_loop3A_113 = arith.constant 32 : i32
        %parallel_loop3A_114 = arith.muli %parallel_loop3A_112, %parallel_loop3A_113 : i32
        %parallel_loop3A_115 = arith.constant 16 : i32
        %parallel_loop3A_116 = arith.muli %parallel_loop3A_112, %parallel_loop3A_115 : i32
        %parallel_loop3A_117 = arith.constant 1024 : i32
        %parallel_loop3A_118 = arith.addi %parallel_loop3A_117, %parallel_loop3A_116 : i32
        %parallel_loop3A_119 = arith.index_cast %parallel_loop3A_118 : i32 to index
        %parallel_loop3A_120 = tpu.vector_load %arg5[%parallel_loop3A_119] {strides = array<i32>} : memref<2048xi32, #tpu.memory_space<vmem>>, vector<16xi32>,
        %parallel_loop3A_121 = arith.constant 65535 : i32
        %parallel_loop3A_122 = vector.broadcast %parallel_loop3A_121 : i32 to vector<16xi32>
        %parallel_loop3A_123 = arith.andi %parallel_loop3A_120, %parallel_loop3A_122 : vector<16xi32>
        %parallel_loop3A_124 = arith.constant 16 : i32
        %parallel_loop3A_125 = vector.broadcast %parallel_loop3A_124 : i32 to vector<16xi32>
        %parallel_loop3A_126 = arith.shrui %parallel_loop3A_120, %parallel_loop3A_125 : vector<16xi32>
        %parallel_loop3A_127 = arith.constant 0 : i32
        %parallel_loop3A_128 = vector.broadcast %parallel_loop3A_127 : i32 to vector<16xi32>
        %parallel_loop3A_129 = tpu.vector_load_idx %arg6[%parallel_loop3A_128, %parallel_loop3A_123] : memref<8x4096xf32, #tpu.memory_space<vmem>>[vector<16xi32>, vector<16xi32>], vector<16xf32>,
        %parallel_loop3A_130 = arith.constant 0 : i32
        %parallel_loop3A_131 = arith.index_cast %parallel_loop3A_130 : i32 to index
        %parallel_loop3A_132 = arith.index_cast %parallel_loop3A_114 : i32 to index
        %parallel_loop3A_133 = tpu.vector_load %arg9[%parallel_loop3A_131, %parallel_loop3A_132] {strides = array<i32>} : memref<8x2048xf32, #tpu.memory_space<vmem>>, vector<16xf32>,
        tpu.vector_store %arg9[%parallel_loop3A_131, %parallel_loop3A_132], %parallel_loop3A_129 {strides = array<i32>} : memref<8x2048xf32, #tpu.memory_space<vmem>>, vector<16xf32>,
        %parallel_loop3A_134 = tpu.vector_load_idx %arg6[%parallel_loop3A_128, %parallel_loop3A_126] : memref<8x4096xf32, #tpu.memory_space<vmem>>[vector<16xi32>, vector<16xi32>], vector<16xf32>,
        %parallel_loop3A_135 = arith.constant 16 : i32
        %parallel_loop3A_136 = arith.addi %parallel_loop3A_114, %parallel_loop3A_135 : i32
        %parallel_loop3A_137 = arith.constant 0 : i32
        %parallel_loop3A_138 = arith.index_cast %parallel_loop3A_137 : i32 to index
        %parallel_loop3A_139 = arith.index_cast %parallel_loop3A_136 : i32 to index
        %parallel_loop3A_140 = tpu.vector_load %arg9[%parallel_loop3A_138, %parallel_loop3A_139] {strides = array<i32>} : memref<8x2048xf32, #tpu.memory_space<vmem>>, vector<16xf32>,
        tpu.vector_store %arg9[%parallel_loop3A_138, %parallel_loop3A_139], %parallel_loop3A_134 {strides = array<i32>} : memref<8x2048xf32, #tpu.memory_space<vmem>>, vector<16xf32>,
        %parallel_loop3A_141 = arith.constant 1 : i32
        %parallel_loop3A_142 = vector.broadcast %parallel_loop3A_141 : i32 to vector<16xi32>
        %parallel_loop3A_143 = tpu.vector_load_idx %arg6[%parallel_loop3A_142, %parallel_loop3A_123] : memref<8x4096xf32, #tpu.memory_space<vmem>>[vector<16xi32>, vector<16xi32>], vector<16xf32>,
        %parallel_loop3A_144 = arith.constant 1 : i32
        %parallel_loop3A_145 = arith.index_cast %parallel_loop3A_144 : i32 to index
        %parallel_loop3A_146 = arith.index_cast %parallel_loop3A_114 : i32 to index
        %parallel_loop3A_147 = tpu.vector_load %arg9[%parallel_loop3A_145, %parallel_loop3A_146] {strides = array<i32>} : memref<8x2048xf32, #tpu.memory_space<vmem>>, vector<16xf32>,
        tpu.vector_store %arg9[%parallel_loop3A_145, %parallel_loop3A_146], %parallel_loop3A_143 {strides = array<i32>} : memref<8x2048xf32, #tpu.memory_space<vmem>>, vector<16xf32>,
        %parallel_loop3A_148 = tpu.vector_load_idx %arg6[%parallel_loop3A_142, %parallel_loop3A_126] : memref<8x4096xf32, #tpu.memory_space<vmem>>[vector<16xi32>, vector<16xi32>], vector<16xf32>,
        %parallel_loop3A_149 = arith.constant 16 : i32
        %parallel_loop3A_150 = arith.addi %parallel_loop3A_114, %parallel_loop3A_149 : i32
        %parallel_loop3A_151 = arith.constant 1 : i32
        %parallel_loop3A_152 = arith.index_cast %parallel_loop3A_151 : i32 to index
        %parallel_loop3A_153 = arith.index_cast %parallel_loop3A_150 : i32 to index
        %parallel_loop3A_154 = tpu.vector_load %arg9[%parallel_loop3A_152, %parallel_loop3A_153] {strides = array<i32>} : memref<8x2048xf32, #tpu.memory_space<vmem>>, vector<16xf32>,
        tpu.vector_store %arg9[%parallel_loop3A_152, %parallel_loop3A_153], %parallel_loop3A_148 {strides = array<i32>} : memref<8x2048xf32, #tpu.memory_space<vmem>>, vector<16xf32>,
        %parallel_loop3A_155 = arith.constant 2 : i32
        %parallel_loop3A_156 = vector.broadcast %parallel_loop3A_155 : i32 to vector<16xi32>
        %parallel_loop3A_157 = tpu.vector_load_idx %arg6[%parallel_loop3A_156, %parallel_loop3A_123] : memref<8x4096xf32, #tpu.memory_space<vmem>>[vector<16xi32>, vector<16xi32>], vector<16xf32>,
        %parallel_loop3A_158 = arith.constant 2 : i32
        %parallel_loop3A_159 = arith.index_cast %parallel_loop3A_158 : i32 to index
        %parallel_loop3A_160 = arith.index_cast %parallel_loop3A_114 : i32 to index
        %parallel_loop3A_161 = tpu.vector_load %arg9[%parallel_loop3A_159, %parallel_loop3A_160] {strides = array<i32>} : memref<8x2048xf32, #tpu.memory_space<vmem>>, vector<16xf32>,
        tpu.vector_store %arg9[%parallel_loop3A_159, %parallel_loop3A_160], %parallel_loop3A_157 {strides = array<i32>} : memref<8x2048xf32, #tpu.memory_space<vmem>>, vector<16xf32>,
        %parallel_loop3A_162 = tpu.vector_load_idx %arg6[%parallel_loop3A_156, %parallel_loop3A_126] : memref<8x4096xf32, #tpu.memory_space<vmem>>[vector<16xi32>, vector<16xi32>], vector<16xf32>,
        %parallel_loop3A_163 = arith.constant 16 : i32
        %parallel_loop3A_164 = arith.addi %parallel_loop3A_114, %parallel_loop3A_163 : i32
        %parallel_loop3A_165 = arith.constant 2 : i32
        %parallel_loop3A_166 = arith.index_cast %parallel_loop3A_165 : i32 to index
        %parallel_loop3A_167 = arith.index_cast %parallel_loop3A_164 : i32 to index
        %parallel_loop3A_168 = tpu.vector_load %arg9[%parallel_loop3A_166, %parallel_loop3A_167] {strides = array<i32>} : memref<8x2048xf32, #tpu.memory_space<vmem>>, vector<16xf32>,
        tpu.vector_store %arg9[%parallel_loop3A_166, %parallel_loop3A_167], %parallel_loop3A_162 {strides = array<i32>} : memref<8x2048xf32, #tpu.memory_space<vmem>>, vector<16xf32>,
        %parallel_loop3A_169 = arith.constant 3 : i32
        %parallel_loop3A_170 = vector.broadcast %parallel_loop3A_169 : i32 to vector<16xi32>
        %parallel_loop3A_171 = tpu.vector_load_idx %arg6[%parallel_loop3A_170, %parallel_loop3A_123] : memref<8x4096xf32, #tpu.memory_space<vmem>>[vector<16xi32>, vector<16xi32>], vector<16xf32>,
        %parallel_loop3A_172 = arith.constant 3 : i32
        %parallel_loop3A_173 = arith.index_cast %parallel_loop3A_172 : i32 to index
        %parallel_loop3A_174 = arith.index_cast %parallel_loop3A_114 : i32 to index
        %parallel_loop3A_175 = tpu.vector_load %arg9[%parallel_loop3A_173, %parallel_loop3A_174] {strides = array<i32>} : memref<8x2048xf32, #tpu.memory_space<vmem>>, vector<16xf32>,
        tpu.vector_store %arg9[%parallel_loop3A_173, %parallel_loop3A_174], %parallel_loop3A_171 {strides = array<i32>} : memref<8x2048xf32, #tpu.memory_space<vmem>>, vector<16xf32>,
        %parallel_loop3A_176 = tpu.vector_load_idx %arg6[%parallel_loop3A_170, %parallel_loop3A_126] : memref<8x4096xf32, #tpu.memory_space<vmem>>[vector<16xi32>, vector<16xi32>], vector<16xf32>,
        %parallel_loop3A_177 = arith.constant 16 : i32
        %parallel_loop3A_178 = arith.addi %parallel_loop3A_114, %parallel_loop3A_177 : i32
        %parallel_loop3A_179 = arith.constant 3 : i32
        %parallel_loop3A_180 = arith.index_cast %parallel_loop3A_179 : i32 to index
        %parallel_loop3A_181 = arith.index_cast %parallel_loop3A_178 : i32 to index
        %parallel_loop3A_182 = tpu.vector_load %arg9[%parallel_loop3A_180, %parallel_loop3A_181] {strides = array<i32>} : memref<8x2048xf32, #tpu.memory_space<vmem>>, vector<16xf32>,
        tpu.vector_store %arg9[%parallel_loop3A_180, %parallel_loop3A_181], %parallel_loop3A_176 {strides = array<i32>} : memref<8x2048xf32, #tpu.memory_space<vmem>>, vector<16xf32>,
        %parallel_loop3A_183 = arith.constant 4 : i32
        %parallel_loop3A_184 = vector.broadcast %parallel_loop3A_183 : i32 to vector<16xi32>
        %parallel_loop3A_185 = tpu.vector_load_idx %arg6[%parallel_loop3A_184, %parallel_loop3A_123] : memref<8x4096xf32, #tpu.memory_space<vmem>>[vector<16xi32>, vector<16xi32>], vector<16xf32>,
        %parallel_loop3A_186 = arith.constant 4 : i32
        %parallel_loop3A_187 = arith.index_cast %parallel_loop3A_186 : i32 to index
        %parallel_loop3A_188 = arith.index_cast %parallel_loop3A_114 : i32 to index
        %parallel_loop3A_189 = tpu.vector_load %arg9[%parallel_loop3A_187, %parallel_loop3A_188] {strides = array<i32>} : memref<8x2048xf32, #tpu.memory_space<vmem>>, vector<16xf32>,
        tpu.vector_store %arg9[%parallel_loop3A_187, %parallel_loop3A_188], %parallel_loop3A_185 {strides = array<i32>} : memref<8x2048xf32, #tpu.memory_space<vmem>>, vector<16xf32>,
        %parallel_loop3A_190 = tpu.vector_load_idx %arg6[%parallel_loop3A_184, %parallel_loop3A_126] : memref<8x4096xf32, #tpu.memory_space<vmem>>[vector<16xi32>, vector<16xi32>], vector<16xf32>,
        %parallel_loop3A_191 = arith.constant 16 : i32
        %parallel_loop3A_192 = arith.addi %parallel_loop3A_114, %parallel_loop3A_191 : i32
        %parallel_loop3A_193 = arith.constant 4 : i32
        %parallel_loop3A_194 = arith.index_cast %parallel_loop3A_193 : i32 to index
        %parallel_loop3A_195 = arith.index_cast %parallel_loop3A_192 : i32 to index
        %parallel_loop3A_196 = tpu.vector_load %arg9[%parallel_loop3A_194, %parallel_loop3A_195] {strides = array<i32>} : memref<8x2048xf32, #tpu.memory_space<vmem>>, vector<16xf32>,
        tpu.vector_store %arg9[%parallel_loop3A_194, %parallel_loop3A_195], %parallel_loop3A_190 {strides = array<i32>} : memref<8x2048xf32, #tpu.memory_space<vmem>>, vector<16xf32>,
        %parallel_loop3A_197 = arith.constant 5 : i32
        %parallel_loop3A_198 = vector.broadcast %parallel_loop3A_197 : i32 to vector<16xi32>
        %parallel_loop3A_199 = tpu.vector_load_idx %arg6[%parallel_loop3A_198, %parallel_loop3A_123] : memref<8x4096xf32, #tpu.memory_space<vmem>>[vector<16xi32>, vector<16xi32>], vector<16xf32>,
        %parallel_loop3A_200 = arith.constant 5 : i32
        %parallel_loop3A_201 = arith.index_cast %parallel_loop3A_200 : i32 to index
        %parallel_loop3A_202 = arith.index_cast %parallel_loop3A_114 : i32 to index
        %parallel_loop3A_203 = tpu.vector_load %arg9[%parallel_loop3A_201, %parallel_loop3A_202] {strides = array<i32>} : memref<8x2048xf32, #tpu.memory_space<vmem>>, vector<16xf32>,
        tpu.vector_store %arg9[%parallel_loop3A_201, %parallel_loop3A_202], %parallel_loop3A_199 {strides = array<i32>} : memref<8x2048xf32, #tpu.memory_space<vmem>>, vector<16xf32>,
        %parallel_loop3A_204 = tpu.vector_load_idx %arg6[%parallel_loop3A_198, %parallel_loop3A_126] : memref<8x4096xf32, #tpu.memory_space<vmem>>[vector<16xi32>, vector<16xi32>], vector<16xf32>,
        %parallel_loop3A_205 = arith.constant 16 : i32
        %parallel_loop3A_206 = arith.addi %parallel_loop3A_114, %parallel_loop3A_205 : i32
        %parallel_loop3A_207 = arith.constant 5 : i32
        %parallel_loop3A_208 = arith.index_cast %parallel_loop3A_207 : i32 to index
        %parallel_loop3A_209 = arith.index_cast %parallel_loop3A_206 : i32 to index
        %parallel_loop3A_210 = tpu.vector_load %arg9[%parallel_loop3A_208, %parallel_loop3A_209] {strides = array<i32>} : memref<8x2048xf32, #tpu.memory_space<vmem>>, vector<16xf32>,
        tpu.vector_store %arg9[%parallel_loop3A_208, %parallel_loop3A_209], %parallel_loop3A_204 {strides = array<i32>} : memref<8x2048xf32, #tpu.memory_space<vmem>>, vector<16xf32>,
        %parallel_loop3A_211 = arith.constant 6 : i32
        %parallel_loop3A_212 = vector.broadcast %parallel_loop3A_211 : i32 to vector<16xi32>
        %parallel_loop3A_213 = tpu.vector_load_idx %arg6[%parallel_loop3A_212, %parallel_loop3A_123] : memref<8x4096xf32, #tpu.memory_space<vmem>>[vector<16xi32>, vector<16xi32>], vector<16xf32>,
        %parallel_loop3A_214 = arith.constant 6 : i32
        %parallel_loop3A_215 = arith.index_cast %parallel_loop3A_214 : i32 to index
        %parallel_loop3A_216 = arith.index_cast %parallel_loop3A_114 : i32 to index
        %parallel_loop3A_217 = tpu.vector_load %arg9[%parallel_loop3A_215, %parallel_loop3A_216] {strides = array<i32>} : memref<8x2048xf32, #tpu.memory_space<vmem>>, vector<16xf32>,
        tpu.vector_store %arg9[%parallel_loop3A_215, %parallel_loop3A_216], %parallel_loop3A_213 {strides = array<i32>} : memref<8x2048xf32, #tpu.memory_space<vmem>>, vector<16xf32>,
        %parallel_loop3A_218 = tpu.vector_load_idx %arg6[%parallel_loop3A_212, %parallel_loop3A_126] : memref<8x4096xf32, #tpu.memory_space<vmem>>[vector<16xi32>, vector<16xi32>], vector<16xf32>,
        %parallel_loop3A_219 = arith.constant 16 : i32
        %parallel_loop3A_220 = arith.addi %parallel_loop3A_114, %parallel_loop3A_219 : i32
        %parallel_loop3A_221 = arith.constant 6 : i32
        %parallel_loop3A_222 = arith.index_cast %parallel_loop3A_221 : i32 to index
        %parallel_loop3A_223 = arith.index_cast %parallel_loop3A_220 : i32 to index
        %parallel_loop3A_224 = tpu.vector_load %arg9[%parallel_loop3A_222, %parallel_loop3A_223] {strides = array<i32>} : memref<8x2048xf32, #tpu.memory_space<vmem>>, vector<16xf32>,
        tpu.vector_store %arg9[%parallel_loop3A_222, %parallel_loop3A_223], %parallel_loop3A_218 {strides = array<i32>} : memref<8x2048xf32, #tpu.memory_space<vmem>>, vector<16xf32>,
        %parallel_loop3A_225 = arith.constant 7 : i32
        %parallel_loop3A_226 = vector.broadcast %parallel_loop3A_225 : i32 to vector<16xi32>
        %parallel_loop3A_227 = tpu.vector_load_idx %arg6[%parallel_loop3A_226, %parallel_loop3A_123] : memref<8x4096xf32, #tpu.memory_space<vmem>>[vector<16xi32>, vector<16xi32>], vector<16xf32>,
        %parallel_loop3A_228 = arith.constant 7 : i32
        %parallel_loop3A_229 = arith.index_cast %parallel_loop3A_228 : i32 to index
        %parallel_loop3A_230 = arith.index_cast %parallel_loop3A_114 : i32 to index
        %parallel_loop3A_231 = tpu.vector_load %arg9[%parallel_loop3A_229, %parallel_loop3A_230] {strides = array<i32>} : memref<8x2048xf32, #tpu.memory_space<vmem>>, vector<16xf32>,
        tpu.vector_store %arg9[%parallel_loop3A_229, %parallel_loop3A_230], %parallel_loop3A_227 {strides = array<i32>} : memref<8x2048xf32, #tpu.memory_space<vmem>>, vector<16xf32>,
        %parallel_loop3A_232 = tpu.vector_load_idx %arg6[%parallel_loop3A_226, %parallel_loop3A_126] : memref<8x4096xf32, #tpu.memory_space<vmem>>[vector<16xi32>, vector<16xi32>], vector<16xf32>,
        %parallel_loop3A_233 = arith.constant 16 : i32
        %parallel_loop3A_234 = arith.addi %parallel_loop3A_114, %parallel_loop3A_233 : i32
        %parallel_loop3A_235 = arith.constant 7 : i32
        %parallel_loop3A_236 = arith.index_cast %parallel_loop3A_235 : i32 to index
        %parallel_loop3A_237 = arith.index_cast %parallel_loop3A_234 : i32 to index
        %parallel_loop3A_238 = tpu.vector_load %arg9[%parallel_loop3A_236, %parallel_loop3A_237] {strides = array<i32>} : memref<8x2048xf32, #tpu.memory_space<vmem>>, vector<16xf32>,
        tpu.vector_store %arg9[%parallel_loop3A_236, %parallel_loop3A_237], %parallel_loop3A_232 {strides = array<i32>} : memref<8x2048xf32, #tpu.memory_space<vmem>>, vector<16xf32>,
      } {sc.loop_unroll_factor = 4 : i64, sc.parallel_access}
      %mul3A_59 = arith.constant 8 : i32
      %mul3A_60 = arith.muli %mul3A_26, %mul3A_59 : i32
      %add3A_61 = arith.addi %mul3A_2, %mul3A_60 : i32
      %dma_start3A_62 = arith.constant 2048 : i32
      %dma_start3A_63 = tpu.memref_slice %arg4[%add3A_61, %dma_start3A_62] : memref<8192x4096xf32, #tpu.memory_space<hbm>> -> memref<8x2048xf32, #tpu.memory_space<hbm>>
      %dma_start3A_64 = arith.constant 2048 : i32
      %dma_start3A_65 = tpu.memref_slice %arg4[%add3A_61, %dma_start3A_64] : memref<8192x4096xf32, #tpu.memory_space<hbm>> -> memref<8x2048xf32, #tpu.memory_space<hbm>>
      tpu.enqueue_dma source(%arg9 : memref<8x2048xf32, #tpu.memory_space<vmem>>) target(%dma_start3A_65 : memref<8x2048xf32, #tpu.memory_space<hbm>>) target_semaphore(%arg13 : memref<!tpu.dma_semaphore, #tpu.memory_space<semaphore_mem>>)
      %add3A_66 = arith.constant 1 : i32
      %add3A_67 = arith.addi %mul3A_26, %add3A_66 : i32
      %add3A_68 = arith.constant 1 : i32
      %add3A_69 = arith.addi %add3A_67, %add3A_68 : i32
      %lt3A_70 = arith.constant 32 : i32
      %lt3A_71 = arith.cmpi slt, %add3A_69, %lt3A_70 : i32
      %convert_element_type3A_72 = arith.extui %lt3A_71 : i1 to i32
      %cond3A_73 = arith.constant 0 : i32
      %cond3A_74 = arith.cmpi ne, %convert_element_type3A_72, %cond3A_73 : i32
      scf.if %cond3A_74 {
        %add3A_112 = arith.constant 1 : i32
        %add3A_113 = arith.addi %add3A_67, %add3A_112 : i32
        %mul3A_114 = arith.constant 8 : i32
        %mul3A_115 = arith.muli %add3A_113, %mul3A_114 : i32
        %add3A_116 = arith.addi %mul3A_2, %mul3A_115 : i32
        %dma_start3A_117 = arith.constant 0 : i32
        %dma_start3A_118 = tpu.memref_slice %arg2[%add3A_116, %dma_start3A_117] : memref<8192x4096xf32, #tpu.memory_space<hbm>> -> memref<8x4096xf32, #tpu.memory_space<hbm>>
        %dma_start3A_119 = arith.constant 0 : i32
        %dma_start3A_120 = tpu.memref_slice %arg2[%add3A_116, %dma_start3A_119] : memref<8192x4096xf32, #tpu.memory_space<hbm>> -> memref<8x4096xf32, #tpu.memory_space<hbm>>
        tpu.enqueue_dma source(%dma_start3A_120 : memref<8x4096xf32, #tpu.memory_space<hbm>>) target(%arg6 : memref<8x4096xf32, #tpu.memory_space<vmem>>) target_semaphore(%arg10 : memref<!tpu.dma_semaphore, #tpu.memory_space<semaphore_mem>>)
      } else {
      }
      %mul3A_75 = arith.constant 8 : i32
      %mul3A_76 = arith.muli %add3A_67, %mul3A_75 : i32
      %add3A_77 = arith.addi %mul3A_2, %mul3A_76 : i32
      %dma_wait3A_78 = arith.constant 0 : i32
      %dma_wait3A_79 = tpu.memref_slice %arg2[%add3A_77, %dma_wait3A_78] : memref<8192x4096xf32, #tpu.memory_space<hbm>> -> memref<8x4096xf32, #tpu.memory_space<hbm>>
      %dma_wait3A_80 = arith.constant 0 : i32
      %dma_wait3A_81 = tpu.memref_slice %arg2[%add3A_77, %dma_wait3A_80] : memref<8192x4096xf32, #tpu.memory_space<hbm>> -> memref<8x4096xf32, #tpu.memory_space<hbm>>
      tpu.wait_dma2 semaphore(%arg11 : memref<!tpu.dma_semaphore, #tpu.memory_space<semaphore_mem>>) src(%dma_wait3A_81 : memref<8x4096xf32, #tpu.memory_space<hbm>>) dst(%arg7 : memref<8x4096xf32, #tpu.memory_space<vmem>>)
      %gt3A_82 = arith.constant 0 : i32
      %gt3A_83 = arith.cmpi sgt, %add3A_67, %gt3A_82 : i32
      %convert_element_type3A_84 = arith.extui %gt3A_83 : i1 to i32
      %cond3A_85 = arith.constant 0 : i32
      %cond3A_86 = arith.cmpi ne, %convert_element_type3A_84, %cond3A_85 : i32
      scf.if %cond3A_86 {
        %sub3A = arith.constant 1 : i32
        %sub3A_112 = arith.subi %add3A_67, %sub3A : i32
        %mul3A_113 = arith.constant 8 : i32
        %mul3A_114 = arith.muli %sub3A_112, %mul3A_113 : i32
        %add3A_115 = arith.addi %mul3A_2, %mul3A_114 : i32
        %dma_wait3A_116 = arith.constant 0 : i32
        %dma_wait3A_117 = tpu.memref_slice %arg4[%add3A_115, %dma_wait3A_116] : memref<8192x4096xf32, #tpu.memory_space<hbm>> -> memref<8x2048xf32, #tpu.memory_space<hbm>>
        %dma_wait3A_118 = arith.constant 0 : i32
        %dma_wait3A_119 = tpu.memref_slice %arg4[%add3A_115, %dma_wait3A_118] : memref<8192x4096xf32, #tpu.memory_space<hbm>> -> memref<8x2048xf32, #tpu.memory_space<hbm>>
        tpu.wait_dma2 semaphore(%arg12 : memref<!tpu.dma_semaphore, #tpu.memory_space<semaphore_mem>>) src(%arg8 : memref<8x2048xf32, #tpu.memory_space<vmem>>) dst(%dma_wait3A_119 : memref<8x2048xf32, #tpu.memory_space<hbm>>)
      } else {
      }
      %parallel_loop3A_87 = arith.constant 0 : i32
      %parallel_loop3A_88 = arith.constant 64 : i32
      %parallel_loop3A_89 = arith.constant 1 : i32
      scf.for %parallel_loop3A_112 = %parallel_loop3A_87 to %parallel_loop3A_88 step %parallel_loop3A_89  : i32 {
        %parallel_loop3A_113 = arith.constant 32 : i32
        %parallel_loop3A_114 = arith.muli %parallel_loop3A_112, %parallel_loop3A_113 : i32
        %parallel_loop3A_115 = arith.constant 16 : i32
        %parallel_loop3A_116 = arith.muli %parallel_loop3A_112, %parallel_loop3A_115 : i32
        %parallel_loop3A_117 = arith.constant 0 : i32
        %parallel_loop3A_118 = arith.addi %parallel_loop3A_117, %parallel_loop3A_116 : i32
        %parallel_loop3A_119 = arith.index_cast %parallel_loop3A_118 : i32 to index
        %parallel_loop3A_120 = tpu.vector_load %arg5[%parallel_loop3A_119] {strides = array<i32>} : memref<2048xi32, #tpu.memory_space<vmem>>, vector<16xi32>,
        %parallel_loop3A_121 = arith.constant 65535 : i32
        %parallel_loop3A_122 = vector.broadcast %parallel_loop3A_121 : i32 to vector<16xi32>
        %parallel_loop3A_123 = arith.andi %parallel_loop3A_120, %parallel_loop3A_122 : vector<16xi32>
        %parallel_loop3A_124 = arith.constant 16 : i32
        %parallel_loop3A_125 = vector.broadcast %parallel_loop3A_124 : i32 to vector<16xi32>
        %parallel_loop3A_126 = arith.shrui %parallel_loop3A_120, %parallel_loop3A_125 : vector<16xi32>
        %parallel_loop3A_127 = arith.constant 0 : i32
        %parallel_loop3A_128 = vector.broadcast %parallel_loop3A_127 : i32 to vector<16xi32>
        %parallel_loop3A_129 = tpu.vector_load_idx %arg7[%parallel_loop3A_128, %parallel_loop3A_123] : memref<8x4096xf32, #tpu.memory_space<vmem>>[vector<16xi32>, vector<16xi32>], vector<16xf32>,
        %parallel_loop3A_130 = arith.constant 0 : i32
        %parallel_loop3A_131 = arith.index_cast %parallel_loop3A_130 : i32 to index
        %parallel_loop3A_132 = arith.index_cast %parallel_loop3A_114 : i32 to index
        %parallel_loop3A_133 = tpu.vector_load %arg8[%parallel_loop3A_131, %parallel_loop3A_132] {strides = array<i32>} : memref<8x2048xf32, #tpu.memory_space<vmem>>, vector<16xf32>,
        tpu.vector_store %arg8[%parallel_loop3A_131, %parallel_loop3A_132], %parallel_loop3A_129 {strides = array<i32>} : memref<8x2048xf32, #tpu.memory_space<vmem>>, vector<16xf32>,
        %parallel_loop3A_134 = tpu.vector_load_idx %arg7[%parallel_loop3A_128, %parallel_loop3A_126] : memref<8x4096xf32, #tpu.memory_space<vmem>>[vector<16xi32>, vector<16xi32>], vector<16xf32>,
        %parallel_loop3A_135 = arith.constant 16 : i32
        %parallel_loop3A_136 = arith.addi %parallel_loop3A_114, %parallel_loop3A_135 : i32
        %parallel_loop3A_137 = arith.constant 0 : i32
        %parallel_loop3A_138 = arith.index_cast %parallel_loop3A_137 : i32 to index
        %parallel_loop3A_139 = arith.index_cast %parallel_loop3A_136 : i32 to index
        %parallel_loop3A_140 = tpu.vector_load %arg8[%parallel_loop3A_138, %parallel_loop3A_139] {strides = array<i32>} : memref<8x2048xf32, #tpu.memory_space<vmem>>, vector<16xf32>,
        tpu.vector_store %arg8[%parallel_loop3A_138, %parallel_loop3A_139], %parallel_loop3A_134 {strides = array<i32>} : memref<8x2048xf32, #tpu.memory_space<vmem>>, vector<16xf32>,
        %parallel_loop3A_141 = arith.constant 1 : i32
        %parallel_loop3A_142 = vector.broadcast %parallel_loop3A_141 : i32 to vector<16xi32>
        %parallel_loop3A_143 = tpu.vector_load_idx %arg7[%parallel_loop3A_142, %parallel_loop3A_123] : memref<8x4096xf32, #tpu.memory_space<vmem>>[vector<16xi32>, vector<16xi32>], vector<16xf32>,
        %parallel_loop3A_144 = arith.constant 1 : i32
        %parallel_loop3A_145 = arith.index_cast %parallel_loop3A_144 : i32 to index
        %parallel_loop3A_146 = arith.index_cast %parallel_loop3A_114 : i32 to index
        %parallel_loop3A_147 = tpu.vector_load %arg8[%parallel_loop3A_145, %parallel_loop3A_146] {strides = array<i32>} : memref<8x2048xf32, #tpu.memory_space<vmem>>, vector<16xf32>,
        tpu.vector_store %arg8[%parallel_loop3A_145, %parallel_loop3A_146], %parallel_loop3A_143 {strides = array<i32>} : memref<8x2048xf32, #tpu.memory_space<vmem>>, vector<16xf32>,
        %parallel_loop3A_148 = tpu.vector_load_idx %arg7[%parallel_loop3A_142, %parallel_loop3A_126] : memref<8x4096xf32, #tpu.memory_space<vmem>>[vector<16xi32>, vector<16xi32>], vector<16xf32>,
        %parallel_loop3A_149 = arith.constant 16 : i32
        %parallel_loop3A_150 = arith.addi %parallel_loop3A_114, %parallel_loop3A_149 : i32
        %parallel_loop3A_151 = arith.constant 1 : i32
        %parallel_loop3A_152 = arith.index_cast %parallel_loop3A_151 : i32 to index
        %parallel_loop3A_153 = arith.index_cast %parallel_loop3A_150 : i32 to index
        %parallel_loop3A_154 = tpu.vector_load %arg8[%parallel_loop3A_152, %parallel_loop3A_153] {strides = array<i32>} : memref<8x2048xf32, #tpu.memory_space<vmem>>, vector<16xf32>,
        tpu.vector_store %arg8[%parallel_loop3A_152, %parallel_loop3A_153], %parallel_loop3A_148 {strides = array<i32>} : memref<8x2048xf32, #tpu.memory_space<vmem>>, vector<16xf32>,
        %parallel_loop3A_155 = arith.constant 2 : i32
        %parallel_loop3A_156 = vector.broadcast %parallel_loop3A_155 : i32 to vector<16xi32>
        %parallel_loop3A_157 = tpu.vector_load_idx %arg7[%parallel_loop3A_156, %parallel_loop3A_123] : memref<8x4096xf32, #tpu.memory_space<vmem>>[vector<16xi32>, vector<16xi32>], vector<16xf32>,
        %parallel_loop3A_158 = arith.constant 2 : i32
        %parallel_loop3A_159 = arith.index_cast %parallel_loop3A_158 : i32 to index
        %parallel_loop3A_160 = arith.index_cast %parallel_loop3A_114 : i32 to index
        %parallel_loop3A_161 = tpu.vector_load %arg8[%parallel_loop3A_159, %parallel_loop3A_160] {strides = array<i32>} : memref<8x2048xf32, #tpu.memory_space<vmem>>, vector<16xf32>,
        tpu.vector_store %arg8[%parallel_loop3A_159, %parallel_loop3A_160], %parallel_loop3A_157 {strides = array<i32>} : memref<8x2048xf32, #tpu.memory_space<vmem>>, vector<16xf32>,
        %parallel_loop3A_162 = tpu.vector_load_idx %arg7[%parallel_loop3A_156, %parallel_loop3A_126] : memref<8x4096xf32, #tpu.memory_space<vmem>>[vector<16xi32>, vector<16xi32>], vector<16xf32>,
        %parallel_loop3A_163 = arith.constant 16 : i32
        %parallel_loop3A_164 = arith.addi %parallel_loop3A_114, %parallel_loop3A_163 : i32
        %parallel_loop3A_165 = arith.constant 2 : i32
        %parallel_loop3A_166 = arith.index_cast %parallel_loop3A_165 : i32 to index
        %parallel_loop3A_167 = arith.index_cast %parallel_loop3A_164 : i32 to index
        %parallel_loop3A_168 = tpu.vector_load %arg8[%parallel_loop3A_166, %parallel_loop3A_167] {strides = array<i32>} : memref<8x2048xf32, #tpu.memory_space<vmem>>, vector<16xf32>,
        tpu.vector_store %arg8[%parallel_loop3A_166, %parallel_loop3A_167], %parallel_loop3A_162 {strides = array<i32>} : memref<8x2048xf32, #tpu.memory_space<vmem>>, vector<16xf32>,
        %parallel_loop3A_169 = arith.constant 3 : i32
        %parallel_loop3A_170 = vector.broadcast %parallel_loop3A_169 : i32 to vector<16xi32>
        %parallel_loop3A_171 = tpu.vector_load_idx %arg7[%parallel_loop3A_170, %parallel_loop3A_123] : memref<8x4096xf32, #tpu.memory_space<vmem>>[vector<16xi32>, vector<16xi32>], vector<16xf32>,
        %parallel_loop3A_172 = arith.constant 3 : i32
        %parallel_loop3A_173 = arith.index_cast %parallel_loop3A_172 : i32 to index
        %parallel_loop3A_174 = arith.index_cast %parallel_loop3A_114 : i32 to index
        %parallel_loop3A_175 = tpu.vector_load %arg8[%parallel_loop3A_173, %parallel_loop3A_174] {strides = array<i32>} : memref<8x2048xf32, #tpu.memory_space<vmem>>, vector<16xf32>,
        tpu.vector_store %arg8[%parallel_loop3A_173, %parallel_loop3A_174], %parallel_loop3A_171 {strides = array<i32>} : memref<8x2048xf32, #tpu.memory_space<vmem>>, vector<16xf32>,
        %parallel_loop3A_176 = tpu.vector_load_idx %arg7[%parallel_loop3A_170, %parallel_loop3A_126] : memref<8x4096xf32, #tpu.memory_space<vmem>>[vector<16xi32>, vector<16xi32>], vector<16xf32>,
        %parallel_loop3A_177 = arith.constant 16 : i32
        %parallel_loop3A_178 = arith.addi %parallel_loop3A_114, %parallel_loop3A_177 : i32
        %parallel_loop3A_179 = arith.constant 3 : i32
        %parallel_loop3A_180 = arith.index_cast %parallel_loop3A_179 : i32 to index
        %parallel_loop3A_181 = arith.index_cast %parallel_loop3A_178 : i32 to index
        %parallel_loop3A_182 = tpu.vector_load %arg8[%parallel_loop3A_180, %parallel_loop3A_181] {strides = array<i32>} : memref<8x2048xf32, #tpu.memory_space<vmem>>, vector<16xf32>,
        tpu.vector_store %arg8[%parallel_loop3A_180, %parallel_loop3A_181], %parallel_loop3A_176 {strides = array<i32>} : memref<8x2048xf32, #tpu.memory_space<vmem>>, vector<16xf32>,
        %parallel_loop3A_183 = arith.constant 4 : i32
        %parallel_loop3A_184 = vector.broadcast %parallel_loop3A_183 : i32 to vector<16xi32>
        %parallel_loop3A_185 = tpu.vector_load_idx %arg7[%parallel_loop3A_184, %parallel_loop3A_123] : memref<8x4096xf32, #tpu.memory_space<vmem>>[vector<16xi32>, vector<16xi32>], vector<16xf32>,
        %parallel_loop3A_186 = arith.constant 4 : i32
        %parallel_loop3A_187 = arith.index_cast %parallel_loop3A_186 : i32 to index
        %parallel_loop3A_188 = arith.index_cast %parallel_loop3A_114 : i32 to index
        %parallel_loop3A_189 = tpu.vector_load %arg8[%parallel_loop3A_187, %parallel_loop3A_188] {strides = array<i32>} : memref<8x2048xf32, #tpu.memory_space<vmem>>, vector<16xf32>,
        tpu.vector_store %arg8[%parallel_loop3A_187, %parallel_loop3A_188], %parallel_loop3A_185 {strides = array<i32>} : memref<8x2048xf32, #tpu.memory_space<vmem>>, vector<16xf32>,
        %parallel_loop3A_190 = tpu.vector_load_idx %arg7[%parallel_loop3A_184, %parallel_loop3A_126] : memref<8x4096xf32, #tpu.memory_space<vmem>>[vector<16xi32>, vector<16xi32>], vector<16xf32>,
        %parallel_loop3A_191 = arith.constant 16 : i32
        %parallel_loop3A_192 = arith.addi %parallel_loop3A_114, %parallel_loop3A_191 : i32
        %parallel_loop3A_193 = arith.constant 4 : i32
        %parallel_loop3A_194 = arith.index_cast %parallel_loop3A_193 : i32 to index
        %parallel_loop3A_195 = arith.index_cast %parallel_loop3A_192 : i32 to index
        %parallel_loop3A_196 = tpu.vector_load %arg8[%parallel_loop3A_194, %parallel_loop3A_195] {strides = array<i32>} : memref<8x2048xf32, #tpu.memory_space<vmem>>, vector<16xf32>,
        tpu.vector_store %arg8[%parallel_loop3A_194, %parallel_loop3A_195], %parallel_loop3A_190 {strides = array<i32>} : memref<8x2048xf32, #tpu.memory_space<vmem>>, vector<16xf32>,
        %parallel_loop3A_197 = arith.constant 5 : i32
        %parallel_loop3A_198 = vector.broadcast %parallel_loop3A_197 : i32 to vector<16xi32>
        %parallel_loop3A_199 = tpu.vector_load_idx %arg7[%parallel_loop3A_198, %parallel_loop3A_123] : memref<8x4096xf32, #tpu.memory_space<vmem>>[vector<16xi32>, vector<16xi32>], vector<16xf32>,
        %parallel_loop3A_200 = arith.constant 5 : i32
        %parallel_loop3A_201 = arith.index_cast %parallel_loop3A_200 : i32 to index
        %parallel_loop3A_202 = arith.index_cast %parallel_loop3A_114 : i32 to index
        %parallel_loop3A_203 = tpu.vector_load %arg8[%parallel_loop3A_201, %parallel_loop3A_202] {strides = array<i32>} : memref<8x2048xf32, #tpu.memory_space<vmem>>, vector<16xf32>,
        tpu.vector_store %arg8[%parallel_loop3A_201, %parallel_loop3A_202], %parallel_loop3A_199 {strides = array<i32>} : memref<8x2048xf32, #tpu.memory_space<vmem>>, vector<16xf32>,
        %parallel_loop3A_204 = tpu.vector_load_idx %arg7[%parallel_loop3A_198, %parallel_loop3A_126] : memref<8x4096xf32, #tpu.memory_space<vmem>>[vector<16xi32>, vector<16xi32>], vector<16xf32>,
        %parallel_loop3A_205 = arith.constant 16 : i32
        %parallel_loop3A_206 = arith.addi %parallel_loop3A_114, %parallel_loop3A_205 : i32
        %parallel_loop3A_207 = arith.constant 5 : i32
        %parallel_loop3A_208 = arith.index_cast %parallel_loop3A_207 : i32 to index
        %parallel_loop3A_209 = arith.index_cast %parallel_loop3A_206 : i32 to index
        %parallel_loop3A_210 = tpu.vector_load %arg8[%parallel_loop3A_208, %parallel_loop3A_209] {strides = array<i32>} : memref<8x2048xf32, #tpu.memory_space<vmem>>, vector<16xf32>,
        tpu.vector_store %arg8[%parallel_loop3A_208, %parallel_loop3A_209], %parallel_loop3A_204 {strides = array<i32>} : memref<8x2048xf32, #tpu.memory_space<vmem>>, vector<16xf32>,
        %parallel_loop3A_211 = arith.constant 6 : i32
        %parallel_loop3A_212 = vector.broadcast %parallel_loop3A_211 : i32 to vector<16xi32>
        %parallel_loop3A_213 = tpu.vector_load_idx %arg7[%parallel_loop3A_212, %parallel_loop3A_123] : memref<8x4096xf32, #tpu.memory_space<vmem>>[vector<16xi32>, vector<16xi32>], vector<16xf32>,
        %parallel_loop3A_214 = arith.constant 6 : i32
        %parallel_loop3A_215 = arith.index_cast %parallel_loop3A_214 : i32 to index
        %parallel_loop3A_216 = arith.index_cast %parallel_loop3A_114 : i32 to index
        %parallel_loop3A_217 = tpu.vector_load %arg8[%parallel_loop3A_215, %parallel_loop3A_216] {strides = array<i32>} : memref<8x2048xf32, #tpu.memory_space<vmem>>, vector<16xf32>,
        tpu.vector_store %arg8[%parallel_loop3A_215, %parallel_loop3A_216], %parallel_loop3A_213 {strides = array<i32>} : memref<8x2048xf32, #tpu.memory_space<vmem>>, vector<16xf32>,
        %parallel_loop3A_218 = tpu.vector_load_idx %arg7[%parallel_loop3A_212, %parallel_loop3A_126] : memref<8x4096xf32, #tpu.memory_space<vmem>>[vector<16xi32>, vector<16xi32>], vector<16xf32>,
        %parallel_loop3A_219 = arith.constant 16 : i32
        %parallel_loop3A_220 = arith.addi %parallel_loop3A_114, %parallel_loop3A_219 : i32
        %parallel_loop3A_221 = arith.constant 6 : i32
        %parallel_loop3A_222 = arith.index_cast %parallel_loop3A_221 : i32 to index
        %parallel_loop3A_223 = arith.index_cast %parallel_loop3A_220 : i32 to index
        %parallel_loop3A_224 = tpu.vector_load %arg8[%parallel_loop3A_222, %parallel_loop3A_223] {strides = array<i32>} : memref<8x2048xf32, #tpu.memory_space<vmem>>, vector<16xf32>,
        tpu.vector_store %arg8[%parallel_loop3A_222, %parallel_loop3A_223], %parallel_loop3A_218 {strides = array<i32>} : memref<8x2048xf32, #tpu.memory_space<vmem>>, vector<16xf32>,
        %parallel_loop3A_225 = arith.constant 7 : i32
        %parallel_loop3A_226 = vector.broadcast %parallel_loop3A_225 : i32 to vector<16xi32>
        %parallel_loop3A_227 = tpu.vector_load_idx %arg7[%parallel_loop3A_226, %parallel_loop3A_123] : memref<8x4096xf32, #tpu.memory_space<vmem>>[vector<16xi32>, vector<16xi32>], vector<16xf32>,
        %parallel_loop3A_228 = arith.constant 7 : i32
        %parallel_loop3A_229 = arith.index_cast %parallel_loop3A_228 : i32 to index
        %parallel_loop3A_230 = arith.index_cast %parallel_loop3A_114 : i32 to index
        %parallel_loop3A_231 = tpu.vector_load %arg8[%parallel_loop3A_229, %parallel_loop3A_230] {strides = array<i32>} : memref<8x2048xf32, #tpu.memory_space<vmem>>, vector<16xf32>,
        tpu.vector_store %arg8[%parallel_loop3A_229, %parallel_loop3A_230], %parallel_loop3A_227 {strides = array<i32>} : memref<8x2048xf32, #tpu.memory_space<vmem>>, vector<16xf32>,
        %parallel_loop3A_232 = tpu.vector_load_idx %arg7[%parallel_loop3A_226, %parallel_loop3A_126] : memref<8x4096xf32, #tpu.memory_space<vmem>>[vector<16xi32>, vector<16xi32>], vector<16xf32>,
        %parallel_loop3A_233 = arith.constant 16 : i32
        %parallel_loop3A_234 = arith.addi %parallel_loop3A_114, %parallel_loop3A_233 : i32
        %parallel_loop3A_235 = arith.constant 7 : i32
        %parallel_loop3A_236 = arith.index_cast %parallel_loop3A_235 : i32 to index
        %parallel_loop3A_237 = arith.index_cast %parallel_loop3A_234 : i32 to index
        %parallel_loop3A_238 = tpu.vector_load %arg8[%parallel_loop3A_236, %parallel_loop3A_237] {strides = array<i32>} : memref<8x2048xf32, #tpu.memory_space<vmem>>, vector<16xf32>,
        tpu.vector_store %arg8[%parallel_loop3A_236, %parallel_loop3A_237], %parallel_loop3A_232 {strides = array<i32>} : memref<8x2048xf32, #tpu.memory_space<vmem>>, vector<16xf32>,
      } {sc.loop_unroll_factor = 4 : i64, sc.parallel_access}
      %mul3A_90 = arith.constant 8 : i32
      %mul3A_91 = arith.muli %add3A_67, %mul3A_90 : i32
      %add3A_92 = arith.addi %mul3A_2, %mul3A_91 : i32
      %dma_start3A_93 = arith.constant 0 : i32
      %dma_start3A_94 = tpu.memref_slice %arg4[%add3A_92, %dma_start3A_93] : memref<8192x4096xf32, #tpu.memory_space<hbm>> -> memref<8x2048xf32, #tpu.memory_space<hbm>>
      %dma_start3A_95 = arith.constant 0 : i32
      %dma_start3A_96 = tpu.memref_slice %arg4[%add3A_92, %dma_start3A_95] : memref<8192x4096xf32, #tpu.memory_space<hbm>> -> memref<8x2048xf32, #tpu.memory_space<hbm>>
      tpu.enqueue_dma source(%arg8 : memref<8x2048xf32, #tpu.memory_space<vmem>>) target(%dma_start3A_96 : memref<8x2048xf32, #tpu.memory_space<hbm>>) target_semaphore(%arg12 : memref<!tpu.dma_semaphore, #tpu.memory_space<semaphore_mem>>)
      %gt3A_97 = arith.constant 0 : i32
      %gt3A_98 = arith.cmpi sgt, %add3A_67, %gt3A_97 : i32
      %convert_element_type3A_99 = arith.extui %gt3A_98 : i1 to i32
      %cond3A_100 = arith.constant 0 : i32
      %cond3A_101 = arith.cmpi ne, %convert_element_type3A_99, %cond3A_100 : i32
      scf.if %cond3A_101 {
        %sub3A = arith.constant 1 : i32
        %sub3A_112 = arith.subi %add3A_67, %sub3A : i32
        %mul3A_113 = arith.constant 8 : i32
        %mul3A_114 = arith.muli %sub3A_112, %mul3A_113 : i32
        %add3A_115 = arith.addi %mul3A_2, %mul3A_114 : i32
        %dma_wait3A_116 = arith.constant 2048 : i32
        %dma_wait3A_117 = tpu.memref_slice %arg4[%add3A_115, %dma_wait3A_116] : memref<8192x4096xf32, #tpu.memory_space<hbm>> -> memref<8x2048xf32, #tpu.memory_space<hbm>>
        %dma_wait3A_118 = arith.constant 2048 : i32
        %dma_wait3A_119 = tpu.memref_slice %arg4[%add3A_115, %dma_wait3A_118] : memref<8192x4096xf32, #tpu.memory_space<hbm>> -> memref<8x2048xf32, #tpu.memory_space<hbm>>
        tpu.wait_dma2 semaphore(%arg13 : memref<!tpu.dma_semaphore, #tpu.memory_space<semaphore_mem>>) src(%arg9 : memref<8x2048xf32, #tpu.memory_space<vmem>>) dst(%dma_wait3A_119 : memref<8x2048xf32, #tpu.memory_space<hbm>>)
      } else {
      }
      %parallel_loop3A_102 = arith.constant 0 : i32
      %parallel_loop3A_103 = arith.constant 64 : i32
      %parallel_loop3A_104 = arith.constant 1 : i32
      scf.for %parallel_loop3A_112 = %parallel_loop3A_102 to %parallel_loop3A_103 step %parallel_loop3A_104  : i32 {
        %parallel_loop3A_113 = arith.constant 32 : i32
        %parallel_loop3A_114 = arith.muli %parallel_loop3A_112, %parallel_loop3A_113 : i32
        %parallel_loop3A_115 = arith.constant 16 : i32
        %parallel_loop3A_116 = arith.muli %parallel_loop3A_112, %parallel_loop3A_115 : i32
        %parallel_loop3A_117 = arith.constant 1024 : i32
        %parallel_loop3A_118 = arith.addi %parallel_loop3A_117, %parallel_loop3A_116 : i32
        %parallel_loop3A_119 = arith.index_cast %parallel_loop3A_118 : i32 to index
        %parallel_loop3A_120 = tpu.vector_load %arg5[%parallel_loop3A_119] {strides = array<i32>} : memref<2048xi32, #tpu.memory_space<vmem>>, vector<16xi32>,
        %parallel_loop3A_121 = arith.constant 65535 : i32
        %parallel_loop3A_122 = vector.broadcast %parallel_loop3A_121 : i32 to vector<16xi32>
        %parallel_loop3A_123 = arith.andi %parallel_loop3A_120, %parallel_loop3A_122 : vector<16xi32>
        %parallel_loop3A_124 = arith.constant 16 : i32
        %parallel_loop3A_125 = vector.broadcast %parallel_loop3A_124 : i32 to vector<16xi32>
        %parallel_loop3A_126 = arith.shrui %parallel_loop3A_120, %parallel_loop3A_125 : vector<16xi32>
        %parallel_loop3A_127 = arith.constant 0 : i32
        %parallel_loop3A_128 = vector.broadcast %parallel_loop3A_127 : i32 to vector<16xi32>
        %parallel_loop3A_129 = tpu.vector_load_idx %arg7[%parallel_loop3A_128, %parallel_loop3A_123] : memref<8x4096xf32, #tpu.memory_space<vmem>>[vector<16xi32>, vector<16xi32>], vector<16xf32>,
        %parallel_loop3A_130 = arith.constant 0 : i32
        %parallel_loop3A_131 = arith.index_cast %parallel_loop3A_130 : i32 to index
        %parallel_loop3A_132 = arith.index_cast %parallel_loop3A_114 : i32 to index
        %parallel_loop3A_133 = tpu.vector_load %arg9[%parallel_loop3A_131, %parallel_loop3A_132] {strides = array<i32>} : memref<8x2048xf32, #tpu.memory_space<vmem>>, vector<16xf32>,
        tpu.vector_store %arg9[%parallel_loop3A_131, %parallel_loop3A_132], %parallel_loop3A_129 {strides = array<i32>} : memref<8x2048xf32, #tpu.memory_space<vmem>>, vector<16xf32>,
        %parallel_loop3A_134 = tpu.vector_load_idx %arg7[%parallel_loop3A_128, %parallel_loop3A_126] : memref<8x4096xf32, #tpu.memory_space<vmem>>[vector<16xi32>, vector<16xi32>], vector<16xf32>,
        %parallel_loop3A_135 = arith.constant 16 : i32
        %parallel_loop3A_136 = arith.addi %parallel_loop3A_114, %parallel_loop3A_135 : i32
        %parallel_loop3A_137 = arith.constant 0 : i32
        %parallel_loop3A_138 = arith.index_cast %parallel_loop3A_137 : i32 to index
        %parallel_loop3A_139 = arith.index_cast %parallel_loop3A_136 : i32 to index
        %parallel_loop3A_140 = tpu.vector_load %arg9[%parallel_loop3A_138, %parallel_loop3A_139] {strides = array<i32>} : memref<8x2048xf32, #tpu.memory_space<vmem>>, vector<16xf32>,
        tpu.vector_store %arg9[%parallel_loop3A_138, %parallel_loop3A_139], %parallel_loop3A_134 {strides = array<i32>} : memref<8x2048xf32, #tpu.memory_space<vmem>>, vector<16xf32>,
        %parallel_loop3A_141 = arith.constant 1 : i32
        %parallel_loop3A_142 = vector.broadcast %parallel_loop3A_141 : i32 to vector<16xi32>
        %parallel_loop3A_143 = tpu.vector_load_idx %arg7[%parallel_loop3A_142, %parallel_loop3A_123] : memref<8x4096xf32, #tpu.memory_space<vmem>>[vector<16xi32>, vector<16xi32>], vector<16xf32>,
        %parallel_loop3A_144 = arith.constant 1 : i32
        %parallel_loop3A_145 = arith.index_cast %parallel_loop3A_144 : i32 to index
        %parallel_loop3A_146 = arith.index_cast %parallel_loop3A_114 : i32 to index
        %parallel_loop3A_147 = tpu.vector_load %arg9[%parallel_loop3A_145, %parallel_loop3A_146] {strides = array<i32>} : memref<8x2048xf32, #tpu.memory_space<vmem>>, vector<16xf32>,
        tpu.vector_store %arg9[%parallel_loop3A_145, %parallel_loop3A_146], %parallel_loop3A_143 {strides = array<i32>} : memref<8x2048xf32, #tpu.memory_space<vmem>>, vector<16xf32>,
        %parallel_loop3A_148 = tpu.vector_load_idx %arg7[%parallel_loop3A_142, %parallel_loop3A_126] : memref<8x4096xf32, #tpu.memory_space<vmem>>[vector<16xi32>, vector<16xi32>], vector<16xf32>,
        %parallel_loop3A_149 = arith.constant 16 : i32
        %parallel_loop3A_150 = arith.addi %parallel_loop3A_114, %parallel_loop3A_149 : i32
        %parallel_loop3A_151 = arith.constant 1 : i32
        %parallel_loop3A_152 = arith.index_cast %parallel_loop3A_151 : i32 to index
        %parallel_loop3A_153 = arith.index_cast %parallel_loop3A_150 : i32 to index
        %parallel_loop3A_154 = tpu.vector_load %arg9[%parallel_loop3A_152, %parallel_loop3A_153] {strides = array<i32>} : memref<8x2048xf32, #tpu.memory_space<vmem>>, vector<16xf32>,
        tpu.vector_store %arg9[%parallel_loop3A_152, %parallel_loop3A_153], %parallel_loop3A_148 {strides = array<i32>} : memref<8x2048xf32, #tpu.memory_space<vmem>>, vector<16xf32>,
        %parallel_loop3A_155 = arith.constant 2 : i32
        %parallel_loop3A_156 = vector.broadcast %parallel_loop3A_155 : i32 to vector<16xi32>
        %parallel_loop3A_157 = tpu.vector_load_idx %arg7[%parallel_loop3A_156, %parallel_loop3A_123] : memref<8x4096xf32, #tpu.memory_space<vmem>>[vector<16xi32>, vector<16xi32>], vector<16xf32>,
        %parallel_loop3A_158 = arith.constant 2 : i32
        %parallel_loop3A_159 = arith.index_cast %parallel_loop3A_158 : i32 to index
        %parallel_loop3A_160 = arith.index_cast %parallel_loop3A_114 : i32 to index
        %parallel_loop3A_161 = tpu.vector_load %arg9[%parallel_loop3A_159, %parallel_loop3A_160] {strides = array<i32>} : memref<8x2048xf32, #tpu.memory_space<vmem>>, vector<16xf32>,
        tpu.vector_store %arg9[%parallel_loop3A_159, %parallel_loop3A_160], %parallel_loop3A_157 {strides = array<i32>} : memref<8x2048xf32, #tpu.memory_space<vmem>>, vector<16xf32>,
        %parallel_loop3A_162 = tpu.vector_load_idx %arg7[%parallel_loop3A_156, %parallel_loop3A_126] : memref<8x4096xf32, #tpu.memory_space<vmem>>[vector<16xi32>, vector<16xi32>], vector<16xf32>,
        %parallel_loop3A_163 = arith.constant 16 : i32
        %parallel_loop3A_164 = arith.addi %parallel_loop3A_114, %parallel_loop3A_163 : i32
        %parallel_loop3A_165 = arith.constant 2 : i32
        %parallel_loop3A_166 = arith.index_cast %parallel_loop3A_165 : i32 to index
        %parallel_loop3A_167 = arith.index_cast %parallel_loop3A_164 : i32 to index
        %parallel_loop3A_168 = tpu.vector_load %arg9[%parallel_loop3A_166, %parallel_loop3A_167] {strides = array<i32>} : memref<8x2048xf32, #tpu.memory_space<vmem>>, vector<16xf32>,
        tpu.vector_store %arg9[%parallel_loop3A_166, %parallel_loop3A_167], %parallel_loop3A_162 {strides = array<i32>} : memref<8x2048xf32, #tpu.memory_space<vmem>>, vector<16xf32>,
        %parallel_loop3A_169 = arith.constant 3 : i32
        %parallel_loop3A_170 = vector.broadcast %parallel_loop3A_169 : i32 to vector<16xi32>
        %parallel_loop3A_171 = tpu.vector_load_idx %arg7[%parallel_loop3A_170, %parallel_loop3A_123] : memref<8x4096xf32, #tpu.memory_space<vmem>>[vector<16xi32>, vector<16xi32>], vector<16xf32>,
        %parallel_loop3A_172 = arith.constant 3 : i32
        %parallel_loop3A_173 = arith.index_cast %parallel_loop3A_172 : i32 to index
        %parallel_loop3A_174 = arith.index_cast %parallel_loop3A_114 : i32 to index
        %parallel_loop3A_175 = tpu.vector_load %arg9[%parallel_loop3A_173, %parallel_loop3A_174] {strides = array<i32>} : memref<8x2048xf32, #tpu.memory_space<vmem>>, vector<16xf32>,
        tpu.vector_store %arg9[%parallel_loop3A_173, %parallel_loop3A_174], %parallel_loop3A_171 {strides = array<i32>} : memref<8x2048xf32, #tpu.memory_space<vmem>>, vector<16xf32>,
        %parallel_loop3A_176 = tpu.vector_load_idx %arg7[%parallel_loop3A_170, %parallel_loop3A_126] : memref<8x4096xf32, #tpu.memory_space<vmem>>[vector<16xi32>, vector<16xi32>], vector<16xf32>,
        %parallel_loop3A_177 = arith.constant 16 : i32
        %parallel_loop3A_178 = arith.addi %parallel_loop3A_114, %parallel_loop3A_177 : i32
        %parallel_loop3A_179 = arith.constant 3 : i32
        %parallel_loop3A_180 = arith.index_cast %parallel_loop3A_179 : i32 to index
        %parallel_loop3A_181 = arith.index_cast %parallel_loop3A_178 : i32 to index
        %parallel_loop3A_182 = tpu.vector_load %arg9[%parallel_loop3A_180, %parallel_loop3A_181] {strides = array<i32>} : memref<8x2048xf32, #tpu.memory_space<vmem>>, vector<16xf32>,
        tpu.vector_store %arg9[%parallel_loop3A_180, %parallel_loop3A_181], %parallel_loop3A_176 {strides = array<i32>} : memref<8x2048xf32, #tpu.memory_space<vmem>>, vector<16xf32>,
        %parallel_loop3A_183 = arith.constant 4 : i32
        %parallel_loop3A_184 = vector.broadcast %parallel_loop3A_183 : i32 to vector<16xi32>
        %parallel_loop3A_185 = tpu.vector_load_idx %arg7[%parallel_loop3A_184, %parallel_loop3A_123] : memref<8x4096xf32, #tpu.memory_space<vmem>>[vector<16xi32>, vector<16xi32>], vector<16xf32>,
        %parallel_loop3A_186 = arith.constant 4 : i32
        %parallel_loop3A_187 = arith.index_cast %parallel_loop3A_186 : i32 to index
        %parallel_loop3A_188 = arith.index_cast %parallel_loop3A_114 : i32 to index
        %parallel_loop3A_189 = tpu.vector_load %arg9[%parallel_loop3A_187, %parallel_loop3A_188] {strides = array<i32>} : memref<8x2048xf32, #tpu.memory_space<vmem>>, vector<16xf32>,
        tpu.vector_store %arg9[%parallel_loop3A_187, %parallel_loop3A_188], %parallel_loop3A_185 {strides = array<i32>} : memref<8x2048xf32, #tpu.memory_space<vmem>>, vector<16xf32>,
        %parallel_loop3A_190 = tpu.vector_load_idx %arg7[%parallel_loop3A_184, %parallel_loop3A_126] : memref<8x4096xf32, #tpu.memory_space<vmem>>[vector<16xi32>, vector<16xi32>], vector<16xf32>,
        %parallel_loop3A_191 = arith.constant 16 : i32
        %parallel_loop3A_192 = arith.addi %parallel_loop3A_114, %parallel_loop3A_191 : i32
        %parallel_loop3A_193 = arith.constant 4 : i32
        %parallel_loop3A_194 = arith.index_cast %parallel_loop3A_193 : i32 to index
        %parallel_loop3A_195 = arith.index_cast %parallel_loop3A_192 : i32 to index
        %parallel_loop3A_196 = tpu.vector_load %arg9[%parallel_loop3A_194, %parallel_loop3A_195] {strides = array<i32>} : memref<8x2048xf32, #tpu.memory_space<vmem>>, vector<16xf32>,
        tpu.vector_store %arg9[%parallel_loop3A_194, %parallel_loop3A_195], %parallel_loop3A_190 {strides = array<i32>} : memref<8x2048xf32, #tpu.memory_space<vmem>>, vector<16xf32>,
        %parallel_loop3A_197 = arith.constant 5 : i32
        %parallel_loop3A_198 = vector.broadcast %parallel_loop3A_197 : i32 to vector<16xi32>
        %parallel_loop3A_199 = tpu.vector_load_idx %arg7[%parallel_loop3A_198, %parallel_loop3A_123] : memref<8x4096xf32, #tpu.memory_space<vmem>>[vector<16xi32>, vector<16xi32>], vector<16xf32>,
        %parallel_loop3A_200 = arith.constant 5 : i32
        %parallel_loop3A_201 = arith.index_cast %parallel_loop3A_200 : i32 to index
        %parallel_loop3A_202 = arith.index_cast %parallel_loop3A_114 : i32 to index
        %parallel_loop3A_203 = tpu.vector_load %arg9[%parallel_loop3A_201, %parallel_loop3A_202] {strides = array<i32>} : memref<8x2048xf32, #tpu.memory_space<vmem>>, vector<16xf32>,
        tpu.vector_store %arg9[%parallel_loop3A_201, %parallel_loop3A_202], %parallel_loop3A_199 {strides = array<i32>} : memref<8x2048xf32, #tpu.memory_space<vmem>>, vector<16xf32>,
        %parallel_loop3A_204 = tpu.vector_load_idx %arg7[%parallel_loop3A_198, %parallel_loop3A_126] : memref<8x4096xf32, #tpu.memory_space<vmem>>[vector<16xi32>, vector<16xi32>], vector<16xf32>,
        %parallel_loop3A_205 = arith.constant 16 : i32
        %parallel_loop3A_206 = arith.addi %parallel_loop3A_114, %parallel_loop3A_205 : i32
        %parallel_loop3A_207 = arith.constant 5 : i32
        %parallel_loop3A_208 = arith.index_cast %parallel_loop3A_207 : i32 to index
        %parallel_loop3A_209 = arith.index_cast %parallel_loop3A_206 : i32 to index
        %parallel_loop3A_210 = tpu.vector_load %arg9[%parallel_loop3A_208, %parallel_loop3A_209] {strides = array<i32>} : memref<8x2048xf32, #tpu.memory_space<vmem>>, vector<16xf32>,
        tpu.vector_store %arg9[%parallel_loop3A_208, %parallel_loop3A_209], %parallel_loop3A_204 {strides = array<i32>} : memref<8x2048xf32, #tpu.memory_space<vmem>>, vector<16xf32>,
        %parallel_loop3A_211 = arith.constant 6 : i32
        %parallel_loop3A_212 = vector.broadcast %parallel_loop3A_211 : i32 to vector<16xi32>
        %parallel_loop3A_213 = tpu.vector_load_idx %arg7[%parallel_loop3A_212, %parallel_loop3A_123] : memref<8x4096xf32, #tpu.memory_space<vmem>>[vector<16xi32>, vector<16xi32>], vector<16xf32>,
        %parallel_loop3A_214 = arith.constant 6 : i32
        %parallel_loop3A_215 = arith.index_cast %parallel_loop3A_214 : i32 to index
        %parallel_loop3A_216 = arith.index_cast %parallel_loop3A_114 : i32 to index
        %parallel_loop3A_217 = tpu.vector_load %arg9[%parallel_loop3A_215, %parallel_loop3A_216] {strides = array<i32>} : memref<8x2048xf32, #tpu.memory_space<vmem>>, vector<16xf32>,
        tpu.vector_store %arg9[%parallel_loop3A_215, %parallel_loop3A_216], %parallel_loop3A_213 {strides = array<i32>} : memref<8x2048xf32, #tpu.memory_space<vmem>>, vector<16xf32>,
        %parallel_loop3A_218 = tpu.vector_load_idx %arg7[%parallel_loop3A_212, %parallel_loop3A_126] : memref<8x4096xf32, #tpu.memory_space<vmem>>[vector<16xi32>, vector<16xi32>], vector<16xf32>,
        %parallel_loop3A_219 = arith.constant 16 : i32
        %parallel_loop3A_220 = arith.addi %parallel_loop3A_114, %parallel_loop3A_219 : i32
        %parallel_loop3A_221 = arith.constant 6 : i32
        %parallel_loop3A_222 = arith.index_cast %parallel_loop3A_221 : i32 to index
        %parallel_loop3A_223 = arith.index_cast %parallel_loop3A_220 : i32 to index
        %parallel_loop3A_224 = tpu.vector_load %arg9[%parallel_loop3A_222, %parallel_loop3A_223] {strides = array<i32>} : memref<8x2048xf32, #tpu.memory_space<vmem>>, vector<16xf32>,
        tpu.vector_store %arg9[%parallel_loop3A_222, %parallel_loop3A_223], %parallel_loop3A_218 {strides = array<i32>} : memref<8x2048xf32, #tpu.memory_space<vmem>>, vector<16xf32>,
        %parallel_loop3A_225 = arith.constant 7 : i32
        %parallel_loop3A_226 = vector.broadcast %parallel_loop3A_225 : i32 to vector<16xi32>
        %parallel_loop3A_227 = tpu.vector_load_idx %arg7[%parallel_loop3A_226, %parallel_loop3A_123] : memref<8x4096xf32, #tpu.memory_space<vmem>>[vector<16xi32>, vector<16xi32>], vector<16xf32>,
        %parallel_loop3A_228 = arith.constant 7 : i32
        %parallel_loop3A_229 = arith.index_cast %parallel_loop3A_228 : i32 to index
        %parallel_loop3A_230 = arith.index_cast %parallel_loop3A_114 : i32 to index
        %parallel_loop3A_231 = tpu.vector_load %arg9[%parallel_loop3A_229, %parallel_loop3A_230] {strides = array<i32>} : memref<8x2048xf32, #tpu.memory_space<vmem>>, vector<16xf32>,
        tpu.vector_store %arg9[%parallel_loop3A_229, %parallel_loop3A_230], %parallel_loop3A_227 {strides = array<i32>} : memref<8x2048xf32, #tpu.memory_space<vmem>>, vector<16xf32>,
        %parallel_loop3A_232 = tpu.vector_load_idx %arg7[%parallel_loop3A_226, %parallel_loop3A_126] : memref<8x4096xf32, #tpu.memory_space<vmem>>[vector<16xi32>, vector<16xi32>], vector<16xf32>,
        %parallel_loop3A_233 = arith.constant 16 : i32
        %parallel_loop3A_234 = arith.addi %parallel_loop3A_114, %parallel_loop3A_233 : i32
        %parallel_loop3A_235 = arith.constant 7 : i32
        %parallel_loop3A_236 = arith.index_cast %parallel_loop3A_235 : i32 to index
        %parallel_loop3A_237 = arith.index_cast %parallel_loop3A_234 : i32 to index
        %parallel_loop3A_238 = tpu.vector_load %arg9[%parallel_loop3A_236, %parallel_loop3A_237] {strides = array<i32>} : memref<8x2048xf32, #tpu.memory_space<vmem>>, vector<16xf32>,
        tpu.vector_store %arg9[%parallel_loop3A_236, %parallel_loop3A_237], %parallel_loop3A_232 {strides = array<i32>} : memref<8x2048xf32, #tpu.memory_space<vmem>>, vector<16xf32>,
      } {sc.loop_unroll_factor = 4 : i64, sc.parallel_access}
      %mul3A_105 = arith.constant 8 : i32
      %mul3A_106 = arith.muli %add3A_67, %mul3A_105 : i32
      %add3A_107 = arith.addi %mul3A_2, %mul3A_106 : i32
      %dma_start3A_108 = arith.constant 2048 : i32
      %dma_start3A_109 = tpu.memref_slice %arg4[%add3A_107, %dma_start3A_108] : memref<8192x4096xf32, #tpu.memory_space<hbm>> -> memref<8x2048xf32, #tpu.memory_space<hbm>>
      %dma_start3A_110 = arith.constant 2048 : i32
      %dma_start3A_111 = tpu.memref_slice %arg4[%add3A_107, %dma_start3A_110] : memref<8192x4096xf32, #tpu.memory_space<hbm>> -> memref<8x2048xf32, #tpu.memory_space<hbm>>
      tpu.enqueue_dma source(%arg9 : memref<8x2048xf32, #tpu.memory_space<vmem>>) target(%dma_start3A_111 : memref<8x2048xf32, #tpu.memory_space<hbm>>) target_semaphore(%arg13 : memref<!tpu.dma_semaphore, #tpu.memory_space<semaphore_mem>>)
    }
    %scan3A_12 = arith.constant 16 : i32
    %add3A_13 = arith.constant 248 : i32
    %add3A_14 = arith.addi %mul3A_2, %add3A_13 : i32
    %dma_wait3A = arith.constant 0 : i32
    %dma_wait3A_15 = tpu.memref_slice %arg4[%add3A_14, %dma_wait3A] : memref<8192x4096xf32, #tpu.memory_space<hbm>> -> memref<8x2048xf32, #tpu.memory_space<hbm>>
    %dma_wait3A_16 = arith.constant 0 : i32
    %dma_wait3A_17 = tpu.memref_slice %arg4[%add3A_14, %dma_wait3A_16] : memref<8192x4096xf32, #tpu.memory_space<hbm>> -> memref<8x2048xf32, #tpu.memory_space<hbm>>
    tpu.wait_dma2 semaphore(%arg12 : memref<!tpu.dma_semaphore, #tpu.memory_space<semaphore_mem>>) src(%arg8 : memref<8x2048xf32, #tpu.memory_space<vmem>>) dst(%dma_wait3A_17 : memref<8x2048xf32, #tpu.memory_space<hbm>>)
    %add3A_18 = arith.constant 248 : i32
    %add3A_19 = arith.addi %mul3A_2, %add3A_18 : i32
    %dma_wait3A_20 = arith.constant 2048 : i32
    %dma_wait3A_21 = tpu.memref_slice %arg4[%add3A_19, %dma_wait3A_20] : memref<8192x4096xf32, #tpu.memory_space<hbm>> -> memref<8x2048xf32, #tpu.memory_space<hbm>>
    %dma_wait3A_22 = arith.constant 2048 : i32
    %dma_wait3A_23 = tpu.memref_slice %arg4[%add3A_19, %dma_wait3A_22] : memref<8192x4096xf32, #tpu.memory_space<hbm>> -> memref<8x2048xf32, #tpu.memory_space<hbm>>
    tpu.wait_dma2 semaphore(%arg13 : memref<!tpu.dma_semaphore, #tpu.memory_space<semaphore_mem>>) src(%arg9 : memref<8x2048xf32, #tpu.memory_space<vmem>>) dst(%dma_wait3A_23 : memref<8x2048xf32, #tpu.memory_space<hbm>>)
    return
  }
}

</mosaic_0001>

<sc_bundles>
// kernel: kernel.3.cloned.1.call-start
scs
__scs_entry_jumppad:
0x0: {  	(pc) =	sbr.rel $0x88, $3  }
0x1: {  	(tag) =	ssettag $0x0;
	lr =	simm.s32 $0x1  }
0x2: {  	[smem:$0x3F9F] =	sst lr;
	_ =	strace $0xD0000000  }
0x3: {  	_ = 	snop  }
0x4: {  	_ = 	snop  }
0x5: {  	_ = 	snop  }
0x6: {  	_ = 	snop  }
0x7: {  	_ = 	snop  }
__scs_overlays_trampoline_lowered:
0x8: {  	[smem:$0x3FAE] =	sst s0  }
0x9: {  	[smem:$0x3FAF] =	sst s1  }
0xa: {  	[smem:$0x3FB0] =	sst s2  }
0xb: {  	[smem:$0x3FB1] =	sst s3  }
0xc: {  	[smem:$0x3FB2] =	sst s4  }
0xd: {  	[smem:$0x3FB3] =	sst s5  }
0xe: {  	[smem:$0x3FB4] =	sst s6  }
0xf: {  	[smem:$0x3FB5] =	sst s7  }
0x10: {  	[smem:$0x3FB6] =	sst s8  }
0x11: {  	[smem:$0x3FB7] =	sst s9;
	s0 =	simm.s32 @!p0 $0x0  }
0x12: {  	s1 =	sld [smem:$0x3F9D];
	s0 =	simm.s32 @p0 $0x1  }
0x13: {  	[smem:$0x3FB8] =	sst s0;
	s0 =	simm.s32 @!p1 $0x0  }
0x14: {  	s2 =	sld [smem:$0x3F9C];
	s0 =	simm.s32 @p1 $0x1  }
0x15: {  	[smem:$0x3FB9] =	sst s0;
	s0 =	simm.s32 @!p2 $0x0  }
0x16: {  	s3 =	sld [smem:$0x3FDB];
	s0 =	simm.s32 @p2 $0x1  }
0x17: {  	s4 =	simm.s32 $0x1BF5;
	[smem:$0x3FBB] =	sst s0  }
0x18: {  	s0 =	sld [smem:$0x3F9E];
	_ =	swait.ge [sflag:s4], $0x0  }
0x19: {  	s7 =	sld [smem:$0x3F9F]  }
0x1a: {  	s8 =	sadd.s32 $0xFFFFE003, lr  }
0x1b: {  	s9 =	sadd.s32 $0xFFFFFEF7, lr;
	s5 =	simm.s32 $0xFFFFFFFF;
	p2 =	slt.u32 s8, $0xFFFFF086  }
0x1c: {  	p1 =	slt.u32 s9, $0xF7A;
	s5 =	simm.s32 @!p2 $0x0  }
0x1d: {  	s5 =	simm.s32 @p1 $0x1;
	p0 =	seq.s32 s7, s2  }
0x1e: {  	s7 =	smul.u32 @!p0 $0xF7A, s2;
	p2 =	seq.s32 @!p0 s5, $0x0  }
0x1f: {  	s9 =	smul.u32 $0xF7A, s1;
	s8 =	simm.s32 @!p0 $0x1BF5;
	p2 =	por !p2, p0  }
0x20: {  	[sflag:s8] =	ssyncset.s32 @!p0 $0xFFFFF086;
	s6 =	sadd.s32 @!p0 s3, s7;
	s7 =	simm.s32 @!p0 $0x108  }
0x21: {  	s3 =	sadd.s32 s3, s9;
	s6 =	sadd.s32 @!p0 $0x88, s6;
	s7 =	simm.s32 @p2 $0x1082  }
0x22: {  	[simem:s7], [sflag:s8] =	dma.local @!p0 [hbm:s6], $0xF7A  }
0x23: {  	s9 =	sor.u32 $0xD0000000, s2;
	s6 =	simm.s32 $0x108;
	_ =	swait.ge @!p0 [sflag:s8], $0x0  }
0x24: {  	s3 =	sadd.s32 $0x88, s3;
	s6 =	simm.s32 @!p1 $0x1082;
	[sflag:s4] =	ssyncset.s32 $0xFFFFF086  }
0x25: {  	[simem:s6], [sflag:s4] =	dma.local [hbm:s3], $0xF7A  }
0x26: {  	[smem:$0x3F9F] =	sst s1;
	(tag) =	ssettag s2;
	_ =	strace s9  }
0x27: {  	s1 =	sld [smem:$0x3FAF]  }
0x28: {  	s2 =	sld [smem:$0x3FB0]  }
0x29: {  	s4 =	sld [smem:$0x3FB2]  }
0x2a: {  	p0 =	seq.s32 s5, $0x0;
	s5 =	sld [smem:$0x3FB3]  }
0x2b: {  	s6 =	sld [smem:$0x3FB4]  }
0x2c: {  	s7 =	sld [smem:$0x3FB5]  }
0x2d: {  	s3 =	simm.s32 $0x108;
	s8 =	sld [smem:$0x3FB6]  }
0x2e: {  	s3 =	simm.s32 @!p0 $0x1082;
	s9 =	sld [smem:$0x3FB7]  }
0x2f: {  	lr =	sadd.s32 s0, s3;
	s0 =	sld [smem:$0x3FAE]  }
0x30: {  	s3 =	sld [smem:$0x3FB1]  }
0x31: {  	[smem:$0x3FBA] =	sst s10  }
0x32: {  	s10 =	sld [smem:$0x3FB8];
	_ =	sdelay $0x3  }
0x33: {  	p0 =	seq.s32 s10, $0x1;
	s10 =	sld [smem:$0x3FBA];
	_ =	sdelay $0x3  }
0x34: {  	[smem:$0x3FBA] =	sst s10  }
0x35: {  	s10 =	sld [smem:$0x3FB9];
	_ =	sdelay $0x3  }
0x36: {  	p1 =	seq.s32 s10, $0x1;
	s10 =	sld [smem:$0x3FBA];
	_ =	sdelay $0x3  }
0x37: {  	[smem:$0x3FBA] =	sst s10  }
0x38: {  	s10 =	sld [smem:$0x3FBB]  }
0x39: {  	_ = 	snop;
	(pc) =	sbr.ind lr, $3  }
0x3a: {  	_ = 	snop  }
0x3b: {  	_ = 	snop  }
0x3c: {  	p2 =	seq.s32 s10, $0x1;
	s10 =	sld [smem:$0x3FBA]  }
0x3d: {  	_ =	shalt  }
0x3e: {  	_ =	shalt  }
0x3f: {  	_ =	shalt  }
0x40: {  	_ =	shalt  }
0x41: {  	_ =	shalt  }
0x42: {  	_ =	shalt  }
0x43: {  	_ =	shalt  }
0x44: {  	_ =	shalt  }
0x45: {  	_ =	shalt  }
0x46: {  	_ =	shalt  }
0x47: {  	_ =	shalt  }
0x48: {  	_ =	shalt  }
0x49: {  	_ =	shalt  }
0x4a: {  	_ =	shalt  }
0x4b: {  	_ =	shalt  }
0x4c: {  	_ =	shalt  }
0x4d: {  	_ =	shalt  }
0x4e: {  	_ =	shalt  }
0x4f: {  	_ =	shalt  }
0x50: {  	_ =	shalt  }
0x51: {  	_ =	shalt  }
0x52: {  	_ =	shalt  }
0x53: {  	_ =	shalt  }
0x54: {  	_ =	shalt  }
0x55: {  	_ =	shalt  }
0x56: {  	_ =	shalt  }
0x57: {  	_ =	shalt  }
0x58: {  	_ =	shalt  }
0x59: {  	_ =	shalt  }
0x5a: {  	_ =	shalt  }
0x5b: {  	_ =	shalt  }
0x5c: {  	_ =	shalt  }
0x5d: {  	_ =	shalt  }
0x5e: {  	_ =	shalt  }
0x5f: {  	_ =	shalt  }
0x60: {  	_ =	shalt  }
0x61: {  	_ =	shalt  }
0x62: {  	_ =	shalt  }
0x63: {  	_ =	shalt  }
0x64: {  	_ =	shalt  }
0x65: {  	_ =	shalt  }
0x66: {  	_ =	shalt  }
0x67: {  	_ =	shalt  }
0x68: {  	_ =	shalt  }
0x69: {  	_ =	shalt  }
0x6a: {  	_ =	shalt  }
0x6b: {  	_ =	shalt  }
0x6c: {  	_ =	shalt  }
0x6d: {  	_ =	shalt  }
0x6e: {  	_ =	shalt  }
0x6f: {  	_ =	shalt  }
0x70: {  	_ =	shalt  }
0x71: {  	_ =	shalt  }
0x72: {  	_ =	shalt  }
0x73: {  	_ =	shalt  }
0x74: {  	_ =	shalt  }
0x75: {  	_ =	shalt  }
0x76: {  	_ =	shalt  }
0x77: {  	_ =	shalt  }
0x78: {  	_ =	shalt  }
0x79: {  	_ =	shalt  }
0x7a: {  	_ =	shalt  }
0x7b: {  	_ =	shalt  }
0x7c: {  	_ =	shalt  }
0x7d: {  	_ =	shalt  }
0x7e: {  	_ =	shalt  }
0x7f: {  	_ =	shalt  }
0x80: {  	_ =	shalt  }
0x81: {  	_ =	shalt  }
0x82: {  	_ =	shalt  }
0x83: {  	_ =	shalt  }
0x84: {  	_ =	shalt  }
0x85: {  	_ =	shalt  }
0x86: {  	_ =	shalt  }
0x87: {  	_ =	shalt  }
.Lfunc_end0:
.L_simem_size_0:
called_computation_lowered:
.L_overlay_start_0:
0x88: {  	s2 =	sld [smem:$0x3FD9]  }
0x89: {  	s3 =	sld [smem:$0x3FFE];
	_ =	sdelay $0x1  }
0x8a: {  	s1 =	srdreg.scid  }
0x8b: {  	s0 =	sand.u32 $0x1, s1  }
0x8c: {  	s14 =	sshll.u32 s0, $0xA;
	s2 =	sadd.s32 s3, s2  }
0x8d: {  	s2 =	sadd.s32 s2, s14  }
0x8e: {  	[smem:$0x3FC6] =	sst s2  }
0x8f: {  	_ = 	snop  }
0x90: {  	s2 =	sld [smem:$0x3FD0];
	_ =	sdelay $0x2  }
0x91: {  	s4 =	simm.s32 $0xA;
	s5 =	simm.s32 $0x10;
	s15 =	sld [smem:$0x3FC9]  }
0x92: {  	[smem:s5], [sflag:s4] =	dma.local [hbm:s2], $0x1  }
0x93: {  	_ =	swait.eq [sflag:s4], $0x1  }
0x94: {  	[sflag:s4] =	ssyncset.done $0x0  }
0x95: {  	[sflag:s4] =	ssyncadd.s32 $0xFFFFFFFF  }
0x96: {  	s16 =	sld [smem:$0x10];
	(tm) =	ssettm $0x1  }
0x97: {  	s17 =	sld [smem:$0x3FFB];
	_ =	sdelay $0x3  }
0x98: {  	_ =	strace s17  }
0x99: {  	s4 =	sld [smem:$0x3FFC];
	_ =	sdelay $0x3  }
0x9a: {  	_ =	strace s4  }
0x9b: {  	s4 =	sld [smem:$0x3FFD];
	_ =	sdelay $0x3  }
0x9c: {  	_ =	strace s4  }
0x9d: {  	_ =	strace $0x8FFFFFFF  }
0x9e: {  	s18 =	sld [smem:$0x3FDB];
	_ =	sdelay $0x1  }
0x9f: {  	s19 =	simm.s32 $_scs_section_size  }
0xa0: {  	s6 =	simm.s32 $_size__tile_overlayer_lowered;
	s7 =	simm.s32 $_tile_overlayer_lowered  }
0xa1: {  	s22 =	simm.s32 $0x1BFF;
	s21 =	sshll.u32 s7, $0x1;
	s4 =	sadd.s32 s19, s18  }
0xa2: {  	s8 =	simm.s32 $0x0;
	s20 =	sshll.u32 s6, $0x1;
	s6 =	sadd.s32 s21, s4  }
0xa3: {  	[timem:s8], [sflag:s22] =	dma.local [hbm:s6], s20  }
0xa4: {  	_ =	swait.ge [sflag:s22], s20  }
0xa5: {  	s5 =	ssub.s32 $0x0, s20;
	[sflag:s22] =	ssyncset.done $0x0  }
0xa6: {  	[sflag:s22] =	ssyncadd.s32 s5;
	_ =	sdelay $0x1  }
0xa7: {  	s23 =	simm.s32 $0x1B8B  }
0xa8: {  	_ =	swait.ge [sflag:s23], $0x1  }
0xa9: {  	[sflag:s23] =	ssyncset.done $0x0  }
0xaa: {  	s25 =	simm.s32 $0x1B8E;
	s24 =	sld [smem:$0x3FFE];
	[sflag:s23] =	ssyncadd.s32 $0xFFFFFFFF  }
0xab: {  	s26 =	simm.s32 $execute0_lowered;
	[smem:$0x3FD2] =	sst s25  }
0xac: {  	s6 =	sshll.u32 s26, $0x1;
	_ =	strace $0x80000046;
	[dreg:$0x1] =	wrdreg $0xFFFFFFFF  }
0xad: {  	s28 =	simm.s32 $_size_execute0_lowered;
	s4 =	sadd.s32 s4, s6;
	[dreg:$0x0] =	wrdreg $0x0  }
0xae: {  	s6 =	sshll.u32 s28, $0x1;
	[dreg:$0x2] =	wrdreg s4  }
0xaf: {  	[dreg:$0x3] =	wrdreg s6  }
0xb0: {  	[dreg:$0x4] =	wrdreg $0xC0  }
0xb1: {  	_ =	task [dreg:s8], $0x5FFFF  }
0xb2: {  	[dreg:$0x1] =	wrdreg $0xFFFFFFFF  }
0xb3: {  	[dreg:$0x0] =	wrdreg $0x60  }
0xb4: {  	[dreg:$0x2] =	wrdreg s15  }
0xb5: {  	[dreg:$0x3] =	wrdreg s24  }
0xb6: {  	[dreg:$0x4] =	wrdreg s16  }
0xb7: {  	[dreg:$0x5] =	wrdreg $0x9  }
0xb8: {  	_ =	task.clear_ibuf [dreg:s8], $0x6FFFF;
	_ =	strace $0x90000046  }
0xb9: {  	s29 =	simm.s32 $0x9;
	_ =	strace $0x80000048  }
0xba: {  	_ =	swait.ge [sflag:s29], $0x1  }
0xbb: {  	[sflag:s29] =	ssyncadd.s32 $0xFFFFFFFF  }
0xbc: {  	_ =	strace $0x90000048  }
0xbd: {  	_ =	sfence  }
0xbe: {  	s30 =	sld [smem:$0x0];
	_ =	sdelay $0x2  }
0xbf: {  	s31 =	sshll.u32 s1, $0xD;
	s1 =	sshrl.u32 s1, $0x2  }
0xc0: {  	s3 =	sand.u32 $0x4000, s31;
	s1 =	sadd.s32 s1, s30  }
0xc1: {  	s0 =	sor.u32 s3, s0;
	s1 =	sshll.u32 s1, $0x11  }
0xc2: {  	s0 =	sor.u32 s1, s0  }
0xc3: {  	s0 =	sadd.s32 $0x8F2B, s0  }
0xc4: {  	[sflag:s0] =	ssyncadd.remote.s32 $0x1  }
0xc5: {  	_ =	sfence.sel $0xFFFF  }
0xc6: {  	[dreg:$0x0] =	wrdreg $0xFFFFFFFF;
	(pc) =	sbr.abs _section_cstart, $3  }
0xc7: {  	[dreg:$0x1] =	wrdreg $0xFFFFFFFF  }
0xc8: {  	_ =	task.clear_ibuf [dreg:s8], $0x2FFFF;
	_ =	strace $0x9FFFFFFF  }
0xc9: {  	(tm) =	ssettm $0x7FFFFFFF  }
tec
execute0_lowered:
.L_overlay_start_1:
0x0: {  	(tag) =	ssettag $0x1  }
0x1: {  	s1 =	rddreg [dreg:$0x0]  }
0x2: {  	s2 =	rddreg [dreg:$0x1]  }
0x3: {  	s4 =	rddreg [dreg:$0x2]  }
0x4: {  	s0 =	rddreg [dreg:$0x3];
	s6 =	srdreg.scid  }
0x5: {  	s5 =	simm.s32 $0x0;
	s3 =	stileid.u32;
	s12 =	simm.s32 $0x5  }
0x6: {  	s13 =	simm.s32 $0x800;
	s14 =	simm.s32 $0x8800;
	s15 =	simm.s32 $0x1  }
0x7: {  	s16 =	simm.s32 $0x10800;
	s17 =	simm.s32 $0x14800;
	s18 =	simm.s32 $0x2  }
0x8: {  	s19 =	simm.s32 $0x3;
	s20 =	simm.s32 $0x4;
	s6 =	sand.u32 $0x1, s6  }
0x9: {  	s21 =	simm.s32 $0x0;
	s8 =	sshll.u32 s3, $0x9;
	s7 =	ssub.s32 $0x2, s6  }
0xa: {  	[smem:$0x7FF] =	sst s5;
	s6 =	sshll.u32 s6, $0x8;
	s9 =	sshrl.u32 s7, $0x1  }
0xb: {  	_ =	strace $0x80000047;
	s8 =	sor.u32 s6, s8;
	s11 =	ssub.s32 s7, s9  }
0xc: {  	s6 =	sshll.u32 s8, $0x9;
	s8 =	sshrl.u32 s8, $0x3;
	s9 =	sadd.s32 $0x800, s4  }
0xd: {  	s7 =	sadd.s32 s1, s6;
	s10 =	sor.u32 $0x2, s8;
	s11 =	smax.u32 s11, $0x1  }
.LBB2_1:
0xe: {  	[tilespmem:s5], [sflag:$0x5] =	stream.linear.gather [hbm4b:s2+s5], $0x800, $0x38;
	[tilespmem:$0x18800] =	vst v63  }
0xf: {  	_ =	swait.ge [sflag:s12], $0x800  }
0x10: {  	[sflag:s12] =	ssyncset.done $0x0  }
0x11: {  	s22 =	simm.s32 $0x0;
	[sflag:s12] =	ssyncadd.s32 $0xFFFFF800  }
0x12: {  	[tilespmem:s13], [sflag:$0x1] =	stream.linear.gather [hbm4b:s7+s5], $0x8000, $0x38;
	[tilespmem:$0x18800] =	vst v63  }
.LBB2_2:
0x13: {  	s24 =	sshll.u32 s22, $0x1  }
0x14: {  	s23 =	sor.u32 s24, s8  }
0x15: {  	s23 =	sshll.u32 s23, $0xC  }
0x16: {  	s23 =	sor.u32 $0x1000, s23  }
0x17: {  	s25 =	sadd.s32 s1, s23  }
0x18: {  	[tilespmem:s14], [sflag:$0x2] =	stream.linear.gather [hbm4b:s25+s5], $0x8000, $0x38;
	[tilespmem:$0x18800] =	vst v63  }
0x19: {  	_ =	swait.ge [sflag:s15], $0x8000  }
0x1a: {  	p0 =	seq.s32 s22, $0x0;
	[sflag:s15] =	ssyncset.done $0x0  }
0x1b: {  	s25 =	simm.s32 @!p0 $0x3;
	[sflag:s15] =	ssyncadd.s32 $0xFFFF8000  }
0x1c: {  	_ =	swait.ge @!p0 [sflag:s25], $0x4000  }
0x1d: {  	[sflag:s25] =	ssyncset.done @!p0 $0x0  }
0x1e: {  	s31 =	simm.s32 $0x20;
	[sflag:s25] =	ssyncadd.s32 @!p0 $0xFFFFC000  }
0x1f: {  	v0 =	vld [tilespmem:s31+$0x10]  }
0x20: {  	v1 =	vld [tilespmem:s31+$0xFFFFFFF0];
	_ =	sdelay $0x1  }
0x21: {  	v4 =	vld [tilespmem:s31+$0xFFFFFFE0]  }
0x22: {  	v5 =	vld [tilespmem:s31+$0x0];
	_ =	sdelay $0x1  }
0x23: {  	v2 =	vshll.u32 v0, $0x3;
	v3 =	vshll.u32 v1, $0x3  }
0x24: {  	v6 =	vand.u32 $0x7F, v0;
	v8 =	vand.u32 $0x7F, v1;
	v2 =	vand.u32 $0x7FC00, v2  }
0x25: {  	v7 =	vand.u32 $0x7FC00, v3;
	v9 =	vor.u32 v6, v2;
	v2 =	vshll.u32 v4, $0x3  }
0x26: {  	v3 =	vshll.u32 v5, $0x3;
	v6 =	vand.u32 $0x7F, v4;
	v2 =	vand.u32 $0x7FC00, v2  }
0x27: {  	v11 =	vshrl.u32 v4, $0xD;
	v10 =	vand.u32 $0x7FC00, v3;
	v3 =	vor.u32 v6, v2  }
0x28: {  	v2 =	vor.u32 v8, v7;
	v6 =	vand.u32 $0x7F, v5;
	v7 =	vshrl.u32 v4, $0x10  }
0x29: {  	v4 =	vor.u32 v6, v10;
	v6 =	vshrl.u32 v0, $0x10;
	v0 =	vshrl.u32 v0, $0xD  }
0x2a: {  	v13 =	vshrl.u32 v5, $0x10;
	v6 =	vand.u32 $0x7F, v6;
	v0 =	vand.u32 $0x7FC00, v0  }
0x2b: {  	v10 =	vshrl.u32 v1, $0x10;
	v1 =	vshrl.u32 v1, $0xD;
	v12 =	vld.idx.msk [tilespmem:v9+s13+$0x0], $0xffff;
	v8 =	vor.u32 v6, v0  }
0x2c: {  	v0 =	vshrl.u32 v5, $0xD;
	v5 =	vand.u32 $0x7F, v7;
	v6 =	vand.u32 $0x7FC00, v11;
	v14 =	vld.idx.msk [tilespmem:v3+s13+$0x0], $0xffff  }
0x2d: {  	v10 =	vand.u32 $0x7F, v10;
	v1 =	vand.u32 $0x7FC00, v1;
	v7 =	vor.u32 v5, v6;
	v11 =	vld.idx.msk [tilespmem:v2+s13+$0x0], $0xffff  }
0x2e: {  	v5 =	vor.u32 v10, v1  }
0x2f: {  	s25 =	simm.s32 $0x10A00;
	v6 =	vand.u32 $0x7F, v13;
	v0 =	vand.u32 $0x7FC00, v0;
	v1 =	vld.idx.msk [tilespmem:v4+s13+$0x0], $0xffff  }
0x30: {  	v6 =	vor.u32 v6, v0;
	[tilespmem:s25+$0xFFFFFE60] =	vst v12  }
0x31: {  	v0 =	vld.idx.msk [tilespmem:v8+s13+$0x0], $0xffff;
	[tilespmem:s25+$0xFFFFFE00] =	vst v14  }
0x32: {  	v10 =	vor.u32 $0x80, v9;
	[tilespmem:s25+$0xFFFFFE20] =	vst v11;
	v12 =	vld.idx.msk [tilespmem:v7+s13+$0x0], $0xffff  }
0x33: {  	v11 =	vor.u32 $0x80, v3;
	v13 =	vld.idx.msk [tilespmem:v5+s13+$0x0], $0xffff  }
0x34: {  	[tilespmem:s25+$0xFFFFFE40] =	vst v1;
	v1 =	vor.u32 $0x80, v2  }
0x35: {  	v14 =	vld.idx.msk [tilespmem:v6+s13+$0x0], $0xffff  }
0x36: {  	v15 =	vor.u32 $0x80, v4;
	[tilespmem:s25+$0xFFFFFE70] =	vst v0  }
0x37: {  	v0 =	vld.idx.msk [tilespmem:v10+s13+$0x0], $0xffff;
	[tilespmem:s25+$0xFFFFFE10] =	vst v12  }
0x38: {  	v10 =	vor.u32 $0x80, v8;
	[tilespmem:s25+$0xFFFFFE30] =	vst v13;
	v11 =	vld.idx.msk [tilespmem:v11+s13+$0x0], $0xffff  }
0x39: {  	v12 =	vor.u32 $0x80, v7;
	v1 =	vld.idx.msk [tilespmem:v1+s13+$0x0], $0xffff  }
0x3a: {  	v13 =	vor.u32 $0x80, v5;
	[tilespmem:s25+$0xFFFFFE50] =	vst v14  }
0x3b: {  	v14 =	vld.idx.msk [tilespmem:v15+s13+$0x0], $0xffff  }
0x3c: {  	v15 =	vor.u32 $0x80, v6;
	[tilespmem:s25+$0xFFFFFEE0] =	vst v0  }
0x3d: {  	v0 =	vld.idx.msk [tilespmem:v10+s13+$0x0], $0xffff;
	[tilespmem:s25+$0xFFFFFE80] =	vst v11  }
0x3e: {  	v10 =	vor.u32 $0x100, v9;
	[tilespmem:s25+$0xFFFFFEA0] =	vst v1;
	v11 =	vld.idx.msk [tilespmem:v12+s13+$0x0], $0xffff  }
0x3f: {  	v1 =	vor.u32 $0x100, v3;
	v12 =	vld.idx.msk [tilespmem:v13+s13+$0x0], $0xffff  }
0x40: {  	[tilespmem:s25+$0xFFFFFEC0] =	vst v14;
	v13 =	vor.u32 $0x100, v2  }
0x41: {  	v14 =	vld.idx.msk [tilespmem:v15+s13+$0x0], $0xffff  }
0x42: {  	v15 =	vor.u32 $0x100, v4;
	[tilespmem:s25+$0xFFFFFEF0] =	vst v0  }
0x43: {  	v0 =	vld.idx.msk [tilespmem:v10+s13+$0x0], $0xffff;
	[tilespmem:s25+$0xFFFFFE90] =	vst v11  }
0x44: {  	v10 =	vor.u32 $0x100, v8;
	[tilespmem:s25+$0xFFFFFEB0] =	vst v12;
	v1 =	vld.idx.msk [tilespmem:v1+s13+$0x0], $0xffff  }
0x45: {  	v11 =	vor.u32 $0x100, v7;
	v12 =	vld.idx.msk [tilespmem:v13+s13+$0x0], $0xffff  }
0x46: {  	[tilespmem:s25+$0xFFFFFED0] =	vst v14;
	v13 =	vor.u32 $0x100, v5  }
0x47: {  	v14 =	vld.idx.msk [tilespmem:v15+s13+$0x0], $0xffff  }
0x48: {  	v15 =	vor.u32 $0x100, v6;
	[tilespmem:s25+$0xFFFFFF60] =	vst v0  }
0x49: {  	v0 =	vld.idx.msk [tilespmem:v10+s13+$0x0], $0xffff;
	[tilespmem:s25+$0xFFFFFF00] =	vst v1  }
0x4a: {  	v1 =	vor.u32 $0x180, v9;
	[tilespmem:s25+$0xFFFFFF20] =	vst v12;
	v10 =	vld.idx.msk [tilespmem:v11+s13+$0x0], $0xffff  }
0x4b: {  	v11 =	vor.u32 $0x180, v3;
	v12 =	vld.idx.msk [tilespmem:v13+s13+$0x0], $0xffff  }
0x4c: {  	[tilespmem:s25+$0xFFFFFF40] =	vst v14;
	v13 =	vor.u32 $0x180, v2  }
0x4d: {  	v14 =	vld.idx.msk [tilespmem:v15+s13+$0x0], $0xffff  }
0x4e: {  	v15 =	vor.u32 $0x180, v4;
	[tilespmem:s25+$0xFFFFFF70] =	vst v0  }
0x4f: {  	v0 =	vld.idx.msk [tilespmem:v1+s13+$0x0], $0xffff;
	[tilespmem:s25+$0xFFFFFF10] =	vst v10  }
0x50: {  	v1 =	vor.u32 $0x180, v8;
	[tilespmem:s25+$0xFFFFFF30] =	vst v12;
	v10 =	vld.idx.msk [tilespmem:v11+s13+$0x0], $0xffff  }
0x51: {  	v11 =	vor.u32 $0x180, v7;
	v12 =	vld.idx.msk [tilespmem:v13+s13+$0x0], $0xffff  }
0x52: {  	[tilespmem:s25+$0xFFFFFF50] =	vst v14;
	v13 =	vor.u32 $0x180, v5  }
0x53: {  	s26 =	simm.s32 $0x60;
	v14 =	vld.idx.msk [tilespmem:v15+s13+$0x0], $0xffff  }
0x54: {  	v18 =	vld [tilespmem:s26+$0x0];
	v15 =	vor.u32 $0x180, v6;
	[tilespmem:s25+$0xFFFFFFE0] =	vst v0  }
0x55: {  	v0 =	vld.idx.msk [tilespmem:v1+s13+$0x0], $0xffff;
	[tilespmem:s25+$0xFFFFFF80] =	vst v10  }
0x56: {  	v1 =	vor.u32 $0x200, v9;
	[tilespmem:s25+$0xFFFFFFA0] =	vst v12;
	v10 =	vld.idx.msk [tilespmem:v11+s13+$0x0], $0xffff  }
0x57: {  	v11 =	vld.idx.msk [tilespmem:v13+s13+$0x0], $0xffff  }
0x58: {  	[tilespmem:s25+$0xFFFFFFC0] =	vst v14;
	v14 =	vld [tilespmem:s26+$0x10]  }
0x59: {  	v13 =	vor.u32 $0x200, v3;
	v12 =	vld.idx.msk [tilespmem:v15+s13+$0x0], $0xffff  }
0x5a: {  	v15 =	vld [tilespmem:s26+$0xFFFFFFF0];
	[tilespmem:s25+$0xFFFFFFF0] =	vst v0  }
0x5b: {  	v0 =	vld.idx.msk [tilespmem:v1+s13+$0x0], $0xffff;
	v1 =	vor.u32 $0x200, v2  }
0x5c: {  	v17 =	vld [tilespmem:s26+$0xFFFFFFE0];
	v16 =	vor.u32 $0x200, v8  }
0x5d: {  	[tilespmem:s25+$0xFFFFFF90] =	vst v10  }
0x5e: {  	v25 =	vshll.u32 v18, $0x3;
	v10 =	vor.u32 $0x200, v4;
	v20 =	vshll.u32 v14, $0x3;
	v13 =	vld.idx.msk [tilespmem:v13+s13+$0x0], $0xffff  }
0x5f: {  	v19 =	vor.u32 $0x200, v7;
	[tilespmem:s25+$0xFFFFFFB0] =	vst v11;
	v11 =	vand.u32 $0x7F, v14;
	v20 =	vand.u32 $0x7FC00, v20  }
0x60: {  	v24 =	vor.u32 $0x280, v9;
	v23 =	vshll.u32 v15, $0x3;
	v1 =	vld.idx.msk [tilespmem:v1+s13+$0x0], $0xffff;
	[tilespmem:s25+$0x60] =	vst v0;
	v0 =	vor.u32 v11, v20  }
0x61: {  	v21 =	vor.u32 $0x200, v5;
	v20 =	vand.u32 $0x7FC00, v23;
	v23 =	vshll.u32 v17, $0x3;
	v16 =	vld.idx.msk [tilespmem:v16+s13+$0x0], $0xffff  }
0x62: {  	v28 =	vor.u32 $0x280, v8;
	[tilespmem:s25+$0xFFFFFFD0] =	vst v12;
	v12 =	vand.u32 $0x7F, v17;
	v23 =	vand.u32 $0x7FC00, v23  }
0x63: {  	v22 =	vor.u32 $0x200, v6;
	v27 =	vand.u32 $0x7F, v15;
	v26 =	vld.idx.msk [tilespmem:v10+s13+$0x0], $0xffff;
	v10 =	vor.u32 v12, v23;
	[tilespmem:s25+$0x0] =	vst v13  }
0x64: {  	v12 =	vand.u32 $0x7FC00, v25;
	v23 =	vor.u32 v27, v20;
	v13 =	vand.u32 $0x7F, v18;
	v19 =	vld.idx.msk [tilespmem:v19+s13+$0x0], $0xffff  }
0x65: {  	v25 =	vor.u32 v13, v12;
	v13 =	vshrl.u32 v14, $0xD;
	[tilespmem:s25+$0x20] =	vst v1;
	v1 =	vshrl.u32 v14, $0x10;
	v12 =	vld.idx.msk [tilespmem:v0+s13+$0x0], $0xffff  }
0x66: {  	v11 =	vor.u32 $0x280, v3;
	v13 =	vand.u32 $0x7FC00, v13;
	v1 =	vand.u32 $0x7F, v1;
	v20 =	vld.idx.msk [tilespmem:v21+s13+$0x0], $0xffff;
	[tilespmem:s25+$0x70] =	vst v16  }
0x67: {  	v14 =	vshrl.u32 v17, $0x10;
	v16 =	vshrl.u32 v17, $0xD;
	v1 =	vor.u32 v1, v13;
	v13 =	vld.idx.msk [tilespmem:v24+s13+$0x0], $0xffff  }
0x68: {  	v17 =	vshrl.u32 v15, $0x10;
	v15 =	vshrl.u32 v15, $0xD;
	v21 =	vshrl.u32 v18, $0x10;
	v27 =	vld.idx.msk [tilespmem:v10+s13+$0x0], $0xffff  }
0x69: {  	v18 =	vshrl.u32 v18, $0xD;
	[tilespmem:s25+$0x40] =	vst v26;
	v14 =	vand.u32 $0x7F, v14;
	v16 =	vand.u32 $0x7FC00, v16;
	v26 =	vld.idx.msk [tilespmem:v23+s13+$0x0], $0xffff  }
0x6a: {  	s26 =	simm.s32 $0x10E00;
	v17 =	vand.u32 $0x7F, v17;
	v15 =	vand.u32 $0x7FC00, v15;
	v24 =	vor.u32 v14, v16;
	v14 =	vld.idx.msk [tilespmem:v25+s13+$0x0], $0xffff;
	[tilespmem:s25+$0x10] =	vst v19  }
0x6b: {  	v16 =	vand.u32 $0x7F, v21;
	v29 =	vor.u32 v17, v15;
	v15 =	vand.u32 $0x7FC00, v18;
	v11 =	vld.idx.msk [tilespmem:v11+s13+$0x0], $0xffff;
	[tilespmem:s26+$0xFFFFFE60] =	vst v12  }
0x6c: {  	v30 =	vor.u32 v16, v15;
	v12 =	vld.idx.msk [tilespmem:v22+s13+$0x0], $0xffff;
	[tilespmem:s25+$0x30] =	vst v20  }
0x6d: {  	v18 =	vor.u32 $0x280, v4;
	v15 =	vld.idx.msk [tilespmem:v1+s13+$0x0], $0xffff;
	[tilespmem:s25+$0xE0] =	vst v13  }
0x6e: {  	v16 =	vor.u32 $0x280, v2;
	[tilespmem:s26+$0xFFFFFE00] =	vst v27;
	v17 =	vld.idx.msk [tilespmem:v28+s13+$0x0], $0xffff  }
0x6f: {  	v13 =	vor.u32 $0x80, v0;
	[tilespmem:s26+$0xFFFFFE20] =	vst v26;
	v19 =	vld.idx.msk [tilespmem:v24+s13+$0x0], $0xffff  }
0x70: {  	v20 =	vld.idx.msk [tilespmem:v29+s13+$0x0], $0xffff;
	[tilespmem:s26+$0xFFFFFE40] =	vst v14;
	v14 =	vor.u32 $0x300, v9  }
0x71: {  	v21 =	vor.u32 $0x80, v10;
	v22 =	vld.idx.msk [tilespmem:v30+s13+$0x0], $0xffff;
	[tilespmem:s25+$0x50] =	vst v12  }
0x72: {  	[tilespmem:s25+$0x80] =	vst v11;
	v11 =	vor.u32 $0x280, v7;
	v18 =	vld.idx.msk [tilespmem:v18+s13+$0x0], $0xffff  }
0x73: {  	v12 =	vor.u32 $0x80, v23;
	[tilespmem:s26+$0xFFFFFE70] =	vst v15;
	v15 =	vld.idx.msk [tilespmem:v16+s13+$0x0], $0xffff  }
0x74: {  	v16 =	vor.u32 $0x80, v25;
	v13 =	vld.idx.msk [tilespmem:v13+s13+$0x0], $0xffff;
	[tilespmem:s25+$0xF0] =	vst v17  }
0x75: {  	[tilespmem:s26+$0xFFFFFE10] =	vst v19;
	v19 =	vor.u32 $0x280, v5;
	v14 =	vld.idx.msk [tilespmem:v14+s13+$0x0], $0xffff  }
0x76: {  	v17 =	vor.u32 $0x80, v1;
	[tilespmem:s26+$0xFFFFFE30] =	vst v20;
	v21 =	vld.idx.msk [tilespmem:v21+s13+$0x0], $0xffff  }
0x77: {  	v20 =	vor.u32 $0x300, v8;
	[tilespmem:s26+$0xFFFFFE50] =	vst v22;
	v11 =	vld.idx.msk [tilespmem:v11+s13+$0x0], $0xffff  }
0x78: {  	v22 =	vor.u32 $0x80, v24;
	v12 =	vld.idx.msk [tilespmem:v12+s13+$0x0], $0xffff;
	[tilespmem:s25+$0xC0] =	vst v18  }
0x79: {  	v16 =	vld.idx.msk [tilespmem:v16+s13+$0x0], $0xffff;
	[tilespmem:s25+$0xA0] =	vst v15;
	v15 =	vor.u32 $0x80, v29  }
0x7a: {  	v18 =	vor.u32 $0x280, v6;
	[tilespmem:s26+$0xFFFFFEE0] =	vst v13;
	v19 =	vld.idx.msk [tilespmem:v19+s13+$0x0], $0xffff  }
0x7b: {  	v13 =	vor.u32 $0x80, v30;
	v17 =	vld.idx.msk [tilespmem:v17+s13+$0x0], $0xffff;
	[tilespmem:s25+$0x160] =	vst v14  }
0x7c: {  	[tilespmem:s26+$0xFFFFFE80] =	vst v21;
	v21 =	vor.u32 $0x300, v3;
	v20 =	vld.idx.msk [tilespmem:v20+s13+$0x0], $0xffff  }
0x7d: {  	v14 =	vor.u32 $0x100, v0;
	v22 =	vld.idx.msk [tilespmem:v22+s13+$0x0], $0xffff;
	[tilespmem:s26+$0xFFFFFEA0] =	vst v12  }
0x7e: {  	v9 =	vor.u32 $0x380, v9;
	[tilespmem:s25+$0x90] =	vst v11;
	v12 =	vld.idx.msk [tilespmem:v15+s13+$0x0], $0xffff  }
0x7f: {  	[tilespmem:s26+$0xFFFFFEC0] =	vst v16;
	v15 =	vor.u32 $0x100, v10;
	v16 =	vld.idx.msk [tilespmem:v18+s13+$0x0], $0xffff  }
0x80: {  	v11 =	vor.u32 $0x100, v23;
	v13 =	vld.idx.msk [tilespmem:v13+s13+$0x0], $0xffff;
	[tilespmem:s25+$0xB0] =	vst v19  }
0x81: {  	[tilespmem:s26+$0xFFFFFEF0] =	vst v17;
	v17 =	vor.u32 $0x100, v25;
	v19 =	vld.idx.msk [tilespmem:v21+s13+$0x0], $0xffff  }
0x82: {  	v18 =	vor.u32 $0x300, v2;
	v14 =	vld.idx.msk [tilespmem:v14+s13+$0x0], $0xffff;
	[tilespmem:s25+$0x170] =	vst v20  }
0x83: {  	[tilespmem:s26+$0xFFFFFE90] =	vst v22;
	v20 =	vor.u32 $0x100, v1;
	v9 =	vld.idx.msk [tilespmem:v9+s13+$0x0], $0xffff  }
0x84: {  	v21 =	vor.u32 $0x300, v4;
	v15 =	vld.idx.msk [tilespmem:v15+s13+$0x0], $0xffff;
	[tilespmem:s26+$0xFFFFFEB0] =	vst v12  }
0x85: {  	v8 =	vor.u32 $0x380, v8;
	v11 =	vld.idx.msk [tilespmem:v11+s13+$0x0], $0xffff;
	[tilespmem:s26+$0xFFFFFED0] =	vst v13  }
0x86: {  	v12 =	vor.u32 $0x100, v24;
	[tilespmem:s25+$0xD0] =	vst v16;
	v13 =	vld.idx.msk [tilespmem:v17+s13+$0x0], $0xffff  }
0x87: {  	v16 =	vor.u32 $0x100, v29;
	[tilespmem:s26+$0xFFFFFF60] =	vst v14;
	v14 =	vld.idx.msk [tilespmem:v18+s13+$0x0], $0xffff  }
0x88: {  	v17 =	vor.u32 $0x100, v30;
	[tilespmem:s25+$0x100] =	vst v19;
	v18 =	vld.idx.msk [tilespmem:v20+s13+$0x0], $0xffff  }
0x89: {  	v19 =	vor.u32 $0x300, v7;
	v20 =	vld.idx.msk [tilespmem:v21+s13+$0x0], $0xffff;
	[tilespmem:s25+$0x1E0] =	vst v9  }
0x8a: {  	v9 =	vor.u32 $0x180, v0;
	[tilespmem:s26+$0xFFFFFF00] =	vst v15;
	v8 =	vld.idx.msk [tilespmem:v8+s13+$0x0], $0xffff  }
0x8b: {  	v15 =	vor.u32 $0x300, v5;
	v12 =	vld.idx.msk [tilespmem:v12+s13+$0x0], $0xffff;
	[tilespmem:s26+$0xFFFFFF20] =	vst v11  }
0x8c: {  	v11 =	vor.u32 $0x300, v6;
	v16 =	vld.idx.msk [tilespmem:v16+s13+$0x0], $0xffff;
	[tilespmem:s26+$0xFFFFFF40] =	vst v13  }
0x8d: {  	v13 =	vor.u32 $0x180, v10;
	v17 =	vld.idx.msk [tilespmem:v17+s13+$0x0], $0xffff;
	[tilespmem:s25+$0x120] =	vst v14  }
0x8e: {  	v14 =	vor.u32 $0x180, v23;
	[tilespmem:s26+$0xFFFFFF70] =	vst v18;
	v18 =	vld.idx.msk [tilespmem:v19+s13+$0x0], $0xffff  }
0x8f: {  	v19 =	vor.u32 $0x180, v25;
	[tilespmem:s25+$0x140] =	vst v20;
	v9 =	vld.idx.msk [tilespmem:v9+s13+$0x0], $0xffff  }
0x90: {  	v31 =	vor.u32 $0x380, v3;
	v41 =	vor.u32 $0x380, v7;
	v7 =	vld.idx.msk [tilespmem:v15+s13+$0x0], $0xffff;
	[tilespmem:s25+$0x1F0] =	vst v8  }
0x91: {  	v32 =	vor.u32 $0x380, v4;
	v42 =	vor.u32 $0x380, v5;
	[tilespmem:s26+$0xFFFFFF10] =	vst v12;
	v12 =	vor.u32 $0x180, v1;
	v11 =	vld.idx.msk [tilespmem:v11+s13+$0x0], $0xffff  }
0x92: {  	v43 =	vor.u32 $0x380, v6;
	v44 =	vor.u32 $0x380, v10;
	v8 =	vor.u32 $0x380, v2;
	v5 =	vld.idx.msk [tilespmem:v13+s13+$0x0], $0xffff;
	[tilespmem:s26+$0xFFFFFF30] =	vst v16  }
0x93: {  	v36 =	vor.u32 $0x180, v29;
	v37 =	vor.u32 $0x180, v30;
	v27 =	vor.u32 $0x200, v23;
	v38 =	vld.idx.msk [tilespmem:v14+s13+$0x0], $0xffff;
	[tilespmem:s26+$0xFFFFFF50] =	vst v17  }
0x94: {  	v26 =	vor.u32 $0x200, v25;
	v28 =	vor.u32 $0x200, v10;
	v6 =	vor.u32 $0x180, v24;
	v39 =	vld.idx.msk [tilespmem:v19+s13+$0x0], $0xffff;
	[tilespmem:s25+$0x110] =	vst v18  }
0x95: {  	v22 =	vor.u32 $0x200, v24;
	v21 =	vor.u32 $0x200, v29;
	v20 =	vor.u32 $0x200, v30;
	[tilespmem:s26+$0xFFFFFFE0] =	vst v9;
	v40 =	vld.idx.msk [tilespmem:v31+s13+$0x0], $0xffff  }
0x96: {  	v15 =	vor.u32 $0x280, v29;
	v16 =	vor.u32 $0x280, v30;
	v13 =	vor.u32 $0x300, v25;
	[tilespmem:s25+$0x130] =	vst v7;
	v35 =	vld.idx.msk [tilespmem:v12+s13+$0x0], $0xffff  }
0x97: {  	v17 =	vor.u32 $0x280, v25;
	v14 =	vor.u32 $0x280, v24;
	v19 =	vor.u32 $0x280, v10;
	v34 =	vld.idx.msk [tilespmem:v8+s13+$0x0], $0xffff;
	[tilespmem:s25+$0x150] =	vst v11  }
0x98: {  	v18 =	vor.u32 $0x280, v23;
	v9 =	vor.u32 $0x300, v23;
	v7 =	vor.u32 $0x300, v24;
	[tilespmem:s26+$0xFFFFFF80] =	vst v5;
	v33 =	vld.idx.msk [tilespmem:v32+s13+$0x0], $0xffff  }
0x99: {  	v24 =	vor.u32 $0x380, v24;
	v12 =	vor.u32 $0x300, v10;
	v10 =	vor.u32 $0x300, v29;
	[tilespmem:s26+$0xFFFFFFA0] =	vst v38;
	v32 =	vld.idx.msk [tilespmem:v6+s13+$0x0], $0xffff  }
0x9a: {  	v11 =	vor.u32 $0x300, v30;
	v8 =	vor.u32 $0x380, v23;
	v23 =	vor.u32 $0x380, v30;
	[tilespmem:s26+$0xFFFFFFC0] =	vst v39;
	v31 =	vld.idx.msk [tilespmem:v36+s13+$0x0], $0xffff  }
0x9b: {  	s28 =	simm.s32 $0x4;
	s29 =	simm.s32 $0xA0;
	v6 =	vor.u32 $0x380, v25;
	v25 =	vor.u32 $0x380, v29;
	v36 =	vor.u32 $0x200, v0;
	[tilespmem:s25+$0x180] =	vst v40;
	v29 =	vld.idx.msk [tilespmem:v37+s13+$0x0], $0xffff  }
.LBB2_3:
0x9c: {  	_ = 	snop  }
0x9d: {  	v30 =	vld [tilespmem:s29+$0x10];
	[tilespmem:s25+$0x1A0] =	vst v34  }
0x9e: {  	[tilespmem:s25+$0x1C0] =	vst v33;
	v34 =	vld [tilespmem:s29+$0xFFFFFFF0]  }
0x9f: {  	[tilespmem:s26+$0xFFFFFFF0] =	vst v35;
	v33 =	vld [tilespmem:s29+$0x0]  }
0xa0: {  	[tilespmem:s26+$0xFFFFFF90] =	vst v32;
	v35 =	vld.idx.msk [tilespmem:v36+s13+$0x0], $0xffff  }
0xa1: {  	[tilespmem:$0x1FFD0] =	vst v44;
	v48 =	vld [tilespmem:s29+$0xFFFFFFE0]  }
0xa2: {  	[tilespmem:s26+$0xFFFFFFB0] =	vst v31;
	v28 =	vld.idx.msk [tilespmem:v28+s13+$0x0], $0xffff  }
0xa3: {  	v47 =	vor.u32 $0x200, v1;
	v2 =	vmov v24;
	[tilespmem:s26+$0xFFFFFFD0] =	vst v29;
	v27 =	vld.idx.msk [tilespmem:v27+s13+$0x0], $0xffff  }
0xa4: {  	v52 =	vor.u32 $0x280, v0;
	v3 =	vmov v25;
	[tilespmem:$0x1FFF0] =	vst v2;
	v29 =	vshll.u32 v30, $0x3;
	v26 =	vld.idx.msk [tilespmem:v26+s13+$0x0], $0xffff  }
0xa5: {  	[tilespmem:$0x1FFE0] =	vst v3;
	v37 =	vand.u32 $0x7F, v30;
	v39 =	vld.idx.msk [tilespmem:v41+s13+$0x0], $0xffff;
	v29 =	vand.u32 $0x7FC00, v29;
	v31 =	vshll.u32 v34, $0x3  }
0xa6: {  	v42 =	vld.idx.msk [tilespmem:v42+s13+$0x0], $0xffff;
	v29 =	vor.u32 v37, v29;
	v51 =	vand.u32 $0x7F, v34;
	[tilespmem:s26+$0x60] =	vst v35;
	v31 =	vand.u32 $0x7FC00, v31  }
0xa7: {  	v2 =	vmovc v23;
	v49 =	vshll.u32 v33, $0x3;
	v23 =	vshrl.u32 v34, $0x10;
	[tilespmem:s26+$0x0] =	vst v28;
	v28 =	vld.idx.msk [tilespmem:v43+s13+$0x0], $0xffff;
	v25 =	vor.u32 v51, v31  }
0xa8: {  	[tilespmem:$0x1FFC0] =	vst v2;
	v54 =	vshrl.u32 v33, $0x10;
	v50 =	vand.u32 $0x7F, v48;
	v38 =	vshll.u32 v48, $0x3;
	v32 =	vld.idx.msk [tilespmem:v47+s13+$0x0], $0xffff  }
0xa9: {  	v35 =	vand.u32 $0x7FC00, v49;
	[tilespmem:s26+$0x20] =	vst v27;
	v27 =	vshrl.u32 v30, $0x10;
	v24 =	vand.u32 $0x7FC00, v38;
	v22 =	vld.idx.msk [tilespmem:v22+s13+$0x0], $0xffff  }
0xaa: {  	v30 =	vshrl.u32 v30, $0xD;
	[tilespmem:s26+$0x40] =	vst v26;
	v31 =	vand.u32 $0x7F, v33;
	v21 =	vld.idx.msk [tilespmem:v21+s13+$0x0], $0xffff;
	v24 =	vor.u32 v50, v24  }
0xab: {  	v27 =	vand.u32 $0x7F, v27;
	v30 =	vand.u32 $0x7FC00, v30;
	[tilespmem:s25+$0x1B0] =	vst v42;
	v40 =	vor.u32 v31, v35;
	v31 =	vld.idx.msk [tilespmem:v29+s13+$0x0], $0xffff  }
0xac: {  	v55 =	vshrl.u32 v33, $0xD;
	v26 =	vshrl.u32 v34, $0xD;
	v33 =	vor.u32 v27, v30;
	[tilespmem:s25+$0x1D0] =	vst v28;
	v38 =	vld.idx.msk [tilespmem:v25+s13+$0x0], $0xffff  }
0xad: {  	v23 =	vand.u32 $0x7F, v23;
	v26 =	vand.u32 $0x7FC00, v26;
	[tilespmem:s26+$0x70] =	vst v32;
	v20 =	vld.idx.msk [tilespmem:v20+s13+$0x0], $0xffff  }
0xae: {  	v53 =	vshrl.u32 v48, $0x10;
	v36 =	vshrl.u32 v48, $0xD;
	[tilespmem:s25+$0x190] =	vst v39;
	v23 =	vor.u32 v23, v26;
	s25 =	smov.u32 s26;
	v27 =	vld.idx.msk [tilespmem:v52+s13+$0x0], $0xffff  }
0xaf: {  	v57 =	vor.u32 $0x280, v1;
	v56 =	vand.u32 $0x7F, v53;
	v36 =	vand.u32 $0x7FC00, v36;
	s26 =	sadd.s32 $0x400, s26;
	[tilespmem:s25+$0x30] =	vst v21;
	v30 =	vld.idx.msk [tilespmem:v24+s13+$0x0], $0xffff  }
0xb0: {  	v41 =	vor.u32 v56, v36;
	v28 =	vand.u32 $0x7FC00, v55;
	v32 =	vand.u32 $0x7F, v54;
	v26 =	vld.idx.msk [tilespmem:v40+s13+$0x0], $0xffff;
	[tilespmem:s26+$0xFFFFFE60] =	vst v31  }
0xb1: {  	[tilespmem:s25+$0x10] =	vst v22;
	v44 =	vor.u32 v32, v28;
	v22 =	vld.idx.msk [tilespmem:v33+s13+$0x0], $0xffff  }
0xb2: {  	v19 =	vld.idx.msk [tilespmem:v19+s13+$0x0], $0xffff;
	[tilespmem:s26+$0xFFFFFE20] =	vst v38  }
0xb3: {  	v52 =	vor.u32 $0x80, v29;
	[tilespmem:s25+$0xE0] =	vst v27;
	v55 =	vld.idx.msk [tilespmem:v23+s13+$0x0], $0xffff  }
0xb4: {  	v2 =	vor.u32 $0x300, v1;
	v43 =	vor.u32 $0x80, v25;
	v49 =	vor.u32 $0x100, v25;
	[tilespmem:s26+$0xFFFFFE00] =	vst v30;
	v53 =	vld.idx.msk [tilespmem:v57+s13+$0x0], $0xffff  }
0xb5: {  	v36 =	vor.u32 $0x180, v25;
	v56 =	vor.u32 $0x300, v0;
	v42 =	vor.u32 $0x80, v24;
	[tilespmem:s26+$0xFFFFFE40] =	vst v26;
	v54 =	vld.idx.msk [tilespmem:v41+s13+$0x0], $0xffff  }
0xb6: {  	v45 =	vor.u32 $0x80, v41;
	v46 =	vor.u32 $0x80, v23;
	v47 =	vor.u32 $0x80, v40;
	v57 =	vld.idx.msk [tilespmem:v44+s13+$0x0], $0xffff;
	[tilespmem:s25+$0x50] =	vst v20  }
0xb7: {  	v48 =	vor.u32 $0x100, v24;
	v37 =	vor.u32 $0x100, v41;
	v34 =	vor.u32 $0x180, v24;
	v58 =	vld.idx.msk [tilespmem:v18+s13+$0x0], $0xffff;
	[tilespmem:s26+$0xFFFFFE70] =	vst v22  }
0xb8: {  	v39 =	vor.u32 $0x100, v23;
	v60 =	vor.u32 $0x80, v33;
	v61 =	vor.u32 $0x300, v24;
	[tilespmem:s25+$0x80] =	vst v19;
	v52 =	vld.idx.msk [tilespmem:v52+s13+$0x0], $0xffff  }
0xb9: {  	v63 =	vor.u32 $0x300, v41;
	v3 =	vor.u32 $0x380, v24;
	v4 =	vor.u32 $0x300, v23;
	v59 =	vld.idx.msk [tilespmem:v17+s13+$0x0], $0xffff;
	[tilespmem:s26+$0xFFFFFE30] =	vst v55  }
0xba: {  	v21 =	vor.u32 $0x200, v23;
	v32 =	vor.u32 $0x180, v41;
	v31 =	vor.u32 $0x180, v23;
	[tilespmem:s25+$0xF0] =	vst v53;
	v43 =	vld.idx.msk [tilespmem:v43+s13+$0x0], $0xffff  }
0xbb: {  	v28 =	vor.u32 $0x200, v24;
	v50 =	vor.u32 $0x80, v44;
	v62 =	vor.u32 $0x280, v44;
	[tilespmem:s26+$0xFFFFFE10] =	vst v54;
	v56 =	vld.idx.msk [tilespmem:v56+s13+$0x0], $0xffff  }
0xbc: {  	v5 =	vor.u32 $0x300, v44;
	v38 =	vor.u32 $0x100, v44;
	v30 =	vor.u32 $0x180, v44;
	[tilespmem:s26+$0xFFFFFE50] =	vst v57;
	v42 =	vld.idx.msk [tilespmem:v42+s13+$0x0], $0xffff  }
0xbd: {  	v27 =	vor.u32 $0x200, v25;
	v18 =	vor.u32 $0x280, v25;
	v22 =	vor.u32 $0x200, v41;
	[tilespmem:s25+$0xA0] =	vst v58;
	v47 =	vld.idx.msk [tilespmem:v47+s13+$0x0], $0xffff  }
0xbe: {  	v20 =	vor.u32 $0x200, v44;
	v19 =	vor.u32 $0x280, v24;
	v24 =	vor.u32 $0x380, v41;
	[tilespmem:s26+$0xFFFFFEE0] =	vst v52;
	v52 =	vld.idx.msk [tilespmem:v14+s13+$0x0], $0xffff  }
0xbf: {  	v55 =	vor.u32 $0x300, v25;
	v53 =	vor.u32 $0x280, v41;
	v54 =	vor.u32 $0x280, v23;
	[tilespmem:s25+$0xC0] =	vst v59;
	v58 =	vld.idx.msk [tilespmem:v15+s13+$0x0], $0xffff  }
0xc0: {  	v41 =	vor.u32 $0x380, v25;
	v25 =	vor.u32 $0x380, v23;
	v23 =	vor.u32 $0x380, v44;
	v44 =	vld.idx.msk [tilespmem:v60+s13+$0x0], $0xffff;
	[tilespmem:s26+$0xFFFFFEA0] =	vst v43  }
0xc1: {  	v59 =	vor.u32 $0x100, v29;
	[tilespmem:s25+$0x160] =	vst v56;
	v43 =	vld.idx.msk [tilespmem:v46+s13+$0x0], $0xffff  }
0xc2: {  	[tilespmem:s26+$0xFFFFFE80] =	vst v42;
	v2 =	vld.idx.msk [tilespmem:v2+s13+$0x0], $0xffff  }
0xc3: {  	[tilespmem:s26+$0xFFFFFEC0] =	vst v47;
	v45 =	vld.idx.msk [tilespmem:v45+s13+$0x0], $0xffff  }
0xc4: {  	v60 =	vor.u32 $0x380, v0;
	v0 =	vmov v29;
	v29 =	vld.idx.msk [tilespmem:v50+s13+$0x0], $0xffff;
	[tilespmem:s25+$0x90] =	vst v52  }
0xc5: {  	[tilespmem:s26+$0xFFFFFEF0] =	vst v44;
	v52 =	vld.idx.msk [tilespmem:v16+s13+$0x0], $0xffff  }
0xc6: {  	v51 =	vor.u32 $0x100, v40;
	[tilespmem:s25+$0xB0] =	vst v58;
	v42 =	vld.idx.msk [tilespmem:v59+s13+$0x0], $0xffff  }
0xc7: {  	v14 =	vmov v53;
	v53 =	vld.idx.msk [tilespmem:v12+s13+$0x0], $0xffff;
	[tilespmem:s26+$0xFFFFFEB0] =	vst v43  }
0xc8: {  	[tilespmem:s25+$0x170] =	vst v2;
	v43 =	vld.idx.msk [tilespmem:v49+s13+$0x0], $0xffff  }
0xc9: {  	v15 =	vmov v54;
	[tilespmem:s26+$0xFFFFFE90] =	vst v45;
	v2 =	vor.u32 $0x100, v33;
	v54 =	vld.idx.msk [tilespmem:v60+s13+$0x0], $0xffff  }
0xca: {  	[tilespmem:s26+$0xFFFFFED0] =	vst v29;
	v56 =	vld.idx.msk [tilespmem:v48+s13+$0x0], $0xffff  }
0xcb: {  	v29 =	vor.u32 $0x380, v1;
	v58 =	vld.idx.msk [tilespmem:v51+s13+$0x0], $0xffff;
	[tilespmem:s25+$0xD0] =	vst v52  }
0xcc: {  	v59 =	vld.idx.msk [tilespmem:v9+s13+$0x0], $0xffff;
	[tilespmem:s26+$0xFFFFFF60] =	vst v42  }
0xcd: {  	[tilespmem:s25+$0x100] =	vst v53;
	v44 =	vld.idx.msk [tilespmem:v13+s13+$0x0], $0xffff  }
0xce: {  	v2 =	vld.idx.msk [tilespmem:v2+s13+$0x0], $0xffff;
	[tilespmem:s26+$0xFFFFFF20] =	vst v43  }
0xcf: {  	[tilespmem:s25+$0x1E0] =	vst v54;
	v39 =	vld.idx.msk [tilespmem:v39+s13+$0x0], $0xffff  }
0xd0: {  	v60 =	vor.u32 $0x180, v0;
	[tilespmem:s26+$0xFFFFFF00] =	vst v56;
	v29 =	vld.idx.msk [tilespmem:v29+s13+$0x0], $0xffff  }
0xd1: {  	[tilespmem:s26+$0xFFFFFF40] =	vst v58;
	v37 =	vld.idx.msk [tilespmem:v37+s13+$0x0], $0xffff  }
0xd2: {  	v1 =	vmov v33;
	[tilespmem:s25+$0x120] =	vst v59;
	v33 =	vld.idx.msk [tilespmem:v38+s13+$0x0], $0xffff  }
0xd3: {  	[tilespmem:s26+$0xFFFFFF70] =	vst v2;
	v2 =	vld.idx.msk [tilespmem:v7+s13+$0x0], $0xffff  }
0xd4: {  	[tilespmem:s25+$0x140] =	vst v44;
	v42 =	vld.idx.msk [tilespmem:v10+s13+$0x0], $0xffff  }
0xd5: {  	v12 =	vmov v61;
	v61 =	vld.idx.msk [tilespmem:v60+s13+$0x0], $0xffff;
	[tilespmem:s25+$0x1F0] =	vst v29  }
0xd6: {  	[tilespmem:s26+$0xFFFFFF10] =	vst v37;
	v29 =	vld.idx.msk [tilespmem:v11+s13+$0x0], $0xffff  }
0xd7: {  	v11 =	vmov v5;
	v5 =	vld.idx.msk [tilespmem:v34+s13+$0x0], $0xffff  }
0xd8: {  	v35 =	vor.u32 $0x180, v40;
	[tilespmem:s25+$0x110] =	vst v2;
	v2 =	vld [tilespmem:$0x1FFD0];
	_ =	sdelay $0x1  }
0xd9: {  	v43 =	vld [tilespmem:$0x1FFC0];
	[tilespmem:s26+$0xFFFFFF30] =	vst v39  }
0xda: {  	v16 =	vmov v62;
	v62 =	vld.idx.msk [tilespmem:v36+s13+$0x0], $0xffff;
	[tilespmem:s26+$0xFFFFFF50] =	vst v33  }
0xdb: {  	v10 =	vmov v4;
	v4 =	vor.u32 $0x180, v1;
	[tilespmem:s25+$0x130] =	vst v42;
	v42 =	vld [tilespmem:$0x1FFE0]  }
0xdc: {  	v7 =	vmov v63;
	v63 =	vld.idx.msk [tilespmem:v35+s13+$0x0], $0xffff  }
0xdd: {  	v34 =	vld.idx.msk [tilespmem:v8+s13+$0x0], $0xffff  }
0xde: {  	s28 =	sadd.s32 $0x4, s28;
	v8 =	vmov v41;
	v41 =	vld [tilespmem:$0x1FFF0]  }
0xdf: {  	p1 =	slt.u32 s28, $0x3C;
	[tilespmem:s26+$0xFFFFFFE0] =	vst v61;
	v2 =	vld.idx.msk [tilespmem:v2+s13+$0x0], $0xffff  }
.Ltmp0:
0xe0: {  	v35 =	vld.idx.msk [tilespmem:v4+s13+$0x0], $0xffff;
	[tilespmem:s25+$0x150] =	vst v29;
	(pc) =	sbr.rel @p1 .LBB2_3-.Ltmp0, $4  }
0xe1: {  	[tilespmem:s26+$0xFFFFFFA0] =	vst v62;
	v33 =	vld.idx.msk [tilespmem:v6+s13+$0x0], $0xffff  }
0xe2: {  	v26 =	vor.u32 $0x200, v40;
	v31 =	vld.idx.msk [tilespmem:v31+s13+$0x0], $0xffff;
	[tilespmem:s26+$0xFFFFFFC0] =	vst v63  }
0xe3: {  	v17 =	vor.u32 $0x280, v40;
	v57 =	vor.u32 $0x300, v40;
	v40 =	vor.u32 $0x380, v40;
	v29 =	vld.idx.msk [tilespmem:v30+s13+$0x0], $0xffff;
	[tilespmem:s26+$0xFFFFFF80] =	vst v5  }
0xe4: {  	s29 =	sadd.s32 $0x40, s29;
	v9 =	vmovc v55;
	v13 =	vmovc v57;
	v44 =	vmov v3;
	v36 =	vor.u32 $0x200, v0;
	v6 =	vmov v40;
	v32 =	vld.idx.msk [tilespmem:v32+s13+$0x0], $0xffff;
	[tilespmem:s25+$0x180] =	vst v2  }
0xe5: {  	_ =	sdelay $0x2  }
0xe6: {  	[tilespmem:s26+$0xFFFFFFF0] =	vst v35  }
0xe7: {  	v2 =	vld.idx.msk [tilespmem:v36+s13+$0x0], $0xffff;
	[tilespmem:s26+$0xFFFFFFB0] =	vst v31  }
0xe8: {  	v3 =	vor.u32 $0x200, v1;
	v5 =	vld.idx.msk [tilespmem:v27+s13+$0x0], $0xffff;
	[tilespmem:s26+$0xFFFFFF90] =	vst v32  }
0xe9: {  	[tilespmem:s26+$0xFFFFFFD0] =	vst v29;
	v4 =	vld.idx.msk [tilespmem:v28+s13+$0x0], $0xffff  }
0xea: {  	v26 =	vld.idx.msk [tilespmem:v26+s13+$0x0], $0xffff;
	_ =	sdelay $0x1  }
0xeb: {  	[tilespmem:s26+$0x60] =	vst v2  }
0xec: {  	v2 =	vld.idx.msk [tilespmem:v3+s13+$0x0], $0xffff;
	[tilespmem:s26+$0x20] =	vst v5  }
0xed: {  	v3 =	vor.u32 $0x280, v0;
	v5 =	vld.idx.msk [tilespmem:v21+s13+$0x0], $0xffff;
	[tilespmem:s26+$0x0] =	vst v4  }
0xee: {  	[tilespmem:s26+$0x40] =	vst v26;
	v4 =	vld.idx.msk [tilespmem:v22+s13+$0x0], $0xffff  }
0xef: {  	v20 =	vld.idx.msk [tilespmem:v20+s13+$0x0], $0xffff;
	_ =	sdelay $0x1  }
0xf0: {  	[tilespmem:s26+$0x70] =	vst v2  }
0xf1: {  	v2 =	vld.idx.msk [tilespmem:v3+s13+$0x0], $0xffff;
	[tilespmem:s26+$0x30] =	vst v5  }
0xf2: {  	v3 =	vor.u32 $0x280, v1;
	v5 =	vld.idx.msk [tilespmem:v18+s13+$0x0], $0xffff;
	[tilespmem:s26+$0x10] =	vst v4  }
0xf3: {  	[tilespmem:s26+$0x50] =	vst v20;
	v4 =	vld.idx.msk [tilespmem:v19+s13+$0x0], $0xffff  }
0xf4: {  	v17 =	vld.idx.msk [tilespmem:v17+s13+$0x0], $0xffff;
	_ =	sdelay $0x1  }
0xf5: {  	[tilespmem:s26+$0xE0] =	vst v2  }
0xf6: {  	v2 =	vld.idx.msk [tilespmem:v3+s13+$0x0], $0xffff;
	[tilespmem:s26+$0xA0] =	vst v5  }
0xf7: {  	v3 =	vor.u32 $0x300, v0;
	v5 =	vld.idx.msk [tilespmem:v15+s13+$0x0], $0xffff;
	[tilespmem:s26+$0x80] =	vst v4  }
0xf8: {  	[tilespmem:s26+$0xC0] =	vst v17;
	v4 =	vld.idx.msk [tilespmem:v14+s13+$0x0], $0xffff  }
0xf9: {  	v14 =	vld.idx.msk [tilespmem:v16+s13+$0x0], $0xffff;
	_ =	sdelay $0x1  }
0xfa: {  	[tilespmem:s26+$0xF0] =	vst v2  }
0xfb: {  	v2 =	vld.idx.msk [tilespmem:v3+s13+$0x0], $0xffff;
	[tilespmem:s26+$0xB0] =	vst v5  }
0xfc: {  	v3 =	vor.u32 $0x300, v1;
	v5 =	vld.idx.msk [tilespmem:v9+s13+$0x0], $0xffff;
	[tilespmem:s26+$0x90] =	vst v4  }
0xfd: {  	[tilespmem:s26+$0xD0] =	vst v14;
	v4 =	vld.idx.msk [tilespmem:v12+s13+$0x0], $0xffff  }
0xfe: {  	v9 =	vld.idx.msk [tilespmem:v13+s13+$0x0], $0xffff;
	_ =	sdelay $0x1  }
0xff: {  	[tilespmem:s26+$0x160] =	vst v2  }
0x100: {  	v2 =	vld.idx.msk [tilespmem:v3+s13+$0x0], $0xffff;
	[tilespmem:s26+$0x120] =	vst v5  }
0x101: {  	v0 =	vor.u32 $0x380, v0;
	[tilespmem:s26+$0x100] =	vst v4;
	v4 =	vld.idx.msk [tilespmem:v10+s13+$0x0], $0xffff  }
0x102: {  	[tilespmem:s26+$0x140] =	vst v9;
	v3 =	vld.idx.msk [tilespmem:v7+s13+$0x0], $0xffff  }
0x103: {  	v5 =	vld.idx.msk [tilespmem:v11+s13+$0x0], $0xffff  }
0x104: {  	[tilespmem:s25+$0x1A0] =	vst v34  }
0x105: {  	v7 =	vld.idx.msk [tilespmem:v41+s13+$0x0], $0xffff;
	[tilespmem:s26+$0x170] =	vst v2  }
0x106: {  	v0 =	vld.idx.msk [tilespmem:v0+s13+$0x0], $0xffff;
	[tilespmem:s26+$0x130] =	vst v4  }
0x107: {  	v1 =	vor.u32 $0x380, v1;
	[tilespmem:s26+$0x110] =	vst v3;
	v3 =	vld.idx.msk [tilespmem:v8+s13+$0x0], $0xffff  }
0x108: {  	[tilespmem:s26+$0x150] =	vst v5;
	v2 =	vld.idx.msk [tilespmem:v44+s13+$0x0], $0xffff  }
0x109: {  	[tilespmem:s25+$0x1C0] =	vst v33;
	v4 =	vld.idx.msk [tilespmem:v6+s13+$0x0], $0xffff  }
0x10a: {  	v5 =	vld.idx.msk [tilespmem:v42+s13+$0x0], $0xffff;
	[tilespmem:s25+$0x190] =	vst v7  }
0x10b: {  	v6 =	vld.idx.msk [tilespmem:v43+s13+$0x0], $0xffff;
	[tilespmem:s26+$0x1E0] =	vst v0  }
0x10c: {  	v0 =	vld.idx.msk [tilespmem:v1+s13+$0x0], $0xffff;
	[tilespmem:s26+$0x1A0] =	vst v3  }
0x10d: {  	[tilespmem:s26+$0x180] =	vst v2;
	v2 =	vld.idx.msk [tilespmem:v25+s13+$0x0], $0xffff  }
0x10e: {  	[tilespmem:s26+$0x1C0] =	vst v4;
	v1 =	vld.idx.msk [tilespmem:v24+s13+$0x0], $0xffff  }
0x10f: {  	[tilespmem:s25+$0x1B0] =	vst v5;
	v3 =	vld.idx.msk [tilespmem:v23+s13+$0x0], $0xffff  }
0x110: {  	[tilespmem:s25+$0x1D0] =	vst v6  }
0x111: {  	[tilespmem:s26+$0x1F0] =	vst v0  }
0x112: {  	s31 =	sshll.u32 s22, $0xD;
	[tilespmem:s26+$0x1B0] =	vst v2  }
0x113: {  	s25 =	sadd.s32 s6, s31;
	[tilespmem:s26+$0x190] =	vst v1  }
0x114: {  	s31 =	sadd.s32 s4, s25;
	[tilespmem:s26+$0x1D0] =	vst v3;
	s26 =	simm.s32 @!p0 $0x4  }
0x115: {  	[hbm4b:s31+s5] =	stream.linear.scatter [tilespmem:s16], [sflag:$0x3], $0x4000, $0x38;
	[tilespmem:$0x18800] =	vst v63  }
0x116: {  	_ =	swait.ge @!p0 [sflag:s26], $0x4000  }
0x117: {  	s28 =	simm.s32 $0x0;
	[sflag:s26] =	ssyncset.done @!p0 $0x0  }
0x118: {  	s31 =	sand.u32 $0x3C0, s28;
	[sflag:s26] =	ssyncadd.s32 @!p0 $0xFFFFC000  }
0x119: {  	v0 =	vld [tilespmem:s31+$0x430]  }
0x11a: {  	v1 =	vld [tilespmem:s31+$0x400]  }
0x11b: {  	v5 =	vld [tilespmem:s31+$0x410];
	_ =	sdelay $0x3  }
0x11c: {  	v6 =	vld [tilespmem:s31+$0x420];
	v2 =	vshll.u32 v0, $0x3;
	v3 =	vshll.u32 v1, $0x3  }
0x11d: {  	v4 =	vand.u32 $0x7F, v0;
	v7 =	vshll.u32 v5, $0x3;
	v8 =	vand.u32 $0x7F, v5  }
0x11e: {  	v10 =	vshrl.u32 v1, $0x10;
	v11 =	vshrl.u32 v5, $0x10;
	v2 =	vand.u32 $0x7FC00, v2  }
0x11f: {  	v3 =	vand.u32 $0x7FC00, v3;
	v9 =	vor.u32 v4, v2;
	v2 =	vand.u32 $0x7F, v1  }
0x120: {  	v5 =	vshrl.u32 v5, $0xD;
	v4 =	vand.u32 $0x7FC00, v7;
	v3 =	vor.u32 v2, v3  }
0x121: {  	v13 =	vshrl.u32 v6, $0x10;
	v7 =	vshll.u32 v6, $0x3;
	v2 =	vor.u32 v8, v4  }
0x122: {  	v1 =	vshrl.u32 v1, $0xD;
	v7 =	vand.u32 $0x7FC00, v7;
	v4 =	vand.u32 $0x7F, v6  }
0x123: {  	v4 =	vor.u32 v4, v7;
	v7 =	vshrl.u32 v0, $0x10;
	v0 =	vshrl.u32 v0, $0xD  }
0x124: {  	v1 =	vand.u32 $0x7FC00, v1;
	v7 =	vand.u32 $0x7F, v7;
	v0 =	vand.u32 $0x7FC00, v0;
	v12 =	vld.idx.msk [tilespmem:v9+s13+$0x0], $0xffff  }
0x125: {  	v8 =	vor.u32 v7, v0;
	v0 =	vshrl.u32 v6, $0xD;
	v6 =	vand.u32 $0x7F, v10;
	v14 =	vld.idx.msk [tilespmem:v3+s13+$0x0], $0xffff  }
0x126: {  	v5 =	vand.u32 $0x7FC00, v5;
	v10 =	vand.u32 $0x7F, v11;
	v7 =	vor.u32 v6, v1;
	v11 =	vld.idx.msk [tilespmem:v2+s13+$0x0], $0xffff  }
0x127: {  	v5 =	vor.u32 v10, v5  }
0x128: {  	s26 =	simm.s32 $0x14A00;
	v1 =	vand.u32 $0x7F, v13;
	v0 =	vand.u32 $0x7FC00, v0;
	v10 =	vld.idx.msk [tilespmem:v4+s13+$0x0], $0xffff  }
0x129: {  	v6 =	vor.u32 v1, v0;
	[tilespmem:s26+$0xFFFFFE60] =	vst v12  }
0x12a: {  	v0 =	vld.idx.msk [tilespmem:v8+s13+$0x0], $0xffff;
	[tilespmem:s26+$0xFFFFFE00] =	vst v14  }
0x12b: {  	v1 =	vor.u32 $0x80, v9;
	[tilespmem:s26+$0xFFFFFE20] =	vst v11;
	v12 =	vld.idx.msk [tilespmem:v7+s13+$0x0], $0xffff  }
0x12c: {  	v11 =	vor.u32 $0x80, v3;
	v13 =	vld.idx.msk [tilespmem:v5+s13+$0x0], $0xffff  }
0x12d: {  	[tilespmem:s26+$0xFFFFFE40] =	vst v10;
	v10 =	vor.u32 $0x80, v2  }
0x12e: {  	v14 =	vld.idx.msk [tilespmem:v6+s13+$0x0], $0xffff  }
0x12f: {  	v15 =	vor.u32 $0x80, v4;
	[tilespmem:s26+$0xFFFFFE70] =	vst v0  }
0x130: {  	v0 =	vld.idx.msk [tilespmem:v1+s13+$0x0], $0xffff;
	[tilespmem:s26+$0xFFFFFE10] =	vst v12  }
0x131: {  	v1 =	vor.u32 $0x80, v8;
	[tilespmem:s26+$0xFFFFFE30] =	vst v13;
	v11 =	vld.idx.msk [tilespmem:v11+s13+$0x0], $0xffff  }
0x132: {  	v12 =	vor.u32 $0x80, v7;
	v10 =	vld.idx.msk [tilespmem:v10+s13+$0x0], $0xffff  }
0x133: {  	v13 =	vor.u32 $0x80, v5;
	[tilespmem:s26+$0xFFFFFE50] =	vst v14  }
0x134: {  	v14 =	vld.idx.msk [tilespmem:v15+s13+$0x0], $0xffff  }
0x135: {  	v15 =	vor.u32 $0x80, v6;
	[tilespmem:s26+$0xFFFFFEE0] =	vst v0  }
0x136: {  	v0 =	vld.idx.msk [tilespmem:v1+s13+$0x0], $0xffff;
	[tilespmem:s26+$0xFFFFFE80] =	vst v11  }
0x137: {  	v1 =	vor.u32 $0x100, v9;
	[tilespmem:s26+$0xFFFFFEA0] =	vst v10;
	v11 =	vld.idx.msk [tilespmem:v12+s13+$0x0], $0xffff  }
0x138: {  	v10 =	vor.u32 $0x100, v3;
	v12 =	vld.idx.msk [tilespmem:v13+s13+$0x0], $0xffff  }
0x139: {  	[tilespmem:s26+$0xFFFFFEC0] =	vst v14;
	v13 =	vor.u32 $0x100, v2  }
0x13a: {  	v14 =	vld.idx.msk [tilespmem:v15+s13+$0x0], $0xffff  }
0x13b: {  	v15 =	vor.u32 $0x100, v4;
	[tilespmem:s26+$0xFFFFFEF0] =	vst v0  }
0x13c: {  	v0 =	vld.idx.msk [tilespmem:v1+s13+$0x0], $0xffff;
	[tilespmem:s26+$0xFFFFFE90] =	vst v11  }
0x13d: {  	v1 =	vor.u32 $0x100, v8;
	[tilespmem:s26+$0xFFFFFEB0] =	vst v12;
	v10 =	vld.idx.msk [tilespmem:v10+s13+$0x0], $0xffff  }
0x13e: {  	v11 =	vor.u32 $0x100, v7;
	v12 =	vld.idx.msk [tilespmem:v13+s13+$0x0], $0xffff  }
0x13f: {  	[tilespmem:s26+$0xFFFFFED0] =	vst v14;
	v13 =	vor.u32 $0x100, v5  }
0x140: {  	v14 =	vld.idx.msk [tilespmem:v15+s13+$0x0], $0xffff  }
0x141: {  	v15 =	vor.u32 $0x100, v6;
	[tilespmem:s26+$0xFFFFFF60] =	vst v0  }
0x142: {  	v0 =	vld.idx.msk [tilespmem:v1+s13+$0x0], $0xffff;
	[tilespmem:s26+$0xFFFFFF00] =	vst v10  }
0x143: {  	v1 =	vor.u32 $0x180, v9;
	[tilespmem:s26+$0xFFFFFF20] =	vst v12;
	v10 =	vld.idx.msk [tilespmem:v11+s13+$0x0], $0xffff  }
0x144: {  	v11 =	vor.u32 $0x180, v3;
	v12 =	vld.idx.msk [tilespmem:v13+s13+$0x0], $0xffff  }
0x145: {  	[tilespmem:s26+$0xFFFFFF40] =	vst v14;
	v13 =	vor.u32 $0x180, v2  }
0x146: {  	v14 =	vld.idx.msk [tilespmem:v15+s13+$0x0], $0xffff  }
0x147: {  	v15 =	vor.u32 $0x180, v4;
	[tilespmem:s26+$0xFFFFFF70] =	vst v0  }
0x148: {  	v0 =	vld.idx.msk [tilespmem:v1+s13+$0x0], $0xffff;
	[tilespmem:s26+$0xFFFFFF10] =	vst v10  }
0x149: {  	s28 =	simm.s32 $0x40;
	v1 =	vor.u32 $0x180, v8;
	[tilespmem:s26+$0xFFFFFF30] =	vst v12;
	v10 =	vld.idx.msk [tilespmem:v11+s13+$0x0], $0xffff  }
0x14a: {  	s28 =	sand.u32 $0x3C0, s28;
	v11 =	vor.u32 $0x180, v7;
	v12 =	vld.idx.msk [tilespmem:v13+s13+$0x0], $0xffff  }
0x14b: {  	v16 =	vld [tilespmem:s28+$0x410];
	[tilespmem:s26+$0xFFFFFF50] =	vst v14;
	v13 =	vor.u32 $0x180, v5  }
0x14c: {  	v14 =	vld.idx.msk [tilespmem:v15+s13+$0x0], $0xffff  }
0x14d: {  	v18 =	vld [tilespmem:s28+$0x420];
	v15 =	vor.u32 $0x180, v6;
	[tilespmem:s26+$0xFFFFFFE0] =	vst v0  }
0x14e: {  	v0 =	vld.idx.msk [tilespmem:v1+s13+$0x0], $0xffff;
	[tilespmem:s26+$0xFFFFFF80] =	vst v10  }
0x14f: {  	v1 =	vor.u32 $0x200, v9;
	[tilespmem:s26+$0xFFFFFFA0] =	vst v12;
	v10 =	vld.idx.msk [tilespmem:v11+s13+$0x0], $0xffff  }
0x150: {  	v11 =	vld.idx.msk [tilespmem:v13+s13+$0x0], $0xffff  }
0x151: {  	[tilespmem:s26+$0xFFFFFFC0] =	vst v14;
	v14 =	vld [tilespmem:s28+$0x430]  }
0x152: {  	v13 =	vor.u32 $0x200, v3;
	v12 =	vld.idx.msk [tilespmem:v15+s13+$0x0], $0xffff  }
0x153: {  	v15 =	vld [tilespmem:s28+$0x400];
	[tilespmem:s26+$0xFFFFFFF0] =	vst v0  }
0x154: {  	v0 =	vld.idx.msk [tilespmem:v1+s13+$0x0], $0xffff;
	v1 =	vor.u32 $0x200, v2  }
0x155: {  	[tilespmem:s26+$0xFFFFFF90] =	vst v10;
	v10 =	vor.u32 $0x200, v4  }
0x156: {  	v17 =	vor.u32 $0x200, v8  }
0x157: {  	v25 =	vshll.u32 v18, $0x3;
	v20 =	vshll.u32 v14, $0x3;
	[tilespmem:s26+$0xFFFFFFB0] =	vst v11;
	v13 =	vld.idx.msk [tilespmem:v13+s13+$0x0], $0xffff  }
0x158: {  	v19 =	vor.u32 $0x200, v7;
	v11 =	vand.u32 $0x7F, v14;
	v20 =	vand.u32 $0x7FC00, v20;
	[tilespmem:s26+$0xFFFFFFD0] =	vst v12  }
0x159: {  	v27 =	vand.u32 $0x7F, v16;
	v23 =	vshll.u32 v15, $0x3;
	v1 =	vld.idx.msk [tilespmem:v1+s13+$0x0], $0xffff;
	[tilespmem:s26+$0x60] =	vst v0;
	v0 =	vor.u32 v11, v20  }
0x15a: {  	v21 =	vor.u32 $0x200, v5;
	v12 =	vand.u32 $0x7F, v15;
	v20 =	vand.u32 $0x7FC00, v23;
	v26 =	vld.idx.msk [tilespmem:v10+s13+$0x0], $0xffff  }
0x15b: {  	v24 =	vor.u32 $0x280, v9;
	v23 =	vshll.u32 v16, $0x3;
	v17 =	vld.idx.msk [tilespmem:v17+s13+$0x0], $0xffff;
	v10 =	vor.u32 v12, v20  }
0x15c: {  	v28 =	vor.u32 $0x280, v8;
	v22 =	vor.u32 $0x200, v6;
	v23 =	vand.u32 $0x7FC00, v23;
	[tilespmem:s26+$0x0] =	vst v13  }
0x15d: {  	v12 =	vand.u32 $0x7FC00, v25;
	v13 =	vand.u32 $0x7F, v18;
	v23 =	vor.u32 v27, v23;
	v19 =	vld.idx.msk [tilespmem:v19+s13+$0x0], $0xffff  }
0x15e: {  	v11 =	vor.u32 $0x280, v3;
	v25 =	vor.u32 v13, v12;
	v13 =	vshrl.u32 v14, $0xD;
	[tilespmem:s26+$0x20] =	vst v1;
	v12 =	vld.idx.msk [tilespmem:v0+s13+$0x0], $0xffff  }
0x15f: {  	v13 =	vand.u32 $0x7FC00, v13;
	v1 =	vshrl.u32 v14, $0x10;
	v14 =	vshrl.u32 v15, $0x10;
	v20 =	vld.idx.msk [tilespmem:v21+s13+$0x0], $0xffff  }
0x160: {  	v15 =	vshrl.u32 v15, $0xD;
	v1 =	vand.u32 $0x7F, v1;
	[tilespmem:s26+$0x70] =	vst v17;
	v17 =	vshrl.u32 v16, $0x10;
	v27 =	vld.idx.msk [tilespmem:v10+s13+$0x0], $0xffff  }
0x161: {  	[tilespmem:s26+$0x40] =	vst v26;
	v14 =	vand.u32 $0x7F, v14;
	v15 =	vand.u32 $0x7FC00, v15;
	v1 =	vor.u32 v1, v13;
	v13 =	vld.idx.msk [tilespmem:v24+s13+$0x0], $0xffff  }
0x162: {  	s28 =	simm.s32 $0x14E00;
	v16 =	vshrl.u32 v16, $0xD;
	v21 =	vshrl.u32 v18, $0x10;
	v26 =	vld.idx.msk [tilespmem:v23+s13+$0x0], $0xffff;
	v24 =	vor.u32 v14, v15;
	[tilespmem:s26+$0x10] =	vst v19  }
0x163: {  	v18 =	vshrl.u32 v18, $0xD;
	v17 =	vand.u32 $0x7F, v17;
	v16 =	vand.u32 $0x7FC00, v16;
	v14 =	vld.idx.msk [tilespmem:v25+s13+$0x0], $0xffff;
	[tilespmem:s28+$0xFFFFFE60] =	vst v12  }
0x164: {  	v15 =	vand.u32 $0x7F, v21;
	v30 =	vor.u32 v17, v16;
	v16 =	vand.u32 $0x7FC00, v18;
	v11 =	vld.idx.msk [tilespmem:v11+s13+$0x0], $0xffff;
	[tilespmem:s26+$0x30] =	vst v20  }
0x165: {  	v31 =	vor.u32 v15, v16;
	v12 =	vld.idx.msk [tilespmem:v22+s13+$0x0], $0xffff;
	[tilespmem:s28+$0xFFFFFE00] =	vst v27  }
0x166: {  	v18 =	vor.u32 $0x280, v4;
	v15 =	vld.idx.msk [tilespmem:v1+s13+$0x0], $0xffff;
	[tilespmem:s26+$0xE0] =	vst v13  }
0x167: {  	v16 =	vor.u32 $0x280, v2;
	v19 =	vld.idx.msk [tilespmem:v24+s13+$0x0], $0xffff;
	[tilespmem:s28+$0xFFFFFE20] =	vst v26  }
0x168: {  	v13 =	vor.u32 $0x80, v0;
	[tilespmem:s28+$0xFFFFFE40] =	vst v14;
	v17 =	vld.idx.msk [tilespmem:v28+s13+$0x0], $0xffff  }
0x169: {  	v21 =	vor.u32 $0x80, v10;
	v20 =	vld.idx.msk [tilespmem:v30+s13+$0x0], $0xffff;
	[tilespmem:s26+$0x80] =	vst v11  }
0x16a: {  	v11 =	vor.u32 $0x280, v7;
	v22 =	vld.idx.msk [tilespmem:v31+s13+$0x0], $0xffff;
	[tilespmem:s26+$0x50] =	vst v12  }
0x16b: {  	v14 =	vor.u32 $0x300, v9;
	v18 =	vld.idx.msk [tilespmem:v18+s13+$0x0], $0xffff  }
0x16c: {  	v12 =	vor.u32 $0x80, v23;
	[tilespmem:s28+$0xFFFFFE70] =	vst v15;
	v15 =	vld.idx.msk [tilespmem:v16+s13+$0x0], $0xffff  }
0x16d: {  	v16 =	vor.u32 $0x80, v25;
	[tilespmem:s28+$0xFFFFFE10] =	vst v19;
	v13 =	vld.idx.msk [tilespmem:v13+s13+$0x0], $0xffff  }
0x16e: {  	v19 =	vor.u32 $0x280, v5;
	[tilespmem:s26+$0xF0] =	vst v17;
	v21 =	vld.idx.msk [tilespmem:v21+s13+$0x0], $0xffff  }
0x16f: {  	v17 =	vor.u32 $0x80, v1;
	[tilespmem:s28+$0xFFFFFE30] =	vst v20;
	v11 =	vld.idx.msk [tilespmem:v11+s13+$0x0], $0xffff  }
0x170: {  	v14 =	vld.idx.msk [tilespmem:v14+s13+$0x0], $0xffff;
	[tilespmem:s28+$0xFFFFFE50] =	vst v22;
	v22 =	vor.u32 $0x80, v24  }
0x171: {  	v20 =	vor.u32 $0x300, v8;
	v12 =	vld.idx.msk [tilespmem:v12+s13+$0x0], $0xffff;
	[tilespmem:s26+$0xC0] =	vst v18  }
0x172: {  	v16 =	vld.idx.msk [tilespmem:v16+s13+$0x0], $0xffff;
	[tilespmem:s26+$0xA0] =	vst v15;
	v15 =	vor.u32 $0x80, v30  }
0x173: {  	v18 =	vor.u32 $0x280, v6;
	[tilespmem:s28+$0xFFFFFEE0] =	vst v13;
	v19 =	vld.idx.msk [tilespmem:v19+s13+$0x0], $0xffff  }
0x174: {  	v13 =	vor.u32 $0x80, v31;
	[tilespmem:s28+$0xFFFFFE80] =	vst v21;
	v17 =	vld.idx.msk [tilespmem:v17+s13+$0x0], $0xffff  }
0x175: {  	v21 =	vor.u32 $0x300, v3;
	[tilespmem:s26+$0x160] =	vst v14;
	v22 =	vld.idx.msk [tilespmem:v22+s13+$0x0], $0xffff  }
0x176: {  	v14 =	vor.u32 $0x100, v0;
	v20 =	vld.idx.msk [tilespmem:v20+s13+$0x0], $0xffff;
	[tilespmem:s28+$0xFFFFFEA0] =	vst v12  }
0x177: {  	v9 =	vor.u32 $0x380, v9;
	[tilespmem:s26+$0x90] =	vst v11;
	v12 =	vld.idx.msk [tilespmem:v15+s13+$0x0], $0xffff  }
0x178: {  	[tilespmem:s28+$0xFFFFFEC0] =	vst v16;
	v15 =	vor.u32 $0x100, v10;
	v16 =	vld.idx.msk [tilespmem:v18+s13+$0x0], $0xffff  }
0x179: {  	v11 =	vor.u32 $0x100, v23;
	v13 =	vld.idx.msk [tilespmem:v13+s13+$0x0], $0xffff;
	[tilespmem:s26+$0xB0] =	vst v19  }
0x17a: {  	v19 =	vld.idx.msk [tilespmem:v21+s13+$0x0], $0xffff;
	[tilespmem:s28+$0xFFFFFEF0] =	vst v17;
	v17 =	vor.u32 $0x100, v25  }
0x17b: {  	v18 =	vor.u32 $0x300, v2;
	v14 =	vld.idx.msk [tilespmem:v14+s13+$0x0], $0xffff;
	[tilespmem:s26+$0x170] =	vst v20  }
0x17c: {  	[tilespmem:s28+$0xFFFFFE90] =	vst v22;
	v20 =	vor.u32 $0x100, v1;
	v9 =	vld.idx.msk [tilespmem:v9+s13+$0x0], $0xffff  }
0x17d: {  	v21 =	vor.u32 $0x300, v4;
	v15 =	vld.idx.msk [tilespmem:v15+s13+$0x0], $0xffff;
	[tilespmem:s28+$0xFFFFFEB0] =	vst v12  }
0x17e: {  	v8 =	vor.u32 $0x380, v8;
	v11 =	vld.idx.msk [tilespmem:v11+s13+$0x0], $0xffff;
	[tilespmem:s28+$0xFFFFFED0] =	vst v13  }
0x17f: {  	v12 =	vor.u32 $0x100, v24;
	[tilespmem:s26+$0xD0] =	vst v16;
	v13 =	vld.idx.msk [tilespmem:v17+s13+$0x0], $0xffff  }
0x180: {  	v16 =	vor.u32 $0x100, v30;
	[tilespmem:s28+$0xFFFFFF60] =	vst v14;
	v14 =	vld.idx.msk [tilespmem:v18+s13+$0x0], $0xffff  }
0x181: {  	[tilespmem:s26+$0x100] =	vst v19;
	v17 =	vor.u32 $0x100, v31;
	v18 =	vld.idx.msk [tilespmem:v20+s13+$0x0], $0xffff  }
0x182: {  	v19 =	vor.u32 $0x300, v7;
	v20 =	vld.idx.msk [tilespmem:v21+s13+$0x0], $0xffff;
	[tilespmem:s26+$0x1E0] =	vst v9  }
0x183: {  	v9 =	vor.u32 $0x180, v0;
	[tilespmem:s28+$0xFFFFFF00] =	vst v15;
	v8 =	vld.idx.msk [tilespmem:v8+s13+$0x0], $0xffff  }
0x184: {  	v15 =	vor.u32 $0x300, v5;
	v12 =	vld.idx.msk [tilespmem:v12+s13+$0x0], $0xffff;
	[tilespmem:s28+$0xFFFFFF20] =	vst v11  }
0x185: {  	v11 =	vor.u32 $0x300, v6;
	v16 =	vld.idx.msk [tilespmem:v16+s13+$0x0], $0xffff;
	[tilespmem:s28+$0xFFFFFF40] =	vst v13  }
0x186: {  	v13 =	vor.u32 $0x180, v10;
	v17 =	vld.idx.msk [tilespmem:v17+s13+$0x0], $0xffff;
	[tilespmem:s26+$0x120] =	vst v14  }
0x187: {  	v14 =	vor.u32 $0x180, v23;
	[tilespmem:s28+$0xFFFFFF70] =	vst v18;
	v18 =	vld.idx.msk [tilespmem:v19+s13+$0x0], $0xffff  }
0x188: {  	v60 =	vor.u32 $0x380, v3;
	v44 =	vor.u32 $0x380, v7;
	v7 =	vor.u32 $0x180, v25;
	[tilespmem:s26+$0x140] =	vst v20;
	v9 =	vld.idx.msk [tilespmem:v9+s13+$0x0], $0xffff  }
0x189: {  	v61 =	vor.u32 $0x380, v2;
	v37 =	vor.u32 $0x380, v4;
	v43 =	vor.u32 $0x380, v5;
	v5 =	vld.idx.msk [tilespmem:v15+s13+$0x0], $0xffff;
	[tilespmem:s26+$0x1F0] =	vst v8  }
0x18a: {  	v45 =	vor.u32 $0x380, v6;
	v46 =	vor.u32 $0x380, v10;
	v6 =	vor.u32 $0x180, v1;
	[tilespmem:s28+$0xFFFFFF10] =	vst v12;
	v11 =	vld.idx.msk [tilespmem:v11+s13+$0x0], $0xffff  }
0x18b: {  	v38 =	vor.u32 $0x180, v24;
	v39 =	vor.u32 $0x180, v30;
	v29 =	vor.u32 $0x180, v31;
	v40 =	vld.idx.msk [tilespmem:v13+s13+$0x0], $0xffff;
	[tilespmem:s28+$0xFFFFFF30] =	vst v16  }
0x18c: {  	v27 =	vor.u32 $0x200, v23;
	v26 =	vor.u32 $0x200, v25;
	v28 =	vor.u32 $0x200, v10;
	v62 =	vld.idx.msk [tilespmem:v14+s13+$0x0], $0xffff;
	[tilespmem:s28+$0xFFFFFF50] =	vst v17  }
0x18d: {  	v22 =	vor.u32 $0x200, v24;
	v21 =	vor.u32 $0x200, v30;
	v20 =	vor.u32 $0x200, v31;
	v63 =	vld.idx.msk [tilespmem:v7+s13+$0x0], $0xffff;
	[tilespmem:s26+$0x110] =	vst v18  }
0x18e: {  	v19 =	vor.u32 $0x280, v10;
	v15 =	vor.u32 $0x280, v30;
	v8 =	vor.u32 $0x300, v24;
	[tilespmem:s28+$0xFFFFFFE0] =	vst v9;
	v33 =	vld.idx.msk [tilespmem:v60+s13+$0x0], $0xffff  }
0x18f: {  	v12 =	vor.u32 $0x300, v10;
	v10 =	vor.u32 $0x300, v31;
	v16 =	vor.u32 $0x280, v31;
	[tilespmem:s26+$0x130] =	vst v5;
	v36 =	vld.idx.msk [tilespmem:v6+s13+$0x0], $0xffff  }
0x190: {  	v13 =	vor.u32 $0x300, v25;
	v17 =	vor.u32 $0x280, v25;
	v14 =	vor.u32 $0x280, v24;
	v35 =	vld.idx.msk [tilespmem:v61+s13+$0x0], $0xffff;
	[tilespmem:s26+$0x150] =	vst v11  }
0x191: {  	v24 =	vor.u32 $0x380, v24;
	v18 =	vor.u32 $0x280, v23;
	v7 =	vor.u32 $0x380, v23;
	[tilespmem:s28+$0xFFFFFF80] =	vst v40;
	v34 =	vld.idx.msk [tilespmem:v37+s13+$0x0], $0xffff  }
0x192: {  	v9 =	vor.u32 $0x300, v23;
	v23 =	vor.u32 $0x380, v31;
	v11 =	vor.u32 $0x300, v30;
	[tilespmem:s28+$0xFFFFFFA0] =	vst v62;
	v32 =	vld.idx.msk [tilespmem:v38+s13+$0x0], $0xffff  }
0x193: {  	s29 =	simm.s32 $0x4;
	s30 =	simm.s32 $0x80;
	v6 =	vor.u32 $0x380, v25;
	v25 =	vor.u32 $0x380, v30;
	v37 =	vor.u32 $0x200, v0;
	[tilespmem:s28+$0xFFFFFFC0] =	vst v63;
	v30 =	vld.idx.msk [tilespmem:v39+s13+$0x0], $0xffff  }
.LBB2_5:
0x194: {  	[tilespmem:$0x1FFA0] =	vst v6;
	s31 =	sand.u32 $0x3C0, s30;
	v29 =	vld.idx.msk [tilespmem:v29+s13+$0x0], $0xffff  }
0x195: {  	v31 =	vld [tilespmem:s31+$0x430];
	[tilespmem:s26+$0x180] =	vst v33  }
0x196: {  	[tilespmem:s26+$0x1A0] =	vst v35;
	v49 =	vld [tilespmem:s31+$0x400]  }
0x197: {  	[tilespmem:s28+$0xFFFFFFF0] =	vst v36;
	v50 =	vld [tilespmem:s31+$0x410]  }
0x198: {  	[tilespmem:s26+$0x1C0] =	vst v34;
	v48 =	vld.idx.msk [tilespmem:v37+s13+$0x0], $0xffff  }
0x199: {  	[tilespmem:s28+$0xFFFFFF90] =	vst v32;
	v52 =	vld [tilespmem:s31+$0x420]  }
0x19a: {  	v2 =	vmov v24;
	[tilespmem:s28+$0xFFFFFFB0] =	vst v30;
	v28 =	vld.idx.msk [tilespmem:v28+s13+$0x0], $0xffff  }
0x19b: {  	v51 =	vor.u32 $0x200, v1;
	[tilespmem:$0x1FF90] =	vst v2;
	v27 =	vld.idx.msk [tilespmem:v27+s13+$0x0], $0xffff  }
0x19c: {  	v3 =	vmov v25;
	[tilespmem:s28+$0xFFFFFFD0] =	vst v29;
	v39 =	vld.idx.msk [tilespmem:v44+s13+$0x0], $0xffff;
	v29 =	vshll.u32 v31, $0x3;
	v53 =	vand.u32 $0x7F, v31  }
0x19d: {  	[tilespmem:$0x1FFB0] =	vst v3;
	v26 =	vld.idx.msk [tilespmem:v26+s13+$0x0], $0xffff;
	v29 =	vand.u32 $0x7FC00, v29;
	v30 =	vshll.u32 v49, $0x3;
	v38 =	vshll.u32 v50, $0x3  }
0x19e: {  	v42 =	vld.idx.msk [tilespmem:v43+s13+$0x0], $0xffff;
	v55 =	vand.u32 $0x7F, v49;
	[tilespmem:s28+$0x60] =	vst v48;
	v54 =	vand.u32 $0x7FC00, v30;
	v30 =	vor.u32 v53, v29  }
0x19f: {  	v2 =	vmovc v23;
	v40 =	vand.u32 $0x7F, v50;
	v56 =	vand.u32 $0x7FC00, v38;
	[tilespmem:s28+$0x0] =	vst v28;
	v28 =	vld.idx.msk [tilespmem:v45+s13+$0x0], $0xffff;
	v24 =	vor.u32 v55, v54  }
0x1a0: {  	v41 =	vor.u32 $0x280, v0;
	[tilespmem:$0x1FF80] =	vst v2;
	v29 =	vld.idx.msk [tilespmem:v51+s13+$0x0], $0xffff;
	v25 =	vor.u32 v40, v56  }
0x1a1: {  	v59 =	vshrl.u32 v49, $0x10;
	v57 =	vshll.u32 v52, $0x3;
	v58 =	vand.u32 $0x7F, v52;
	[tilespmem:s28+$0x20] =	vst v27;
	v22 =	vld.idx.msk [tilespmem:v22+s13+$0x0], $0xffff  }
0x1a2: {  	v27 =	vshrl.u32 v31, $0x10;
	v31 =	vshrl.u32 v31, $0xD;
	v38 =	vand.u32 $0x7FC00, v57;
	[tilespmem:s28+$0x40] =	vst v26;
	v21 =	vld.idx.msk [tilespmem:v21+s13+$0x0], $0xffff  }
0x1a3: {  	v27 =	vand.u32 $0x7F, v27;
	v31 =	vand.u32 $0x7FC00, v31;
	[tilespmem:s26+$0x190] =	vst v39;
	v40 =	vor.u32 v58, v38;
	v60 =	vld.idx.msk [tilespmem:v30+s13+$0x0], $0xffff  }
0x1a4: {  	v35 =	vshrl.u32 v49, $0xD;
	v23 =	vshrl.u32 v50, $0x10;
	[tilespmem:s26+$0x1B0] =	vst v42;
	v33 =	vor.u32 v27, v31;
	v31 =	vld.idx.msk [tilespmem:v24+s13+$0x0], $0xffff  }
0x1a5: {  	v62 =	vand.u32 $0x7F, v59;
	v35 =	vand.u32 $0x7FC00, v35;
	v26 =	vshrl.u32 v50, $0xD;
	[tilespmem:s28+$0x70] =	vst v29;
	v63 =	vld.idx.msk [tilespmem:v25+s13+$0x0], $0xffff  }
0x1a6: {  	v23 =	vand.u32 $0x7F, v23;
	v26 =	vand.u32 $0x7FC00, v26;
	[tilespmem:s26+$0x1D0] =	vst v28;
	s26 =	smov.u32 s28;
	v27 =	vld.idx.msk [tilespmem:v41+s13+$0x0], $0xffff;
	v41 =	vor.u32 v62, v35  }
0x1a7: {  	v23 =	vor.u32 v23, v26;
	[tilespmem:s26+$0x10] =	vst v22;
	v20 =	vld.idx.msk [tilespmem:v20+s13+$0x0], $0xffff  }
0x1a8: {  	v61 =	vshrl.u32 v52, $0xD;
	v29 =	vshrl.u32 v52, $0x10;
	s28 =	sadd.s32 $0x400, s28;
	[tilespmem:s26+$0x30] =	vst v21;
	v26 =	vld.idx.msk [tilespmem:v40+s13+$0x0], $0xffff  }
0x1a9: {  	v57 =	vor.u32 $0x280, v1;
	v28 =	vand.u32 $0x7FC00, v61;
	v29 =	vand.u32 $0x7F, v29;
	v19 =	vld.idx.msk [tilespmem:v19+s13+$0x0], $0xffff;
	[tilespmem:s28+$0xFFFFFE60] =	vst v60  }
0x1aa: {  	v44 =	vor.u32 v29, v28;
	v22 =	vld.idx.msk [tilespmem:v33+s13+$0x0], $0xffff;
	[tilespmem:s28+$0xFFFFFE00] =	vst v31  }
0x1ab: {  	v2 =	vor.u32 $0x300, v1;
	[tilespmem:s28+$0xFFFFFE20] =	vst v63;
	v54 =	vld.idx.msk [tilespmem:v41+s13+$0x0], $0xffff  }
0x1ac: {  	v56 =	vor.u32 $0x300, v0;
	v42 =	vor.u32 $0x80, v24;
	v52 =	vor.u32 $0x80, v30;
	[tilespmem:s26+$0xE0] =	vst v27;
	v55 =	vld.idx.msk [tilespmem:v23+s13+$0x0], $0xffff  }
0x1ad: {  	v43 =	vor.u32 $0x80, v25;
	v48 =	vor.u32 $0x100, v24;
	v49 =	vor.u32 $0x100, v25;
	[tilespmem:s28+$0xFFFFFE40] =	vst v26;
	v58 =	vld.idx.msk [tilespmem:v18+s13+$0x0], $0xffff  }
0x1ae: {  	v34 =	vor.u32 $0x180, v24;
	v36 =	vor.u32 $0x180, v25;
	v3 =	vor.u32 $0x380, v24;
	[tilespmem:s26+$0x80] =	vst v19;
	v53 =	vld.idx.msk [tilespmem:v57+s13+$0x0], $0xffff  }
0x1af: {  	v6 =	vmovc v46;
	v47 =	vor.u32 $0x80, v40;
	v46 =	vor.u32 $0x80, v23;
	v39 =	vor.u32 $0x100, v23;
	v57 =	vld.idx.msk [tilespmem:v44+s13+$0x0], $0xffff;
	[tilespmem:s26+$0x50] =	vst v20  }
0x1b0: {  	v4 =	vor.u32 $0x300, v23;
	v61 =	vor.u32 $0x300, v24;
	v21 =	vor.u32 $0x200, v23;
	v59 =	vld.idx.msk [tilespmem:v17+s13+$0x0], $0xffff;
	[tilespmem:s28+$0xFFFFFE70] =	vst v22  }
0x1b1: {  	v45 =	vor.u32 $0x80, v41;
	v37 =	vor.u32 $0x100, v41;
	v32 =	vor.u32 $0x180, v41;
	v52 =	vld.idx.msk [tilespmem:v52+s13+$0x0], $0xffff;
	[tilespmem:s28+$0xFFFFFE10] =	vst v54  }
0x1b2: {  	v28 =	vor.u32 $0x200, v24;
	v50 =	vor.u32 $0x80, v44;
	v38 =	vor.u32 $0x100, v44;
	[tilespmem:s28+$0xFFFFFE30] =	vst v55;
	v42 =	vld.idx.msk [tilespmem:v42+s13+$0x0], $0xffff  }
0x1b3: {  	v29 =	vor.u32 $0x180, v44;
	v62 =	vor.u32 $0x280, v44;
	v60 =	vor.u32 $0x80, v33;
	[tilespmem:s26+$0xF0] =	vst v53;
	v43 =	vld.idx.msk [tilespmem:v43+s13+$0x0], $0xffff  }
0x1b4: {  	v5 =	vor.u32 $0x300, v44;
	v31 =	vor.u32 $0x180, v23;
	v63 =	vor.u32 $0x300, v41;
	[tilespmem:s28+$0xFFFFFE50] =	vst v57;
	v56 =	vld.idx.msk [tilespmem:v56+s13+$0x0], $0xffff  }
0x1b5: {  	v27 =	vor.u32 $0x200, v25;
	v19 =	vor.u32 $0x280, v24;
	v18 =	vor.u32 $0x280, v25;
	[tilespmem:s26+$0xA0] =	vst v58;
	v47 =	vld.idx.msk [tilespmem:v47+s13+$0x0], $0xffff  }
0x1b6: {  	v24 =	vor.u32 $0x380, v41;
	v20 =	vor.u32 $0x200, v44;
	v22 =	vor.u32 $0x200, v41;
	[tilespmem:s26+$0xC0] =	vst v59;
	v58 =	vld.idx.msk [tilespmem:v15+s13+$0x0], $0xffff  }
0x1b7: {  	v54 =	vor.u32 $0x280, v23;
	v55 =	vor.u32 $0x300, v25;
	v53 =	vor.u32 $0x280, v41;
	[tilespmem:s28+$0xFFFFFEE0] =	vst v52;
	v52 =	vld.idx.msk [tilespmem:v14+s13+$0x0], $0xffff  }
0x1b8: {  	v41 =	vor.u32 $0x380, v25;
	v25 =	vor.u32 $0x380, v23;
	v23 =	vor.u32 $0x380, v44;
	v44 =	vld.idx.msk [tilespmem:v60+s13+$0x0], $0xffff;
	[tilespmem:s28+$0xFFFFFE80] =	vst v42  }
0x1b9: {  	[tilespmem:s28+$0xFFFFFEA0] =	vst v43;
	v45 =	vld.idx.msk [tilespmem:v45+s13+$0x0], $0xffff  }
0x1ba: {  	v59 =	vor.u32 $0x100, v30;
	[tilespmem:s26+$0x160] =	vst v56;
	v43 =	vld.idx.msk [tilespmem:v46+s13+$0x0], $0xffff  }
0x1bb: {  	[tilespmem:s28+$0xFFFFFEC0] =	vst v47;
	v2 =	vld.idx.msk [tilespmem:v2+s13+$0x0], $0xffff  }
0x1bc: {  	v60 =	vor.u32 $0x380, v0;
	v0 =	vmov v30;
	v30 =	vld.idx.msk [tilespmem:v50+s13+$0x0], $0xffff  }
0x1bd: {  	[tilespmem:s26+$0x90] =	vst v52;
	v52 =	vld.idx.msk [tilespmem:v16+s13+$0x0], $0xffff  }
0x1be: {  	v15 =	vmov v54;
	[tilespmem:s28+$0xFFFFFEF0] =	vst v44;
	v54 =	vld.idx.msk [tilespmem:v12+s13+$0x0], $0xffff  }
0x1bf: {  	v51 =	vor.u32 $0x100, v40;
	[tilespmem:s26+$0xB0] =	vst v58;
	v42 =	vld.idx.msk [tilespmem:v59+s13+$0x0], $0xffff  }
0x1c0: {  	[tilespmem:s28+$0xFFFFFE90] =	vst v45;
	v45 =	vld [tilespmem:$0x1FF80]  }
0x1c1: {  	[tilespmem:s28+$0xFFFFFEB0] =	vst v43;
	v58 =	vld.idx.msk [tilespmem:v48+s13+$0x0], $0xffff  }
0x1c2: {  	[tilespmem:s26+$0x170] =	vst v2;
	v2 =	vor.u32 $0x100, v33;
	v43 =	vld.idx.msk [tilespmem:v49+s13+$0x0], $0xffff  }
0x1c3: {  	[tilespmem:s28+$0xFFFFFED0] =	vst v30;
	v56 =	vld.idx.msk [tilespmem:v60+s13+$0x0], $0xffff  }
0x1c4: {  	v59 =	vld.idx.msk [tilespmem:v51+s13+$0x0], $0xffff;
	[tilespmem:s26+$0xD0] =	vst v52  }
0x1c5: {  	v60 =	vld.idx.msk [tilespmem:v9+s13+$0x0], $0xffff;
	[tilespmem:s26+$0x100] =	vst v54  }
0x1c6: {  	v30 =	vor.u32 $0x380, v1;
	v44 =	vld.idx.msk [tilespmem:v13+s13+$0x0], $0xffff;
	[tilespmem:s28+$0xFFFFFF60] =	vst v42  }
0x1c7: {  	v2 =	vld.idx.msk [tilespmem:v2+s13+$0x0], $0xffff;
	[tilespmem:s28+$0xFFFFFF00] =	vst v58  }
0x1c8: {  	[tilespmem:s28+$0xFFFFFF20] =	vst v43;
	v43 =	vld [tilespmem:$0x1FFB0]  }
0x1c9: {  	v37 =	vld.idx.msk [tilespmem:v37+s13+$0x0], $0xffff  }
0x1ca: {  	[tilespmem:s26+$0x1E0] =	vst v56;
	v39 =	vld.idx.msk [tilespmem:v39+s13+$0x0], $0xffff  }
0x1cb: {  	v12 =	vmov v61;
	v61 =	vor.u32 $0x180, v0;
	[tilespmem:s28+$0xFFFFFF40] =	vst v59;
	v30 =	vld.idx.msk [tilespmem:v30+s13+$0x0], $0xffff  }
0x1cc: {  	v1 =	vmov v33;
	[tilespmem:s26+$0x120] =	vst v60;
	v33 =	vld.idx.msk [tilespmem:v38+s13+$0x0], $0xffff  }
0x1cd: {  	v42 =	vld.idx.msk [tilespmem:v11+s13+$0x0], $0xffff  }
0x1ce: {  	[tilespmem:s28+$0xFFFFFF70] =	vst v2;
	v2 =	vld.idx.msk [tilespmem:v8+s13+$0x0], $0xffff  }
0x1cf: {  	[tilespmem:s26+$0x140] =	vst v44;
	v44 =	vld [tilespmem:$0x1FF90]  }
0x1d0: {  	v35 =	vor.u32 $0x180, v40;
	v16 =	vmov v62;
	v62 =	vld.idx.msk [tilespmem:v61+s13+$0x0], $0xffff;
	[tilespmem:s28+$0xFFFFFF10] =	vst v37  }
0x1d1: {  	[tilespmem:s26+$0x1F0] =	vst v30;
	v30 =	vld.idx.msk [tilespmem:v10+s13+$0x0], $0xffff  }
0x1d2: {  	[tilespmem:s28+$0xFFFFFF30] =	vst v39;
	v10 =	vmov v5;
	v5 =	vld.idx.msk [tilespmem:v34+s13+$0x0], $0xffff  }
0x1d3: {  	v11 =	vmov v4;
	v4 =	vor.u32 $0x180, v1;
	[tilespmem:s26+$0x110] =	vst v2;
	v2 =	vld [tilespmem:$0x1FFA0]  }
0x1d4: {  	v39 =	vld.idx.msk [tilespmem:v36+s13+$0x0], $0xffff;
	[tilespmem:s28+$0xFFFFFF50] =	vst v33  }
0x1d5: {  	s29 =	sadd.s32 $0x4, s29;
	v8 =	vmov v63;
	[tilespmem:s26+$0x130] =	vst v42;
	v63 =	vld.idx.msk [tilespmem:v35+s13+$0x0], $0xffff  }
0x1d6: {  	p0 =	slt.u32 s29, $0x3C;
	v35 =	vld.idx.msk [tilespmem:v7+s13+$0x0], $0xffff  }
.Ltmp1:
0x1d7: {  	[tilespmem:s28+$0xFFFFFFE0] =	vst v62;
	v33 =	vld.idx.msk [tilespmem:v6+s13+$0x0], $0xffff;
	(pc) =	sbr.rel @p0 .LBB2_5-.Ltmp1, $4  }
0x1d8: {  	v36 =	vld.idx.msk [tilespmem:v4+s13+$0x0], $0xffff;
	[tilespmem:s28+$0xFFFFFF80] =	vst v5  }
0x1d9: {  	v26 =	vor.u32 $0x200, v40;
	[tilespmem:s28+$0xFFFFFFA0] =	vst v39;
	v32 =	vld.idx.msk [tilespmem:v32+s13+$0x0], $0xffff  }
0x1da: {  	v17 =	vor.u32 $0x280, v40;
	v57 =	vor.u32 $0x300, v40;
	v40 =	vor.u32 $0x380, v40;
	v14 =	vmovc v53;
	v46 =	vmovc v3;
	[tilespmem:s26+$0x150] =	vst v30;
	v30 =	vld.idx.msk [tilespmem:v31+s13+$0x0], $0xffff  }
0x1db: {  	s30 =	sadd.s32 $0x40, s30;
	v9 =	vmovc v55;
	v13 =	vmovc v57;
	v37 =	vor.u32 $0x200, v0;
	v7 =	vmov v41;
	v6 =	vmov v40;
	v34 =	vld.idx.msk [tilespmem:v2+s13+$0x0], $0xffff;
	[tilespmem:s28+$0xFFFFFFC0] =	vst v63  }
0x1dc: {  	_ =	sdelay $0x3  }
0x1dd: {  	v2 =	vld.idx.msk [tilespmem:v29+s13+$0x0], $0xffff;
	_ =	sdelay $0x1  }
0x1de: {  	[tilespmem:s28+$0xFFFFFFF0] =	vst v36  }
0x1df: {  	v3 =	vld.idx.msk [tilespmem:v37+s13+$0x0], $0xffff;
	[tilespmem:s28+$0xFFFFFF90] =	vst v32  }
0x1e0: {  	v4 =	vor.u32 $0x200, v1;
	[tilespmem:s28+$0xFFFFFFB0] =	vst v30;
	v5 =	vld.idx.msk [tilespmem:v28+s13+$0x0], $0xffff  }
0x1e1: {  	[tilespmem:s28+$0xFFFFFFD0] =	vst v2;
	v2 =	vld.idx.msk [tilespmem:v27+s13+$0x0], $0xffff  }
0x1e2: {  	v26 =	vld.idx.msk [tilespmem:v26+s13+$0x0], $0xffff;
	_ =	sdelay $0x1  }
0x1e3: {  	[tilespmem:s28+$0x60] =	vst v3  }
0x1e4: {  	v3 =	vld.idx.msk [tilespmem:v4+s13+$0x0], $0xffff;
	[tilespmem:s28+$0x0] =	vst v5  }
0x1e5: {  	v4 =	vor.u32 $0x280, v0;
	v5 =	vld.idx.msk [tilespmem:v22+s13+$0x0], $0xffff;
	[tilespmem:s28+$0x20] =	vst v2  }
0x1e6: {  	[tilespmem:s28+$0x40] =	vst v26;
	v2 =	vld.idx.msk [tilespmem:v21+s13+$0x0], $0xffff  }
0x1e7: {  	v20 =	vld.idx.msk [tilespmem:v20+s13+$0x0], $0xffff;
	_ =	sdelay $0x1  }
0x1e8: {  	[tilespmem:s28+$0x70] =	vst v3  }
0x1e9: {  	v3 =	vld.idx.msk [tilespmem:v4+s13+$0x0], $0xffff;
	[tilespmem:s28+$0x10] =	vst v5  }
0x1ea: {  	v4 =	vor.u32 $0x280, v1;
	[tilespmem:s28+$0x30] =	vst v2;
	v2 =	vld.idx.msk [tilespmem:v19+s13+$0x0], $0xffff  }
0x1eb: {  	[tilespmem:s28+$0x50] =	vst v20;
	v5 =	vld.idx.msk [tilespmem:v18+s13+$0x0], $0xffff  }
0x1ec: {  	v17 =	vld.idx.msk [tilespmem:v17+s13+$0x0], $0xffff;
	_ =	sdelay $0x1  }
0x1ed: {  	[tilespmem:s28+$0xE0] =	vst v3  }
0x1ee: {  	v3 =	vld.idx.msk [tilespmem:v4+s13+$0x0], $0xffff;
	[tilespmem:s28+$0x80] =	vst v2  }
0x1ef: {  	v2 =	vor.u32 $0x300, v0;
	[tilespmem:s28+$0xA0] =	vst v5;
	v4 =	vld.idx.msk [tilespmem:v14+s13+$0x0], $0xffff  }
0x1f0: {  	[tilespmem:s28+$0xC0] =	vst v17;
	v5 =	vld.idx.msk [tilespmem:v15+s13+$0x0], $0xffff  }
0x1f1: {  	v14 =	vld.idx.msk [tilespmem:v16+s13+$0x0], $0xffff;
	_ =	sdelay $0x1  }
0x1f2: {  	[tilespmem:s28+$0xF0] =	vst v3  }
0x1f3: {  	v2 =	vld.idx.msk [tilespmem:v2+s13+$0x0], $0xffff;
	[tilespmem:s28+$0x90] =	vst v4  }
0x1f4: {  	v3 =	vor.u32 $0x300, v1;
	[tilespmem:s28+$0xB0] =	vst v5;
	v4 =	vld.idx.msk [tilespmem:v12+s13+$0x0], $0xffff  }
0x1f5: {  	[tilespmem:s28+$0xD0] =	vst v14;
	v5 =	vld.idx.msk [tilespmem:v9+s13+$0x0], $0xffff  }
0x1f6: {  	v9 =	vld.idx.msk [tilespmem:v13+s13+$0x0], $0xffff;
	_ =	sdelay $0x1  }
0x1f7: {  	[tilespmem:s28+$0x160] =	vst v2  }
0x1f8: {  	v2 =	vld.idx.msk [tilespmem:v3+s13+$0x0], $0xffff;
	[tilespmem:s28+$0x100] =	vst v4  }
0x1f9: {  	v0 =	vor.u32 $0x380, v0;
	[tilespmem:s28+$0x120] =	vst v5;
	v3 =	vld.idx.msk [tilespmem:v8+s13+$0x0], $0xffff  }
0x1fa: {  	[tilespmem:s28+$0x140] =	vst v9;
	v4 =	vld.idx.msk [tilespmem:v11+s13+$0x0], $0xffff  }
0x1fb: {  	[tilespmem:s26+$0x180] =	vst v33;
	v5 =	vld.idx.msk [tilespmem:v10+s13+$0x0], $0xffff  }
0x1fc: {  	[tilespmem:s26+$0x1A0] =	vst v35  }
0x1fd: {  	v8 =	vld.idx.msk [tilespmem:v44+s13+$0x0], $0xffff;
	[tilespmem:s28+$0x170] =	vst v2  }
0x1fe: {  	v0 =	vld.idx.msk [tilespmem:v0+s13+$0x0], $0xffff;
	[tilespmem:s28+$0x110] =	vst v3  }
0x1ff: {  	v1 =	vor.u32 $0x380, v1;
	v2 =	vld.idx.msk [tilespmem:v46+s13+$0x0], $0xffff;
	[tilespmem:s28+$0x130] =	vst v4  }
0x200: {  	v3 =	vld.idx.msk [tilespmem:v7+s13+$0x0], $0xffff;
	[tilespmem:s28+$0x150] =	vst v5  }
0x201: {  	[tilespmem:s26+$0x1C0] =	vst v34;
	v4 =	vld.idx.msk [tilespmem:v6+s13+$0x0], $0xffff  }
0x202: {  	[tilespmem:s26+$0x190] =	vst v8;
	v5 =	vld.idx.msk [tilespmem:v43+s13+$0x0], $0xffff  }
0x203: {  	v6 =	vld.idx.msk [tilespmem:v45+s13+$0x0], $0xffff;
	[tilespmem:s28+$0x1E0] =	vst v0  }
0x204: {  	v0 =	vld.idx.msk [tilespmem:v1+s13+$0x0], $0xffff;
	[tilespmem:s28+$0x180] =	vst v2  }
0x205: {  	[tilespmem:s28+$0x1A0] =	vst v3;
	v1 =	vld.idx.msk [tilespmem:v24+s13+$0x0], $0xffff  }
0x206: {  	[tilespmem:s28+$0x1C0] =	vst v4;
	v2 =	vld.idx.msk [tilespmem:v25+s13+$0x0], $0xffff  }
0x207: {  	[tilespmem:s26+$0x1B0] =	vst v5;
	v3 =	vld.idx.msk [tilespmem:v23+s13+$0x0], $0xffff  }
0x208: {  	[tilespmem:s26+$0x1D0] =	vst v6  }
0x209: {  	p0 =	seq.s32 s22, $0xF;
	[tilespmem:s28+$0x1F0] =	vst v0  }
0x20a: {  	s24 =	sadd.s32 @!p0 s24, s10;
	[tilespmem:s28+$0x190] =	vst v1  }
0x20b: {  	s24 =	sshll.u32 @!p0 s24, $0xC;
	[tilespmem:s28+$0x1B0] =	vst v2  }
0x20c: {  	s25 =	sadd.s32 s25, s9;
	s24 =	sand.u32 @!p0 $0x1FFFE000, s24;
	[tilespmem:s28+$0x1D0] =	vst v3  }
0x20d: {  	[hbm4b:s25+s5] =	stream.linear.scatter [tilespmem:s17], [sflag:$0x4], $0x4000, $0x38;
	[tilespmem:$0x18800] =	vst v63  }
0x20e: {  	s24 =	sadd.s32 @!p0 s1, s24;
	s26 =	simm.s32 @!p0 $0x800;
	s25 =	simm.s32 @!p0 $0x0  }
0x20f: {  	[tilespmem:s26], [sflag:$0x1] =	stream.linear.gather @!p0 [hbm4b:s24+s25], $0x8000, $0x38;
	[tilespmem:$0x18800] =	vst v63  }
0x210: {  	_ =	swait.ge [sflag:s18], $0x8000  }
0x211: {  	[sflag:s18] =	ssyncset.done $0x0  }
0x212: {  	[sflag:s18] =	ssyncadd.s32 $0xFFFF8000  }
0x213: {  	_ =	swait.ge [sflag:s19], $0x4000  }
0x214: {  	[sflag:s19] =	ssyncset.done $0x0  }
0x215: {  	s30 =	simm.s32 $0x20;
	[sflag:s19] =	ssyncadd.s32 $0xFFFFC000  }
0x216: {  	v0 =	vld [tilespmem:s30+$0x10]  }
0x217: {  	v1 =	vld [tilespmem:s30+$0xFFFFFFF0];
	_ =	sdelay $0x1  }
0x218: {  	v4 =	vld [tilespmem:s30+$0xFFFFFFE0]  }
0x219: {  	v5 =	vld [tilespmem:s30+$0x0];
	_ =	sdelay $0x1  }
0x21a: {  	v2 =	vshll.u32 v0, $0x3;
	v3 =	vshll.u32 v1, $0x3  }
0x21b: {  	v6 =	vand.u32 $0x7F, v0;
	v8 =	vand.u32 $0x7F, v1;
	v2 =	vand.u32 $0x7FC00, v2  }
0x21c: {  	v7 =	vand.u32 $0x7FC00, v3;
	v9 =	vor.u32 v6, v2;
	v2 =	vshll.u32 v4, $0x3  }
0x21d: {  	v3 =	vshll.u32 v5, $0x3;
	v6 =	vand.u32 $0x7F, v4;
	v2 =	vand.u32 $0x7FC00, v2  }
0x21e: {  	v11 =	vshrl.u32 v4, $0xD;
	v10 =	vand.u32 $0x7FC00, v3;
	v3 =	vor.u32 v6, v2  }
0x21f: {  	v2 =	vor.u32 v8, v7;
	v6 =	vand.u32 $0x7F, v5;
	v7 =	vshrl.u32 v4, $0x10  }
0x220: {  	v4 =	vor.u32 v6, v10;
	v6 =	vshrl.u32 v0, $0x10;
	v0 =	vshrl.u32 v0, $0xD  }
0x221: {  	v13 =	vshrl.u32 v5, $0x10;
	v6 =	vand.u32 $0x7F, v6;
	v0 =	vand.u32 $0x7FC00, v0  }
0x222: {  	v10 =	vshrl.u32 v1, $0x10;
	v1 =	vshrl.u32 v1, $0xD;
	v12 =	vld.idx.msk [tilespmem:v9+s14+$0x0], $0xffff;
	v8 =	vor.u32 v6, v0  }
0x223: {  	v0 =	vshrl.u32 v5, $0xD;
	v5 =	vand.u32 $0x7F, v7;
	v6 =	vand.u32 $0x7FC00, v11;
	v14 =	vld.idx.msk [tilespmem:v3+s14+$0x0], $0xffff  }
0x224: {  	v10 =	vand.u32 $0x7F, v10;
	v1 =	vand.u32 $0x7FC00, v1;
	v7 =	vor.u32 v5, v6;
	v11 =	vld.idx.msk [tilespmem:v2+s14+$0x0], $0xffff  }
0x225: {  	v5 =	vor.u32 v10, v1  }
0x226: {  	s24 =	simm.s32 $0x10A00;
	v6 =	vand.u32 $0x7F, v13;
	v0 =	vand.u32 $0x7FC00, v0;
	v1 =	vld.idx.msk [tilespmem:v4+s14+$0x0], $0xffff  }
0x227: {  	v6 =	vor.u32 v6, v0;
	[tilespmem:s24+$0xFFFFFE60] =	vst v12  }
0x228: {  	v0 =	vld.idx.msk [tilespmem:v8+s14+$0x0], $0xffff;
	[tilespmem:s24+$0xFFFFFE00] =	vst v14  }
0x229: {  	v10 =	vor.u32 $0x80, v9;
	[tilespmem:s24+$0xFFFFFE20] =	vst v11;
	v12 =	vld.idx.msk [tilespmem:v7+s14+$0x0], $0xffff  }
0x22a: {  	v11 =	vor.u32 $0x80, v3;
	v13 =	vld.idx.msk [tilespmem:v5+s14+$0x0], $0xffff  }
0x22b: {  	[tilespmem:s24+$0xFFFFFE40] =	vst v1;
	v1 =	vor.u32 $0x80, v2  }
0x22c: {  	v14 =	vld.idx.msk [tilespmem:v6+s14+$0x0], $0xffff  }
0x22d: {  	v15 =	vor.u32 $0x80, v4;
	[tilespmem:s24+$0xFFFFFE70] =	vst v0  }
0x22e: {  	v0 =	vld.idx.msk [tilespmem:v10+s14+$0x0], $0xffff;
	[tilespmem:s24+$0xFFFFFE10] =	vst v12  }
0x22f: {  	v10 =	vor.u32 $0x80, v8;
	[tilespmem:s24+$0xFFFFFE30] =	vst v13;
	v11 =	vld.idx.msk [tilespmem:v11+s14+$0x0], $0xffff  }
0x230: {  	v12 =	vor.u32 $0x80, v7;
	v1 =	vld.idx.msk [tilespmem:v1+s14+$0x0], $0xffff  }
0x231: {  	v13 =	vor.u32 $0x80, v5;
	[tilespmem:s24+$0xFFFFFE50] =	vst v14  }
0x232: {  	v14 =	vld.idx.msk [tilespmem:v15+s14+$0x0], $0xffff  }
0x233: {  	v15 =	vor.u32 $0x80, v6;
	[tilespmem:s24+$0xFFFFFEE0] =	vst v0  }
0x234: {  	v0 =	vld.idx.msk [tilespmem:v10+s14+$0x0], $0xffff;
	[tilespmem:s24+$0xFFFFFE80] =	vst v11  }
0x235: {  	v10 =	vor.u32 $0x100, v9;
	[tilespmem:s24+$0xFFFFFEA0] =	vst v1;
	v11 =	vld.idx.msk [tilespmem:v12+s14+$0x0], $0xffff  }
0x236: {  	v1 =	vor.u32 $0x100, v3;
	v12 =	vld.idx.msk [tilespmem:v13+s14+$0x0], $0xffff  }
0x237: {  	[tilespmem:s24+$0xFFFFFEC0] =	vst v14;
	v13 =	vor.u32 $0x100, v2  }
0x238: {  	v14 =	vld.idx.msk [tilespmem:v15+s14+$0x0], $0xffff  }
0x239: {  	v15 =	vor.u32 $0x100, v4;
	[tilespmem:s24+$0xFFFFFEF0] =	vst v0  }
0x23a: {  	v0 =	vld.idx.msk [tilespmem:v10+s14+$0x0], $0xffff;
	[tilespmem:s24+$0xFFFFFE90] =	vst v11  }
0x23b: {  	v10 =	vor.u32 $0x100, v8;
	[tilespmem:s24+$0xFFFFFEB0] =	vst v12;
	v1 =	vld.idx.msk [tilespmem:v1+s14+$0x0], $0xffff  }
0x23c: {  	v11 =	vor.u32 $0x100, v7;
	v12 =	vld.idx.msk [tilespmem:v13+s14+$0x0], $0xffff  }
0x23d: {  	[tilespmem:s24+$0xFFFFFED0] =	vst v14;
	v13 =	vor.u32 $0x100, v5  }
0x23e: {  	v14 =	vld.idx.msk [tilespmem:v15+s14+$0x0], $0xffff  }
0x23f: {  	v15 =	vor.u32 $0x100, v6;
	[tilespmem:s24+$0xFFFFFF60] =	vst v0  }
0x240: {  	v0 =	vld.idx.msk [tilespmem:v10+s14+$0x0], $0xffff;
	[tilespmem:s24+$0xFFFFFF00] =	vst v1  }
0x241: {  	v1 =	vor.u32 $0x180, v9;
	[tilespmem:s24+$0xFFFFFF20] =	vst v12;
	v10 =	vld.idx.msk [tilespmem:v11+s14+$0x0], $0xffff  }
0x242: {  	v11 =	vor.u32 $0x180, v3;
	v12 =	vld.idx.msk [tilespmem:v13+s14+$0x0], $0xffff  }
0x243: {  	[tilespmem:s24+$0xFFFFFF40] =	vst v14;
	v13 =	vor.u32 $0x180, v2  }
0x244: {  	v14 =	vld.idx.msk [tilespmem:v15+s14+$0x0], $0xffff  }
0x245: {  	v15 =	vor.u32 $0x180, v4;
	[tilespmem:s24+$0xFFFFFF70] =	vst v0  }
0x246: {  	v0 =	vld.idx.msk [tilespmem:v1+s14+$0x0], $0xffff;
	[tilespmem:s24+$0xFFFFFF10] =	vst v10  }
0x247: {  	v1 =	vor.u32 $0x180, v8;
	[tilespmem:s24+$0xFFFFFF30] =	vst v12;
	v10 =	vld.idx.msk [tilespmem:v11+s14+$0x0], $0xffff  }
0x248: {  	v11 =	vor.u32 $0x180, v7;
	v12 =	vld.idx.msk [tilespmem:v13+s14+$0x0], $0xffff  }
0x249: {  	[tilespmem:s24+$0xFFFFFF50] =	vst v14;
	v13 =	vor.u32 $0x180, v5  }
0x24a: {  	s31 =	simm.s32 $0x60;
	v14 =	vld.idx.msk [tilespmem:v15+s14+$0x0], $0xffff  }
0x24b: {  	v18 =	vld [tilespmem:s31+$0x0];
	v15 =	vor.u32 $0x180, v6;
	[tilespmem:s24+$0xFFFFFFE0] =	vst v0  }
0x24c: {  	v0 =	vld.idx.msk [tilespmem:v1+s14+$0x0], $0xffff;
	[tilespmem:s24+$0xFFFFFF80] =	vst v10  }
0x24d: {  	v1 =	vor.u32 $0x200, v9;
	[tilespmem:s24+$0xFFFFFFA0] =	vst v12;
	v10 =	vld.idx.msk [tilespmem:v11+s14+$0x0], $0xffff  }
0x24e: {  	v11 =	vld.idx.msk [tilespmem:v13+s14+$0x0], $0xffff  }
0x24f: {  	[tilespmem:s24+$0xFFFFFFC0] =	vst v14;
	v14 =	vld [tilespmem:s31+$0x10]  }
0x250: {  	v13 =	vor.u32 $0x200, v3;
	v12 =	vld.idx.msk [tilespmem:v15+s14+$0x0], $0xffff  }
0x251: {  	v15 =	vld [tilespmem:s31+$0xFFFFFFF0];
	[tilespmem:s24+$0xFFFFFFF0] =	vst v0  }
0x252: {  	v0 =	vld.idx.msk [tilespmem:v1+s14+$0x0], $0xffff;
	v1 =	vor.u32 $0x200, v2  }
0x253: {  	v17 =	vld [tilespmem:s31+$0xFFFFFFE0];
	v16 =	vor.u32 $0x200, v8  }
0x254: {  	[tilespmem:s24+$0xFFFFFF90] =	vst v10  }
0x255: {  	v25 =	vshll.u32 v18, $0x3;
	v10 =	vor.u32 $0x200, v4;
	v20 =	vshll.u32 v14, $0x3;
	v13 =	vld.idx.msk [tilespmem:v13+s14+$0x0], $0xffff  }
0x256: {  	v19 =	vor.u32 $0x200, v7;
	[tilespmem:s24+$0xFFFFFFB0] =	vst v11;
	v11 =	vand.u32 $0x7F, v14;
	v20 =	vand.u32 $0x7FC00, v20  }
0x257: {  	v24 =	vor.u32 $0x280, v9;
	v23 =	vshll.u32 v15, $0x3;
	v1 =	vld.idx.msk [tilespmem:v1+s14+$0x0], $0xffff;
	[tilespmem:s24+$0x60] =	vst v0;
	v0 =	vor.u32 v11, v20  }
0x258: {  	v21 =	vor.u32 $0x200, v5;
	v20 =	vand.u32 $0x7FC00, v23;
	v23 =	vshll.u32 v17, $0x3;
	v16 =	vld.idx.msk [tilespmem:v16+s14+$0x0], $0xffff  }
0x259: {  	v28 =	vor.u32 $0x280, v8;
	[tilespmem:s24+$0xFFFFFFD0] =	vst v12;
	v12 =	vand.u32 $0x7F, v17;
	v23 =	vand.u32 $0x7FC00, v23  }
0x25a: {  	v22 =	vor.u32 $0x200, v6;
	v27 =	vand.u32 $0x7F, v15;
	v26 =	vld.idx.msk [tilespmem:v10+s14+$0x0], $0xffff;
	v10 =	vor.u32 v12, v23;
	[tilespmem:s24+$0x0] =	vst v13  }
0x25b: {  	v12 =	vand.u32 $0x7FC00, v25;
	v23 =	vor.u32 v27, v20;
	v13 =	vand.u32 $0x7F, v18;
	v19 =	vld.idx.msk [tilespmem:v19+s14+$0x0], $0xffff  }
0x25c: {  	v25 =	vor.u32 v13, v12;
	v13 =	vshrl.u32 v14, $0xD;
	[tilespmem:s24+$0x20] =	vst v1;
	v1 =	vshrl.u32 v14, $0x10;
	v12 =	vld.idx.msk [tilespmem:v0+s14+$0x0], $0xffff  }
0x25d: {  	v11 =	vor.u32 $0x280, v3;
	v13 =	vand.u32 $0x7FC00, v13;
	v1 =	vand.u32 $0x7F, v1;
	v20 =	vld.idx.msk [tilespmem:v21+s14+$0x0], $0xffff;
	[tilespmem:s24+$0x70] =	vst v16  }
0x25e: {  	v14 =	vshrl.u32 v17, $0x10;
	v16 =	vshrl.u32 v17, $0xD;
	v1 =	vor.u32 v1, v13;
	v13 =	vld.idx.msk [tilespmem:v24+s14+$0x0], $0xffff  }
0x25f: {  	v17 =	vshrl.u32 v15, $0x10;
	v15 =	vshrl.u32 v15, $0xD;
	v21 =	vshrl.u32 v18, $0x10;
	v27 =	vld.idx.msk [tilespmem:v10+s14+$0x0], $0xffff  }
0x260: {  	v18 =	vshrl.u32 v18, $0xD;
	[tilespmem:s24+$0x40] =	vst v26;
	v14 =	vand.u32 $0x7F, v14;
	v16 =	vand.u32 $0x7FC00, v16;
	v26 =	vld.idx.msk [tilespmem:v23+s14+$0x0], $0xffff  }
0x261: {  	s25 =	simm.s32 $0x10E00;
	v17 =	vand.u32 $0x7F, v17;
	v15 =	vand.u32 $0x7FC00, v15;
	v24 =	vor.u32 v14, v16;
	v14 =	vld.idx.msk [tilespmem:v25+s14+$0x0], $0xffff;
	[tilespmem:s24+$0x10] =	vst v19  }
0x262: {  	v16 =	vand.u32 $0x7F, v21;
	v29 =	vor.u32 v17, v15;
	v15 =	vand.u32 $0x7FC00, v18;
	v11 =	vld.idx.msk [tilespmem:v11+s14+$0x0], $0xffff;
	[tilespmem:s25+$0xFFFFFE60] =	vst v12  }
0x263: {  	v30 =	vor.u32 v16, v15;
	v12 =	vld.idx.msk [tilespmem:v22+s14+$0x0], $0xffff;
	[tilespmem:s24+$0x30] =	vst v20  }
0x264: {  	v18 =	vor.u32 $0x280, v4;
	v15 =	vld.idx.msk [tilespmem:v1+s14+$0x0], $0xffff;
	[tilespmem:s24+$0xE0] =	vst v13  }
0x265: {  	v16 =	vor.u32 $0x280, v2;
	[tilespmem:s25+$0xFFFFFE00] =	vst v27;
	v17 =	vld.idx.msk [tilespmem:v28+s14+$0x0], $0xffff  }
0x266: {  	v13 =	vor.u32 $0x80, v0;
	[tilespmem:s25+$0xFFFFFE20] =	vst v26;
	v19 =	vld.idx.msk [tilespmem:v24+s14+$0x0], $0xffff  }
0x267: {  	v20 =	vld.idx.msk [tilespmem:v29+s14+$0x0], $0xffff;
	[tilespmem:s25+$0xFFFFFE40] =	vst v14;
	v14 =	vor.u32 $0x300, v9  }
0x268: {  	v21 =	vor.u32 $0x80, v10;
	v22 =	vld.idx.msk [tilespmem:v30+s14+$0x0], $0xffff;
	[tilespmem:s24+$0x50] =	vst v12  }
0x269: {  	[tilespmem:s24+$0x80] =	vst v11;
	v11 =	vor.u32 $0x280, v7;
	v18 =	vld.idx.msk [tilespmem:v18+s14+$0x0], $0xffff  }
0x26a: {  	v12 =	vor.u32 $0x80, v23;
	[tilespmem:s25+$0xFFFFFE70] =	vst v15;
	v15 =	vld.idx.msk [tilespmem:v16+s14+$0x0], $0xffff  }
0x26b: {  	v16 =	vor.u32 $0x80, v25;
	v13 =	vld.idx.msk [tilespmem:v13+s14+$0x0], $0xffff;
	[tilespmem:s24+$0xF0] =	vst v17  }
0x26c: {  	[tilespmem:s25+$0xFFFFFE10] =	vst v19;
	v19 =	vor.u32 $0x280, v5;
	v14 =	vld.idx.msk [tilespmem:v14+s14+$0x0], $0xffff  }
0x26d: {  	v17 =	vor.u32 $0x80, v1;
	[tilespmem:s25+$0xFFFFFE30] =	vst v20;
	v21 =	vld.idx.msk [tilespmem:v21+s14+$0x0], $0xffff  }
0x26e: {  	v20 =	vor.u32 $0x300, v8;
	[tilespmem:s25+$0xFFFFFE50] =	vst v22;
	v11 =	vld.idx.msk [tilespmem:v11+s14+$0x0], $0xffff  }
0x26f: {  	v22 =	vor.u32 $0x80, v24;
	v12 =	vld.idx.msk [tilespmem:v12+s14+$0x0], $0xffff;
	[tilespmem:s24+$0xC0] =	vst v18  }
0x270: {  	v16 =	vld.idx.msk [tilespmem:v16+s14+$0x0], $0xffff;
	[tilespmem:s24+$0xA0] =	vst v15;
	v15 =	vor.u32 $0x80, v29  }
0x271: {  	v18 =	vor.u32 $0x280, v6;
	[tilespmem:s25+$0xFFFFFEE0] =	vst v13;
	v19 =	vld.idx.msk [tilespmem:v19+s14+$0x0], $0xffff  }
0x272: {  	v13 =	vor.u32 $0x80, v30;
	v17 =	vld.idx.msk [tilespmem:v17+s14+$0x0], $0xffff;
	[tilespmem:s24+$0x160] =	vst v14  }
0x273: {  	[tilespmem:s25+$0xFFFFFE80] =	vst v21;
	v21 =	vor.u32 $0x300, v3;
	v20 =	vld.idx.msk [tilespmem:v20+s14+$0x0], $0xffff  }
0x274: {  	v14 =	vor.u32 $0x100, v0;
	v22 =	vld.idx.msk [tilespmem:v22+s14+$0x0], $0xffff;
	[tilespmem:s25+$0xFFFFFEA0] =	vst v12  }
0x275: {  	v9 =	vor.u32 $0x380, v9;
	[tilespmem:s24+$0x90] =	vst v11;
	v12 =	vld.idx.msk [tilespmem:v15+s14+$0x0], $0xffff  }
0x276: {  	[tilespmem:s25+$0xFFFFFEC0] =	vst v16;
	v15 =	vor.u32 $0x100, v10;
	v16 =	vld.idx.msk [tilespmem:v18+s14+$0x0], $0xffff  }
0x277: {  	v11 =	vor.u32 $0x100, v23;
	v13 =	vld.idx.msk [tilespmem:v13+s14+$0x0], $0xffff;
	[tilespmem:s24+$0xB0] =	vst v19  }
0x278: {  	[tilespmem:s25+$0xFFFFFEF0] =	vst v17;
	v17 =	vor.u32 $0x100, v25;
	v19 =	vld.idx.msk [tilespmem:v21+s14+$0x0], $0xffff  }
0x279: {  	v18 =	vor.u32 $0x300, v2;
	v14 =	vld.idx.msk [tilespmem:v14+s14+$0x0], $0xffff;
	[tilespmem:s24+$0x170] =	vst v20  }
0x27a: {  	[tilespmem:s25+$0xFFFFFE90] =	vst v22;
	v20 =	vor.u32 $0x100, v1;
	v9 =	vld.idx.msk [tilespmem:v9+s14+$0x0], $0xffff  }
0x27b: {  	v21 =	vor.u32 $0x300, v4;
	v15 =	vld.idx.msk [tilespmem:v15+s14+$0x0], $0xffff;
	[tilespmem:s25+$0xFFFFFEB0] =	vst v12  }
0x27c: {  	v8 =	vor.u32 $0x380, v8;
	v11 =	vld.idx.msk [tilespmem:v11+s14+$0x0], $0xffff;
	[tilespmem:s25+$0xFFFFFED0] =	vst v13  }
0x27d: {  	v12 =	vor.u32 $0x100, v24;
	[tilespmem:s24+$0xD0] =	vst v16;
	v13 =	vld.idx.msk [tilespmem:v17+s14+$0x0], $0xffff  }
0x27e: {  	v16 =	vor.u32 $0x100, v29;
	[tilespmem:s25+$0xFFFFFF60] =	vst v14;
	v14 =	vld.idx.msk [tilespmem:v18+s14+$0x0], $0xffff  }
0x27f: {  	v17 =	vor.u32 $0x100, v30;
	[tilespmem:s24+$0x100] =	vst v19;
	v18 =	vld.idx.msk [tilespmem:v20+s14+$0x0], $0xffff  }
0x280: {  	v19 =	vor.u32 $0x300, v7;
	v20 =	vld.idx.msk [tilespmem:v21+s14+$0x0], $0xffff;
	[tilespmem:s24+$0x1E0] =	vst v9  }
0x281: {  	v9 =	vor.u32 $0x180, v0;
	[tilespmem:s25+$0xFFFFFF00] =	vst v15;
	v8 =	vld.idx.msk [tilespmem:v8+s14+$0x0], $0xffff  }
0x282: {  	v15 =	vor.u32 $0x300, v5;
	v12 =	vld.idx.msk [tilespmem:v12+s14+$0x0], $0xffff;
	[tilespmem:s25+$0xFFFFFF20] =	vst v11  }
0x283: {  	v11 =	vor.u32 $0x300, v6;
	v16 =	vld.idx.msk [tilespmem:v16+s14+$0x0], $0xffff;
	[tilespmem:s25+$0xFFFFFF40] =	vst v13  }
0x284: {  	v13 =	vor.u32 $0x180, v10;
	v17 =	vld.idx.msk [tilespmem:v17+s14+$0x0], $0xffff;
	[tilespmem:s24+$0x120] =	vst v14  }
0x285: {  	v14 =	vor.u32 $0x180, v23;
	[tilespmem:s25+$0xFFFFFF70] =	vst v18;
	v18 =	vld.idx.msk [tilespmem:v19+s14+$0x0], $0xffff  }
0x286: {  	v19 =	vor.u32 $0x180, v25;
	[tilespmem:s24+$0x140] =	vst v20;
	v9 =	vld.idx.msk [tilespmem:v9+s14+$0x0], $0xffff  }
0x287: {  	v31 =	vor.u32 $0x380, v3;
	v41 =	vor.u32 $0x380, v7;
	v7 =	vld.idx.msk [tilespmem:v15+s14+$0x0], $0xffff;
	[tilespmem:s24+$0x1F0] =	vst v8  }
0x288: {  	v61 =	vor.u32 $0x380, v4;
	v42 =	vor.u32 $0x380, v5;
	[tilespmem:s25+$0xFFFFFF10] =	vst v12;
	v12 =	vor.u32 $0x180, v1;
	v11 =	vld.idx.msk [tilespmem:v11+s14+$0x0], $0xffff  }
0x289: {  	v43 =	vor.u32 $0x380, v6;
	v36 =	vor.u32 $0x200, v0;
	v8 =	vor.u32 $0x380, v2;
	v5 =	vld.idx.msk [tilespmem:v13+s14+$0x0], $0xffff;
	[tilespmem:s25+$0xFFFFFF30] =	vst v16  }
0x28a: {  	v44 =	vor.u32 $0x380, v10;
	v62 =	vor.u32 $0x180, v29;
	v63 =	vor.u32 $0x180, v30;
	v38 =	vld.idx.msk [tilespmem:v14+s14+$0x0], $0xffff;
	[tilespmem:s25+$0xFFFFFF50] =	vst v17  }
0x28b: {  	v27 =	vor.u32 $0x200, v23;
	v26 =	vor.u32 $0x200, v25;
	v6 =	vor.u32 $0x180, v24;
	v39 =	vld.idx.msk [tilespmem:v19+s14+$0x0], $0xffff;
	[tilespmem:s24+$0x110] =	vst v18  }
0x28c: {  	v28 =	vor.u32 $0x200, v10;
	v22 =	vor.u32 $0x200, v24;
	v21 =	vor.u32 $0x200, v29;
	[tilespmem:s25+$0xFFFFFFE0] =	vst v9;
	v40 =	vld.idx.msk [tilespmem:v31+s14+$0x0], $0xffff  }
0x28d: {  	v20 =	vor.u32 $0x200, v30;
	v15 =	vor.u32 $0x280, v29;
	v16 =	vor.u32 $0x280, v30;
	[tilespmem:s24+$0x130] =	vst v7;
	v35 =	vld.idx.msk [tilespmem:v12+s14+$0x0], $0xffff  }
0x28e: {  	v13 =	vor.u32 $0x300, v25;
	v17 =	vor.u32 $0x280, v25;
	v14 =	vor.u32 $0x280, v24;
	v34 =	vld.idx.msk [tilespmem:v8+s14+$0x0], $0xffff;
	[tilespmem:s24+$0x150] =	vst v11  }
0x28f: {  	v19 =	vor.u32 $0x280, v10;
	v18 =	vor.u32 $0x280, v23;
	v9 =	vor.u32 $0x300, v23;
	[tilespmem:s25+$0xFFFFFF80] =	vst v5;
	v33 =	vld.idx.msk [tilespmem:v61+s14+$0x0], $0xffff  }
0x290: {  	v7 =	vor.u32 $0x300, v24;
	v24 =	vor.u32 $0x380, v24;
	v12 =	vor.u32 $0x300, v10;
	[tilespmem:s25+$0xFFFFFFA0] =	vst v38;
	v32 =	vld.idx.msk [tilespmem:v6+s14+$0x0], $0xffff  }
0x291: {  	v10 =	vor.u32 $0x300, v29;
	v11 =	vor.u32 $0x300, v30;
	v8 =	vor.u32 $0x380, v23;
	[tilespmem:s25+$0xFFFFFFC0] =	vst v39;
	v31 =	vld.idx.msk [tilespmem:v62+s14+$0x0], $0xffff  }
0x292: {  	s28 =	simm.s32 $0xA0;
	s26 =	simm.s32 $0x4;
	v23 =	vor.u32 $0x380, v30;
	v6 =	vor.u32 $0x380, v25;
	v25 =	vor.u32 $0x380, v29;
	[tilespmem:s24+$0x180] =	vst v40;
	v29 =	vld.idx.msk [tilespmem:v63+s14+$0x0], $0xffff  }
.LBB2_7:
0x293: {  	_ = 	snop  }
0x294: {  	v30 =	vld [tilespmem:s28+$0x10];
	[tilespmem:s24+$0x1A0] =	vst v34  }
0x295: {  	[tilespmem:s24+$0x1C0] =	vst v33;
	v34 =	vld [tilespmem:s28+$0xFFFFFFF0]  }
0x296: {  	[tilespmem:s25+$0xFFFFFFF0] =	vst v35;
	v33 =	vld [tilespmem:s28+$0x0]  }
0x297: {  	[tilespmem:s25+$0xFFFFFF90] =	vst v32;
	v35 =	vld.idx.msk [tilespmem:v36+s14+$0x0], $0xffff  }
0x298: {  	[tilespmem:$0x1FF50] =	vst v44;
	v48 =	vld [tilespmem:s28+$0xFFFFFFE0]  }
0x299: {  	[tilespmem:s25+$0xFFFFFFB0] =	vst v31;
	v28 =	vld.idx.msk [tilespmem:v28+s14+$0x0], $0xffff  }
0x29a: {  	v47 =	vor.u32 $0x200, v1;
	v2 =	vmov v24;
	[tilespmem:s25+$0xFFFFFFD0] =	vst v29;
	v27 =	vld.idx.msk [tilespmem:v27+s14+$0x0], $0xffff  }
0x29b: {  	v52 =	vor.u32 $0x280, v0;
	v3 =	vmov v25;
	[tilespmem:$0x1FF70] =	vst v2;
	v29 =	vshll.u32 v30, $0x3;
	v26 =	vld.idx.msk [tilespmem:v26+s14+$0x0], $0xffff  }
0x29c: {  	[tilespmem:$0x1FF60] =	vst v3;
	v37 =	vand.u32 $0x7F, v30;
	v39 =	vld.idx.msk [tilespmem:v41+s14+$0x0], $0xffff;
	v29 =	vand.u32 $0x7FC00, v29;
	v31 =	vshll.u32 v34, $0x3  }
0x29d: {  	v42 =	vld.idx.msk [tilespmem:v42+s14+$0x0], $0xffff;
	v29 =	vor.u32 v37, v29;
	v51 =	vand.u32 $0x7F, v34;
	[tilespmem:s25+$0x60] =	vst v35;
	v31 =	vand.u32 $0x7FC00, v31  }
0x29e: {  	v2 =	vmovc v23;
	v49 =	vshll.u32 v33, $0x3;
	v23 =	vshrl.u32 v34, $0x10;
	[tilespmem:s25+$0x0] =	vst v28;
	v28 =	vld.idx.msk [tilespmem:v43+s14+$0x0], $0xffff;
	v25 =	vor.u32 v51, v31  }
0x29f: {  	[tilespmem:$0x1FF40] =	vst v2;
	v54 =	vshrl.u32 v33, $0x10;
	v50 =	vand.u32 $0x7F, v48;
	v38 =	vshll.u32 v48, $0x3;
	v32 =	vld.idx.msk [tilespmem:v47+s14+$0x0], $0xffff  }
0x2a0: {  	v35 =	vand.u32 $0x7FC00, v49;
	[tilespmem:s25+$0x20] =	vst v27;
	v27 =	vshrl.u32 v30, $0x10;
	v24 =	vand.u32 $0x7FC00, v38;
	v22 =	vld.idx.msk [tilespmem:v22+s14+$0x0], $0xffff  }
0x2a1: {  	v30 =	vshrl.u32 v30, $0xD;
	[tilespmem:s25+$0x40] =	vst v26;
	v31 =	vand.u32 $0x7F, v33;
	v21 =	vld.idx.msk [tilespmem:v21+s14+$0x0], $0xffff;
	v24 =	vor.u32 v50, v24  }
0x2a2: {  	v27 =	vand.u32 $0x7F, v27;
	v30 =	vand.u32 $0x7FC00, v30;
	[tilespmem:s24+$0x1B0] =	vst v42;
	v40 =	vor.u32 v31, v35;
	v31 =	vld.idx.msk [tilespmem:v29+s14+$0x0], $0xffff  }
0x2a3: {  	v55 =	vshrl.u32 v33, $0xD;
	v26 =	vshrl.u32 v34, $0xD;
	v33 =	vor.u32 v27, v30;
	[tilespmem:s24+$0x1D0] =	vst v28;
	v38 =	vld.idx.msk [tilespmem:v25+s14+$0x0], $0xffff  }
0x2a4: {  	v23 =	vand.u32 $0x7F, v23;
	v26 =	vand.u32 $0x7FC00, v26;
	[tilespmem:s25+$0x70] =	vst v32;
	v20 =	vld.idx.msk [tilespmem:v20+s14+$0x0], $0xffff  }
0x2a5: {  	v53 =	vshrl.u32 v48, $0x10;
	v36 =	vshrl.u32 v48, $0xD;
	[tilespmem:s24+$0x190] =	vst v39;
	v23 =	vor.u32 v23, v26;
	s24 =	smov.u32 s25;
	v27 =	vld.idx.msk [tilespmem:v52+s14+$0x0], $0xffff  }
0x2a6: {  	v57 =	vor.u32 $0x280, v1;
	v56 =	vand.u32 $0x7F, v53;
	v36 =	vand.u32 $0x7FC00, v36;
	s25 =	sadd.s32 $0x400, s25;
	[tilespmem:s24+$0x30] =	vst v21;
	v30 =	vld.idx.msk [tilespmem:v24+s14+$0x0], $0xffff  }
0x2a7: {  	v41 =	vor.u32 v56, v36;
	v28 =	vand.u32 $0x7FC00, v55;
	v32 =	vand.u32 $0x7F, v54;
	v26 =	vld.idx.msk [tilespmem:v40+s14+$0x0], $0xffff;
	[tilespmem:s25+$0xFFFFFE60] =	vst v31  }
0x2a8: {  	[tilespmem:s24+$0x10] =	vst v22;
	v44 =	vor.u32 v32, v28;
	v22 =	vld.idx.msk [tilespmem:v33+s14+$0x0], $0xffff  }
0x2a9: {  	v19 =	vld.idx.msk [tilespmem:v19+s14+$0x0], $0xffff;
	[tilespmem:s25+$0xFFFFFE20] =	vst v38  }
0x2aa: {  	v52 =	vor.u32 $0x80, v29;
	[tilespmem:s24+$0xE0] =	vst v27;
	v55 =	vld.idx.msk [tilespmem:v23+s14+$0x0], $0xffff  }
0x2ab: {  	v2 =	vor.u32 $0x300, v1;
	v43 =	vor.u32 $0x80, v25;
	v49 =	vor.u32 $0x100, v25;
	[tilespmem:s25+$0xFFFFFE00] =	vst v30;
	v53 =	vld.idx.msk [tilespmem:v57+s14+$0x0], $0xffff  }
0x2ac: {  	v36 =	vor.u32 $0x180, v25;
	v56 =	vor.u32 $0x300, v0;
	v42 =	vor.u32 $0x80, v24;
	[tilespmem:s25+$0xFFFFFE40] =	vst v26;
	v54 =	vld.idx.msk [tilespmem:v41+s14+$0x0], $0xffff  }
0x2ad: {  	v45 =	vor.u32 $0x80, v41;
	v46 =	vor.u32 $0x80, v23;
	v47 =	vor.u32 $0x80, v40;
	v57 =	vld.idx.msk [tilespmem:v44+s14+$0x0], $0xffff;
	[tilespmem:s24+$0x50] =	vst v20  }
0x2ae: {  	v48 =	vor.u32 $0x100, v24;
	v37 =	vor.u32 $0x100, v41;
	v34 =	vor.u32 $0x180, v24;
	v58 =	vld.idx.msk [tilespmem:v18+s14+$0x0], $0xffff;
	[tilespmem:s25+$0xFFFFFE70] =	vst v22  }
0x2af: {  	v39 =	vor.u32 $0x100, v23;
	v60 =	vor.u32 $0x80, v33;
	v61 =	vor.u32 $0x300, v24;
	[tilespmem:s24+$0x80] =	vst v19;
	v52 =	vld.idx.msk [tilespmem:v52+s14+$0x0], $0xffff  }
0x2b0: {  	v63 =	vor.u32 $0x300, v41;
	v3 =	vor.u32 $0x380, v24;
	v4 =	vor.u32 $0x300, v23;
	v59 =	vld.idx.msk [tilespmem:v17+s14+$0x0], $0xffff;
	[tilespmem:s25+$0xFFFFFE30] =	vst v55  }
0x2b1: {  	v21 =	vor.u32 $0x200, v23;
	v32 =	vor.u32 $0x180, v41;
	v31 =	vor.u32 $0x180, v23;
	[tilespmem:s24+$0xF0] =	vst v53;
	v43 =	vld.idx.msk [tilespmem:v43+s14+$0x0], $0xffff  }
0x2b2: {  	v28 =	vor.u32 $0x200, v24;
	v50 =	vor.u32 $0x80, v44;
	v62 =	vor.u32 $0x280, v44;
	[tilespmem:s25+$0xFFFFFE10] =	vst v54;
	v56 =	vld.idx.msk [tilespmem:v56+s14+$0x0], $0xffff  }
0x2b3: {  	v5 =	vor.u32 $0x300, v44;
	v38 =	vor.u32 $0x100, v44;
	v30 =	vor.u32 $0x180, v44;
	[tilespmem:s25+$0xFFFFFE50] =	vst v57;
	v42 =	vld.idx.msk [tilespmem:v42+s14+$0x0], $0xffff  }
0x2b4: {  	v27 =	vor.u32 $0x200, v25;
	v18 =	vor.u32 $0x280, v25;
	v22 =	vor.u32 $0x200, v41;
	[tilespmem:s24+$0xA0] =	vst v58;
	v47 =	vld.idx.msk [tilespmem:v47+s14+$0x0], $0xffff  }
0x2b5: {  	v20 =	vor.u32 $0x200, v44;
	v19 =	vor.u32 $0x280, v24;
	v24 =	vor.u32 $0x380, v41;
	[tilespmem:s25+$0xFFFFFEE0] =	vst v52;
	v52 =	vld.idx.msk [tilespmem:v14+s14+$0x0], $0xffff  }
0x2b6: {  	v55 =	vor.u32 $0x300, v25;
	v53 =	vor.u32 $0x280, v41;
	v54 =	vor.u32 $0x280, v23;
	[tilespmem:s24+$0xC0] =	vst v59;
	v58 =	vld.idx.msk [tilespmem:v15+s14+$0x0], $0xffff  }
0x2b7: {  	v41 =	vor.u32 $0x380, v25;
	v25 =	vor.u32 $0x380, v23;
	v23 =	vor.u32 $0x380, v44;
	v44 =	vld.idx.msk [tilespmem:v60+s14+$0x0], $0xffff;
	[tilespmem:s25+$0xFFFFFEA0] =	vst v43  }
0x2b8: {  	v59 =	vor.u32 $0x100, v29;
	[tilespmem:s24+$0x160] =	vst v56;
	v43 =	vld.idx.msk [tilespmem:v46+s14+$0x0], $0xffff  }
0x2b9: {  	[tilespmem:s25+$0xFFFFFE80] =	vst v42;
	v2 =	vld.idx.msk [tilespmem:v2+s14+$0x0], $0xffff  }
0x2ba: {  	[tilespmem:s25+$0xFFFFFEC0] =	vst v47;
	v45 =	vld.idx.msk [tilespmem:v45+s14+$0x0], $0xffff  }
0x2bb: {  	v60 =	vor.u32 $0x380, v0;
	v0 =	vmov v29;
	v29 =	vld.idx.msk [tilespmem:v50+s14+$0x0], $0xffff;
	[tilespmem:s24+$0x90] =	vst v52  }
0x2bc: {  	[tilespmem:s25+$0xFFFFFEF0] =	vst v44;
	v52 =	vld.idx.msk [tilespmem:v16+s14+$0x0], $0xffff  }
0x2bd: {  	v51 =	vor.u32 $0x100, v40;
	[tilespmem:s24+$0xB0] =	vst v58;
	v42 =	vld.idx.msk [tilespmem:v59+s14+$0x0], $0xffff  }
0x2be: {  	v14 =	vmov v53;
	v53 =	vld.idx.msk [tilespmem:v12+s14+$0x0], $0xffff;
	[tilespmem:s25+$0xFFFFFEB0] =	vst v43  }
0x2bf: {  	[tilespmem:s24+$0x170] =	vst v2;
	v43 =	vld.idx.msk [tilespmem:v49+s14+$0x0], $0xffff  }
0x2c0: {  	v15 =	vmov v54;
	[tilespmem:s25+$0xFFFFFE90] =	vst v45;
	v2 =	vor.u32 $0x100, v33;
	v54 =	vld.idx.msk [tilespmem:v60+s14+$0x0], $0xffff  }
0x2c1: {  	[tilespmem:s25+$0xFFFFFED0] =	vst v29;
	v56 =	vld.idx.msk [tilespmem:v48+s14+$0x0], $0xffff  }
0x2c2: {  	v29 =	vor.u32 $0x380, v1;
	v58 =	vld.idx.msk [tilespmem:v51+s14+$0x0], $0xffff;
	[tilespmem:s24+$0xD0] =	vst v52  }
0x2c3: {  	v59 =	vld.idx.msk [tilespmem:v9+s14+$0x0], $0xffff;
	[tilespmem:s25+$0xFFFFFF60] =	vst v42  }
0x2c4: {  	[tilespmem:s24+$0x100] =	vst v53;
	v44 =	vld.idx.msk [tilespmem:v13+s14+$0x0], $0xffff  }
0x2c5: {  	v2 =	vld.idx.msk [tilespmem:v2+s14+$0x0], $0xffff;
	[tilespmem:s25+$0xFFFFFF20] =	vst v43  }
0x2c6: {  	[tilespmem:s24+$0x1E0] =	vst v54;
	v39 =	vld.idx.msk [tilespmem:v39+s14+$0x0], $0xffff  }
0x2c7: {  	v60 =	vor.u32 $0x180, v0;
	[tilespmem:s25+$0xFFFFFF00] =	vst v56;
	v29 =	vld.idx.msk [tilespmem:v29+s14+$0x0], $0xffff  }
0x2c8: {  	[tilespmem:s25+$0xFFFFFF40] =	vst v58;
	v37 =	vld.idx.msk [tilespmem:v37+s14+$0x0], $0xffff  }
0x2c9: {  	v1 =	vmov v33;
	[tilespmem:s24+$0x120] =	vst v59;
	v33 =	vld.idx.msk [tilespmem:v38+s14+$0x0], $0xffff  }
0x2ca: {  	[tilespmem:s25+$0xFFFFFF70] =	vst v2;
	v2 =	vld.idx.msk [tilespmem:v7+s14+$0x0], $0xffff  }
0x2cb: {  	[tilespmem:s24+$0x140] =	vst v44;
	v42 =	vld.idx.msk [tilespmem:v10+s14+$0x0], $0xffff  }
0x2cc: {  	v12 =	vmov v61;
	v61 =	vld.idx.msk [tilespmem:v60+s14+$0x0], $0xffff;
	[tilespmem:s24+$0x1F0] =	vst v29  }
0x2cd: {  	[tilespmem:s25+$0xFFFFFF10] =	vst v37;
	v29 =	vld.idx.msk [tilespmem:v11+s14+$0x0], $0xffff  }
0x2ce: {  	v11 =	vmov v5;
	v5 =	vld.idx.msk [tilespmem:v34+s14+$0x0], $0xffff  }
0x2cf: {  	v35 =	vor.u32 $0x180, v40;
	[tilespmem:s24+$0x110] =	vst v2;
	v2 =	vld [tilespmem:$0x1FF50];
	_ =	sdelay $0x1  }
0x2d0: {  	v43 =	vld [tilespmem:$0x1FF40];
	[tilespmem:s25+$0xFFFFFF30] =	vst v39  }
0x2d1: {  	v16 =	vmov v62;
	v62 =	vld.idx.msk [tilespmem:v36+s14+$0x0], $0xffff;
	[tilespmem:s25+$0xFFFFFF50] =	vst v33  }
0x2d2: {  	v10 =	vmov v4;
	v4 =	vor.u32 $0x180, v1;
	[tilespmem:s24+$0x130] =	vst v42;
	v42 =	vld [tilespmem:$0x1FF60]  }
0x2d3: {  	v7 =	vmov v63;
	v63 =	vld.idx.msk [tilespmem:v35+s14+$0x0], $0xffff  }
0x2d4: {  	v34 =	vld.idx.msk [tilespmem:v8+s14+$0x0], $0xffff  }
0x2d5: {  	s26 =	sadd.s32 $0x4, s26;
	v8 =	vmov v41;
	v41 =	vld [tilespmem:$0x1FF70]  }
0x2d6: {  	p0 =	slt.u32 s26, $0x3C;
	[tilespmem:s25+$0xFFFFFFE0] =	vst v61;
	v2 =	vld.idx.msk [tilespmem:v2+s14+$0x0], $0xffff  }
.Ltmp2:
0x2d7: {  	v35 =	vld.idx.msk [tilespmem:v4+s14+$0x0], $0xffff;
	[tilespmem:s24+$0x150] =	vst v29;
	(pc) =	sbr.rel @p0 .LBB2_7-.Ltmp2, $4  }
0x2d8: {  	[tilespmem:s25+$0xFFFFFFA0] =	vst v62;
	v33 =	vld.idx.msk [tilespmem:v6+s14+$0x0], $0xffff  }
0x2d9: {  	v26 =	vor.u32 $0x200, v40;
	v31 =	vld.idx.msk [tilespmem:v31+s14+$0x0], $0xffff;
	[tilespmem:s25+$0xFFFFFFC0] =	vst v63  }
0x2da: {  	v17 =	vor.u32 $0x280, v40;
	v57 =	vor.u32 $0x300, v40;
	v40 =	vor.u32 $0x380, v40;
	v29 =	vld.idx.msk [tilespmem:v30+s14+$0x0], $0xffff;
	[tilespmem:s25+$0xFFFFFF80] =	vst v5  }
0x2db: {  	s28 =	sadd.s32 $0x40, s28;
	v9 =	vmovc v55;
	v13 =	vmovc v57;
	v44 =	vmov v3;
	v36 =	vor.u32 $0x200, v0;
	v6 =	vmov v40;
	v32 =	vld.idx.msk [tilespmem:v32+s14+$0x0], $0xffff;
	[tilespmem:s24+$0x180] =	vst v2  }
0x2dc: {  	_ =	sdelay $0x2  }
0x2dd: {  	[tilespmem:s25+$0xFFFFFFF0] =	vst v35  }
0x2de: {  	v2 =	vld.idx.msk [tilespmem:v36+s14+$0x0], $0xffff;
	[tilespmem:s25+$0xFFFFFFB0] =	vst v31  }
0x2df: {  	v3 =	vor.u32 $0x200, v1;
	v5 =	vld.idx.msk [tilespmem:v27+s14+$0x0], $0xffff;
	[tilespmem:s25+$0xFFFFFF90] =	vst v32  }
0x2e0: {  	[tilespmem:s25+$0xFFFFFFD0] =	vst v29;
	v4 =	vld.idx.msk [tilespmem:v28+s14+$0x0], $0xffff  }
0x2e1: {  	v26 =	vld.idx.msk [tilespmem:v26+s14+$0x0], $0xffff;
	_ =	sdelay $0x1  }
0x2e2: {  	[tilespmem:s25+$0x60] =	vst v2  }
0x2e3: {  	v2 =	vld.idx.msk [tilespmem:v3+s14+$0x0], $0xffff;
	[tilespmem:s25+$0x20] =	vst v5  }
0x2e4: {  	v3 =	vor.u32 $0x280, v0;
	v5 =	vld.idx.msk [tilespmem:v21+s14+$0x0], $0xffff;
	[tilespmem:s25+$0x0] =	vst v4  }
0x2e5: {  	[tilespmem:s25+$0x40] =	vst v26;
	v4 =	vld.idx.msk [tilespmem:v22+s14+$0x0], $0xffff  }
0x2e6: {  	v20 =	vld.idx.msk [tilespmem:v20+s14+$0x0], $0xffff;
	_ =	sdelay $0x1  }
0x2e7: {  	[tilespmem:s25+$0x70] =	vst v2  }
0x2e8: {  	v2 =	vld.idx.msk [tilespmem:v3+s14+$0x0], $0xffff;
	[tilespmem:s25+$0x30] =	vst v5  }
0x2e9: {  	v3 =	vor.u32 $0x280, v1;
	v5 =	vld.idx.msk [tilespmem:v18+s14+$0x0], $0xffff;
	[tilespmem:s25+$0x10] =	vst v4  }
0x2ea: {  	[tilespmem:s25+$0x50] =	vst v20;
	v4 =	vld.idx.msk [tilespmem:v19+s14+$0x0], $0xffff  }
0x2eb: {  	v17 =	vld.idx.msk [tilespmem:v17+s14+$0x0], $0xffff;
	_ =	sdelay $0x1  }
0x2ec: {  	[tilespmem:s25+$0xE0] =	vst v2  }
0x2ed: {  	v2 =	vld.idx.msk [tilespmem:v3+s14+$0x0], $0xffff;
	[tilespmem:s25+$0xA0] =	vst v5  }
0x2ee: {  	v3 =	vor.u32 $0x300, v0;
	v5 =	vld.idx.msk [tilespmem:v15+s14+$0x0], $0xffff;
	[tilespmem:s25+$0x80] =	vst v4  }
0x2ef: {  	[tilespmem:s25+$0xC0] =	vst v17;
	v4 =	vld.idx.msk [tilespmem:v14+s14+$0x0], $0xffff  }
0x2f0: {  	v14 =	vld.idx.msk [tilespmem:v16+s14+$0x0], $0xffff;
	_ =	sdelay $0x1  }
0x2f1: {  	[tilespmem:s25+$0xF0] =	vst v2  }
0x2f2: {  	v2 =	vld.idx.msk [tilespmem:v3+s14+$0x0], $0xffff;
	[tilespmem:s25+$0xB0] =	vst v5  }
0x2f3: {  	v3 =	vor.u32 $0x300, v1;
	v5 =	vld.idx.msk [tilespmem:v9+s14+$0x0], $0xffff;
	[tilespmem:s25+$0x90] =	vst v4  }
0x2f4: {  	[tilespmem:s25+$0xD0] =	vst v14;
	v4 =	vld.idx.msk [tilespmem:v12+s14+$0x0], $0xffff  }
0x2f5: {  	v9 =	vld.idx.msk [tilespmem:v13+s14+$0x0], $0xffff;
	_ =	sdelay $0x1  }
0x2f6: {  	[tilespmem:s25+$0x160] =	vst v2  }
0x2f7: {  	v2 =	vld.idx.msk [tilespmem:v3+s14+$0x0], $0xffff;
	[tilespmem:s25+$0x120] =	vst v5  }
0x2f8: {  	v0 =	vor.u32 $0x380, v0;
	[tilespmem:s25+$0x100] =	vst v4;
	v4 =	vld.idx.msk [tilespmem:v10+s14+$0x0], $0xffff  }
0x2f9: {  	[tilespmem:s25+$0x140] =	vst v9;
	v3 =	vld.idx.msk [tilespmem:v7+s14+$0x0], $0xffff  }
0x2fa: {  	v5 =	vld.idx.msk [tilespmem:v11+s14+$0x0], $0xffff  }
0x2fb: {  	[tilespmem:s24+$0x1A0] =	vst v34  }
0x2fc: {  	v7 =	vld.idx.msk [tilespmem:v41+s14+$0x0], $0xffff;
	[tilespmem:s25+$0x170] =	vst v2  }
0x2fd: {  	v0 =	vld.idx.msk [tilespmem:v0+s14+$0x0], $0xffff;
	[tilespmem:s25+$0x130] =	vst v4  }
0x2fe: {  	v1 =	vor.u32 $0x380, v1;
	[tilespmem:s25+$0x110] =	vst v3;
	v3 =	vld.idx.msk [tilespmem:v8+s14+$0x0], $0xffff  }
0x2ff: {  	[tilespmem:s25+$0x150] =	vst v5;
	v2 =	vld.idx.msk [tilespmem:v44+s14+$0x0], $0xffff  }
0x300: {  	[tilespmem:s24+$0x1C0] =	vst v33;
	v4 =	vld.idx.msk [tilespmem:v6+s14+$0x0], $0xffff  }
0x301: {  	v5 =	vld.idx.msk [tilespmem:v42+s14+$0x0], $0xffff;
	[tilespmem:s24+$0x190] =	vst v7  }
0x302: {  	v6 =	vld.idx.msk [tilespmem:v43+s14+$0x0], $0xffff;
	[tilespmem:s25+$0x1E0] =	vst v0  }
0x303: {  	v0 =	vld.idx.msk [tilespmem:v1+s14+$0x0], $0xffff;
	[tilespmem:s25+$0x1A0] =	vst v3  }
0x304: {  	[tilespmem:s25+$0x180] =	vst v2;
	v2 =	vld.idx.msk [tilespmem:v25+s14+$0x0], $0xffff  }
0x305: {  	[tilespmem:s25+$0x1C0] =	vst v4;
	v1 =	vld.idx.msk [tilespmem:v24+s14+$0x0], $0xffff  }
0x306: {  	[tilespmem:s24+$0x1B0] =	vst v5;
	v3 =	vld.idx.msk [tilespmem:v23+s14+$0x0], $0xffff  }
0x307: {  	[tilespmem:s24+$0x1D0] =	vst v6  }
0x308: {  	[tilespmem:s25+$0x1F0] =	vst v0  }
0x309: {  	[tilespmem:s25+$0x1B0] =	vst v2  }
0x30a: {  	[tilespmem:s25+$0x190] =	vst v1  }
0x30b: {  	s26 =	sadd.s32 s4, s23;
	s29 =	simm.s32 $0x0;
	[tilespmem:s25+$0x1D0] =	vst v3  }
0x30c: {  	[hbm4b:s26+s29] =	stream.linear.scatter [tilespmem:s16], [sflag:$0x3], $0x4000, $0x38;
	[tilespmem:$0x18800] =	vst v63  }
0x30d: {  	_ =	swait.ge [sflag:s20], $0x4000  }
0x30e: {  	[sflag:s20] =	ssyncset.done $0x0  }
0x30f: {  	s30 =	sand.u32 $0x3C0, s29;
	[sflag:s20] =	ssyncadd.s32 $0xFFFFC000  }
0x310: {  	v0 =	vld [tilespmem:s30+$0x430]  }
0x311: {  	v1 =	vld [tilespmem:s30+$0x400]  }
0x312: {  	v5 =	vld [tilespmem:s30+$0x410];
	_ =	sdelay $0x3  }
0x313: {  	v6 =	vld [tilespmem:s30+$0x420];
	v2 =	vshll.u32 v0, $0x3;
	v3 =	vshll.u32 v1, $0x3  }
0x314: {  	v4 =	vand.u32 $0x7F, v0;
	v7 =	vshll.u32 v5, $0x3;
	v8 =	vand.u32 $0x7F, v5  }
0x315: {  	v10 =	vshrl.u32 v1, $0x10;
	v11 =	vshrl.u32 v5, $0x10;
	v2 =	vand.u32 $0x7FC00, v2  }
0x316: {  	v3 =	vand.u32 $0x7FC00, v3;
	v9 =	vor.u32 v4, v2;
	v2 =	vand.u32 $0x7F, v1  }
0x317: {  	v5 =	vshrl.u32 v5, $0xD;
	v4 =	vand.u32 $0x7FC00, v7;
	v3 =	vor.u32 v2, v3  }
0x318: {  	v13 =	vshrl.u32 v6, $0x10;
	v7 =	vshll.u32 v6, $0x3;
	v2 =	vor.u32 v8, v4  }
0x319: {  	v1 =	vshrl.u32 v1, $0xD;
	v7 =	vand.u32 $0x7FC00, v7;
	v4 =	vand.u32 $0x7F, v6  }
0x31a: {  	v4 =	vor.u32 v4, v7;
	v7 =	vshrl.u32 v0, $0x10;
	v0 =	vshrl.u32 v0, $0xD  }
0x31b: {  	v1 =	vand.u32 $0x7FC00, v1;
	v7 =	vand.u32 $0x7F, v7;
	v0 =	vand.u32 $0x7FC00, v0;
	v12 =	vld.idx.msk [tilespmem:v9+s14+$0x0], $0xffff  }
0x31c: {  	v8 =	vor.u32 v7, v0;
	v0 =	vshrl.u32 v6, $0xD;
	v6 =	vand.u32 $0x7F, v10;
	v14 =	vld.idx.msk [tilespmem:v3+s14+$0x0], $0xffff  }
0x31d: {  	v5 =	vand.u32 $0x7FC00, v5;
	v10 =	vand.u32 $0x7F, v11;
	v7 =	vor.u32 v6, v1;
	v11 =	vld.idx.msk [tilespmem:v2+s14+$0x0], $0xffff  }
0x31e: {  	v5 =	vor.u32 v10, v5  }
0x31f: {  	s24 =	simm.s32 $0x14A00;
	v1 =	vand.u32 $0x7F, v13;
	v0 =	vand.u32 $0x7FC00, v0;
	v10 =	vld.idx.msk [tilespmem:v4+s14+$0x0], $0xffff  }
0x320: {  	v6 =	vor.u32 v1, v0;
	[tilespmem:s24+$0xFFFFFE60] =	vst v12  }
0x321: {  	v0 =	vld.idx.msk [tilespmem:v8+s14+$0x0], $0xffff;
	[tilespmem:s24+$0xFFFFFE00] =	vst v14  }
0x322: {  	v1 =	vor.u32 $0x80, v9;
	[tilespmem:s24+$0xFFFFFE20] =	vst v11;
	v12 =	vld.idx.msk [tilespmem:v7+s14+$0x0], $0xffff  }
0x323: {  	v11 =	vor.u32 $0x80, v3;
	v13 =	vld.idx.msk [tilespmem:v5+s14+$0x0], $0xffff  }
0x324: {  	[tilespmem:s24+$0xFFFFFE40] =	vst v10;
	v10 =	vor.u32 $0x80, v2  }
0x325: {  	v14 =	vld.idx.msk [tilespmem:v6+s14+$0x0], $0xffff  }
0x326: {  	v15 =	vor.u32 $0x80, v4;
	[tilespmem:s24+$0xFFFFFE70] =	vst v0  }
0x327: {  	v0 =	vld.idx.msk [tilespmem:v1+s14+$0x0], $0xffff;
	[tilespmem:s24+$0xFFFFFE10] =	vst v12  }
0x328: {  	v1 =	vor.u32 $0x80, v8;
	[tilespmem:s24+$0xFFFFFE30] =	vst v13;
	v11 =	vld.idx.msk [tilespmem:v11+s14+$0x0], $0xffff  }
0x329: {  	v12 =	vor.u32 $0x80, v7;
	v10 =	vld.idx.msk [tilespmem:v10+s14+$0x0], $0xffff  }
0x32a: {  	v13 =	vor.u32 $0x80, v5;
	[tilespmem:s24+$0xFFFFFE50] =	vst v14  }
0x32b: {  	v14 =	vld.idx.msk [tilespmem:v15+s14+$0x0], $0xffff  }
0x32c: {  	v15 =	vor.u32 $0x80, v6;
	[tilespmem:s24+$0xFFFFFEE0] =	vst v0  }
0x32d: {  	v0 =	vld.idx.msk [tilespmem:v1+s14+$0x0], $0xffff;
	[tilespmem:s24+$0xFFFFFE80] =	vst v11  }
0x32e: {  	v1 =	vor.u32 $0x100, v9;
	[tilespmem:s24+$0xFFFFFEA0] =	vst v10;
	v11 =	vld.idx.msk [tilespmem:v12+s14+$0x0], $0xffff  }
0x32f: {  	v10 =	vor.u32 $0x100, v3;
	v12 =	vld.idx.msk [tilespmem:v13+s14+$0x0], $0xffff  }
0x330: {  	[tilespmem:s24+$0xFFFFFEC0] =	vst v14;
	v13 =	vor.u32 $0x100, v2  }
0x331: {  	v14 =	vld.idx.msk [tilespmem:v15+s14+$0x0], $0xffff  }
0x332: {  	v15 =	vor.u32 $0x100, v4;
	[tilespmem:s24+$0xFFFFFEF0] =	vst v0  }
0x333: {  	v0 =	vld.idx.msk [tilespmem:v1+s14+$0x0], $0xffff;
	[tilespmem:s24+$0xFFFFFE90] =	vst v11  }
0x334: {  	v1 =	vor.u32 $0x100, v8;
	[tilespmem:s24+$0xFFFFFEB0] =	vst v12;
	v10 =	vld.idx.msk [tilespmem:v10+s14+$0x0], $0xffff  }
0x335: {  	v11 =	vor.u32 $0x100, v7;
	v12 =	vld.idx.msk [tilespmem:v13+s14+$0x0], $0xffff  }
0x336: {  	[tilespmem:s24+$0xFFFFFED0] =	vst v14;
	v13 =	vor.u32 $0x100, v5  }
0x337: {  	v14 =	vld.idx.msk [tilespmem:v15+s14+$0x0], $0xffff  }
0x338: {  	v15 =	vor.u32 $0x100, v6;
	[tilespmem:s24+$0xFFFFFF60] =	vst v0  }
0x339: {  	v0 =	vld.idx.msk [tilespmem:v1+s14+$0x0], $0xffff;
	[tilespmem:s24+$0xFFFFFF00] =	vst v10  }
0x33a: {  	v1 =	vor.u32 $0x180, v9;
	[tilespmem:s24+$0xFFFFFF20] =	vst v12;
	v10 =	vld.idx.msk [tilespmem:v11+s14+$0x0], $0xffff  }
0x33b: {  	v11 =	vor.u32 $0x180, v3;
	v12 =	vld.idx.msk [tilespmem:v13+s14+$0x0], $0xffff  }
0x33c: {  	[tilespmem:s24+$0xFFFFFF40] =	vst v14;
	v13 =	vor.u32 $0x180, v2  }
0x33d: {  	v14 =	vld.idx.msk [tilespmem:v15+s14+$0x0], $0xffff  }
0x33e: {  	v15 =	vor.u32 $0x180, v4;
	[tilespmem:s24+$0xFFFFFF70] =	vst v0  }
0x33f: {  	v0 =	vld.idx.msk [tilespmem:v1+s14+$0x0], $0xffff;
	[tilespmem:s24+$0xFFFFFF10] =	vst v10  }
0x340: {  	s31 =	simm.s32 $0x40;
	v1 =	vor.u32 $0x180, v8;
	[tilespmem:s24+$0xFFFFFF30] =	vst v12;
	v10 =	vld.idx.msk [tilespmem:v11+s14+$0x0], $0xffff  }
0x341: {  	s25 =	sand.u32 $0x3C0, s31;
	v11 =	vor.u32 $0x180, v7;
	v12 =	vld.idx.msk [tilespmem:v13+s14+$0x0], $0xffff  }
0x342: {  	v16 =	vld [tilespmem:s25+$0x410];
	[tilespmem:s24+$0xFFFFFF50] =	vst v14;
	v13 =	vor.u32 $0x180, v5  }
0x343: {  	v14 =	vld.idx.msk [tilespmem:v15+s14+$0x0], $0xffff  }
0x344: {  	v18 =	vld [tilespmem:s25+$0x420];
	v15 =	vor.u32 $0x180, v6;
	[tilespmem:s24+$0xFFFFFFE0] =	vst v0  }
0x345: {  	v0 =	vld.idx.msk [tilespmem:v1+s14+$0x0], $0xffff;
	[tilespmem:s24+$0xFFFFFF80] =	vst v10  }
0x346: {  	v1 =	vor.u32 $0x200, v9;
	[tilespmem:s24+$0xFFFFFFA0] =	vst v12;
	v10 =	vld.idx.msk [tilespmem:v11+s14+$0x0], $0xffff  }
0x347: {  	v11 =	vld.idx.msk [tilespmem:v13+s14+$0x0], $0xffff  }
0x348: {  	[tilespmem:s24+$0xFFFFFFC0] =	vst v14;
	v14 =	vld [tilespmem:s25+$0x430]  }
0x349: {  	v13 =	vor.u32 $0x200, v3;
	v12 =	vld.idx.msk [tilespmem:v15+s14+$0x0], $0xffff  }
0x34a: {  	v15 =	vld [tilespmem:s25+$0x400];
	[tilespmem:s24+$0xFFFFFFF0] =	vst v0  }
0x34b: {  	v0 =	vld.idx.msk [tilespmem:v1+s14+$0x0], $0xffff;
	v1 =	vor.u32 $0x200, v2  }
0x34c: {  	[tilespmem:s24+$0xFFFFFF90] =	vst v10;
	v10 =	vor.u32 $0x200, v4  }
0x34d: {  	v17 =	vor.u32 $0x200, v8  }
0x34e: {  	v25 =	vshll.u32 v18, $0x3;
	v20 =	vshll.u32 v14, $0x3;
	[tilespmem:s24+$0xFFFFFFB0] =	vst v11;
	v13 =	vld.idx.msk [tilespmem:v13+s14+$0x0], $0xffff  }
0x34f: {  	v19 =	vor.u32 $0x200, v7;
	v11 =	vand.u32 $0x7F, v14;
	v20 =	vand.u32 $0x7FC00, v20;
	[tilespmem:s24+$0xFFFFFFD0] =	vst v12  }
0x350: {  	v27 =	vand.u32 $0x7F, v16;
	v23 =	vshll.u32 v15, $0x3;
	v1 =	vld.idx.msk [tilespmem:v1+s14+$0x0], $0xffff;
	[tilespmem:s24+$0x60] =	vst v0;
	v0 =	vor.u32 v11, v20  }
0x351: {  	v21 =	vor.u32 $0x200, v5;
	v12 =	vand.u32 $0x7F, v15;
	v20 =	vand.u32 $0x7FC00, v23;
	v26 =	vld.idx.msk [tilespmem:v10+s14+$0x0], $0xffff  }
0x352: {  	v24 =	vor.u32 $0x280, v9;
	v23 =	vshll.u32 v16, $0x3;
	v17 =	vld.idx.msk [tilespmem:v17+s14+$0x0], $0xffff;
	v10 =	vor.u32 v12, v20  }
0x353: {  	v28 =	vor.u32 $0x280, v8;
	v22 =	vor.u32 $0x200, v6;
	v23 =	vand.u32 $0x7FC00, v23;
	[tilespmem:s24+$0x0] =	vst v13  }
0x354: {  	v12 =	vand.u32 $0x7FC00, v25;
	v13 =	vand.u32 $0x7F, v18;
	v23 =	vor.u32 v27, v23;
	v19 =	vld.idx.msk [tilespmem:v19+s14+$0x0], $0xffff  }
0x355: {  	v11 =	vor.u32 $0x280, v3;
	v25 =	vor.u32 v13, v12;
	v13 =	vshrl.u32 v14, $0xD;
	[tilespmem:s24+$0x20] =	vst v1;
	v12 =	vld.idx.msk [tilespmem:v0+s14+$0x0], $0xffff  }
0x356: {  	v13 =	vand.u32 $0x7FC00, v13;
	v1 =	vshrl.u32 v14, $0x10;
	v14 =	vshrl.u32 v15, $0x10;
	v20 =	vld.idx.msk [tilespmem:v21+s14+$0x0], $0xffff  }
0x357: {  	v15 =	vshrl.u32 v15, $0xD;
	v1 =	vand.u32 $0x7F, v1;
	[tilespmem:s24+$0x70] =	vst v17;
	v17 =	vshrl.u32 v16, $0x10;
	v27 =	vld.idx.msk [tilespmem:v10+s14+$0x0], $0xffff  }
0x358: {  	[tilespmem:s24+$0x40] =	vst v26;
	v14 =	vand.u32 $0x7F, v14;
	v15 =	vand.u32 $0x7FC00, v15;
	v1 =	vor.u32 v1, v13;
	v13 =	vld.idx.msk [tilespmem:v24+s14+$0x0], $0xffff  }
0x359: {  	s25 =	simm.s32 $0x14E00;
	v16 =	vshrl.u32 v16, $0xD;
	v21 =	vshrl.u32 v18, $0x10;
	v26 =	vld.idx.msk [tilespmem:v23+s14+$0x0], $0xffff;
	v24 =	vor.u32 v14, v15;
	[tilespmem:s24+$0x10] =	vst v19  }
0x35a: {  	v18 =	vshrl.u32 v18, $0xD;
	v17 =	vand.u32 $0x7F, v17;
	v16 =	vand.u32 $0x7FC00, v16;
	v14 =	vld.idx.msk [tilespmem:v25+s14+$0x0], $0xffff;
	[tilespmem:s25+$0xFFFFFE60] =	vst v12  }
0x35b: {  	v15 =	vand.u32 $0x7F, v21;
	v30 =	vor.u32 v17, v16;
	v16 =	vand.u32 $0x7FC00, v18;
	v11 =	vld.idx.msk [tilespmem:v11+s14+$0x0], $0xffff;
	[tilespmem:s24+$0x30] =	vst v20  }
0x35c: {  	v31 =	vor.u32 v15, v16;
	v12 =	vld.idx.msk [tilespmem:v22+s14+$0x0], $0xffff;
	[tilespmem:s25+$0xFFFFFE00] =	vst v27  }
0x35d: {  	v18 =	vor.u32 $0x280, v4;
	v15 =	vld.idx.msk [tilespmem:v1+s14+$0x0], $0xffff;
	[tilespmem:s24+$0xE0] =	vst v13  }
0x35e: {  	v16 =	vor.u32 $0x280, v2;
	v19 =	vld.idx.msk [tilespmem:v24+s14+$0x0], $0xffff;
	[tilespmem:s25+$0xFFFFFE20] =	vst v26  }
0x35f: {  	v13 =	vor.u32 $0x80, v0;
	[tilespmem:s25+$0xFFFFFE40] =	vst v14;
	v17 =	vld.idx.msk [tilespmem:v28+s14+$0x0], $0xffff  }
0x360: {  	v21 =	vor.u32 $0x80, v10;
	v20 =	vld.idx.msk [tilespmem:v30+s14+$0x0], $0xffff;
	[tilespmem:s24+$0x80] =	vst v11  }
0x361: {  	v11 =	vor.u32 $0x280, v7;
	v22 =	vld.idx.msk [tilespmem:v31+s14+$0x0], $0xffff;
	[tilespmem:s24+$0x50] =	vst v12  }
0x362: {  	v14 =	vor.u32 $0x300, v9;
	v18 =	vld.idx.msk [tilespmem:v18+s14+$0x0], $0xffff  }
0x363: {  	v12 =	vor.u32 $0x80, v23;
	[tilespmem:s25+$0xFFFFFE70] =	vst v15;
	v15 =	vld.idx.msk [tilespmem:v16+s14+$0x0], $0xffff  }
0x364: {  	v16 =	vor.u32 $0x80, v25;
	[tilespmem:s25+$0xFFFFFE10] =	vst v19;
	v13 =	vld.idx.msk [tilespmem:v13+s14+$0x0], $0xffff  }
0x365: {  	v19 =	vor.u32 $0x280, v5;
	[tilespmem:s24+$0xF0] =	vst v17;
	v21 =	vld.idx.msk [tilespmem:v21+s14+$0x0], $0xffff  }
0x366: {  	v17 =	vor.u32 $0x80, v1;
	[tilespmem:s25+$0xFFFFFE30] =	vst v20;
	v11 =	vld.idx.msk [tilespmem:v11+s14+$0x0], $0xffff  }
0x367: {  	v14 =	vld.idx.msk [tilespmem:v14+s14+$0x0], $0xffff;
	[tilespmem:s25+$0xFFFFFE50] =	vst v22;
	v22 =	vor.u32 $0x80, v24  }
0x368: {  	v20 =	vor.u32 $0x300, v8;
	v12 =	vld.idx.msk [tilespmem:v12+s14+$0x0], $0xffff;
	[tilespmem:s24+$0xC0] =	vst v18  }
0x369: {  	v16 =	vld.idx.msk [tilespmem:v16+s14+$0x0], $0xffff;
	[tilespmem:s24+$0xA0] =	vst v15;
	v15 =	vor.u32 $0x80, v30  }
0x36a: {  	v18 =	vor.u32 $0x280, v6;
	[tilespmem:s25+$0xFFFFFEE0] =	vst v13;
	v19 =	vld.idx.msk [tilespmem:v19+s14+$0x0], $0xffff  }
0x36b: {  	v13 =	vor.u32 $0x80, v31;
	[tilespmem:s25+$0xFFFFFE80] =	vst v21;
	v17 =	vld.idx.msk [tilespmem:v17+s14+$0x0], $0xffff  }
0x36c: {  	v21 =	vor.u32 $0x300, v3;
	[tilespmem:s24+$0x160] =	vst v14;
	v22 =	vld.idx.msk [tilespmem:v22+s14+$0x0], $0xffff  }
0x36d: {  	v14 =	vor.u32 $0x100, v0;
	v20 =	vld.idx.msk [tilespmem:v20+s14+$0x0], $0xffff;
	[tilespmem:s25+$0xFFFFFEA0] =	vst v12  }
0x36e: {  	v9 =	vor.u32 $0x380, v9;
	[tilespmem:s24+$0x90] =	vst v11;
	v12 =	vld.idx.msk [tilespmem:v15+s14+$0x0], $0xffff  }
0x36f: {  	[tilespmem:s25+$0xFFFFFEC0] =	vst v16;
	v15 =	vor.u32 $0x100, v10;
	v16 =	vld.idx.msk [tilespmem:v18+s14+$0x0], $0xffff  }
0x370: {  	v11 =	vor.u32 $0x100, v23;
	v13 =	vld.idx.msk [tilespmem:v13+s14+$0x0], $0xffff;
	[tilespmem:s24+$0xB0] =	vst v19  }
0x371: {  	v19 =	vld.idx.msk [tilespmem:v21+s14+$0x0], $0xffff;
	[tilespmem:s25+$0xFFFFFEF0] =	vst v17;
	v17 =	vor.u32 $0x100, v25  }
0x372: {  	v18 =	vor.u32 $0x300, v2;
	v14 =	vld.idx.msk [tilespmem:v14+s14+$0x0], $0xffff;
	[tilespmem:s24+$0x170] =	vst v20  }
0x373: {  	[tilespmem:s25+$0xFFFFFE90] =	vst v22;
	v20 =	vor.u32 $0x100, v1;
	v9 =	vld.idx.msk [tilespmem:v9+s14+$0x0], $0xffff  }
0x374: {  	v21 =	vor.u32 $0x300, v4;
	v15 =	vld.idx.msk [tilespmem:v15+s14+$0x0], $0xffff;
	[tilespmem:s25+$0xFFFFFEB0] =	vst v12  }
0x375: {  	v8 =	vor.u32 $0x380, v8;
	v11 =	vld.idx.msk [tilespmem:v11+s14+$0x0], $0xffff;
	[tilespmem:s25+$0xFFFFFED0] =	vst v13  }
0x376: {  	v12 =	vor.u32 $0x100, v24;
	[tilespmem:s24+$0xD0] =	vst v16;
	v13 =	vld.idx.msk [tilespmem:v17+s14+$0x0], $0xffff  }
0x377: {  	v16 =	vor.u32 $0x100, v30;
	[tilespmem:s25+$0xFFFFFF60] =	vst v14;
	v14 =	vld.idx.msk [tilespmem:v18+s14+$0x0], $0xffff  }
0x378: {  	[tilespmem:s24+$0x100] =	vst v19;
	v17 =	vor.u32 $0x100, v31;
	v18 =	vld.idx.msk [tilespmem:v20+s14+$0x0], $0xffff  }
0x379: {  	v19 =	vor.u32 $0x300, v7;
	v20 =	vld.idx.msk [tilespmem:v21+s14+$0x0], $0xffff;
	[tilespmem:s24+$0x1E0] =	vst v9  }
0x37a: {  	v9 =	vor.u32 $0x180, v0;
	[tilespmem:s25+$0xFFFFFF00] =	vst v15;
	v8 =	vld.idx.msk [tilespmem:v8+s14+$0x0], $0xffff  }
0x37b: {  	v15 =	vor.u32 $0x300, v5;
	v12 =	vld.idx.msk [tilespmem:v12+s14+$0x0], $0xffff;
	[tilespmem:s25+$0xFFFFFF20] =	vst v11  }
0x37c: {  	v11 =	vor.u32 $0x300, v6;
	v16 =	vld.idx.msk [tilespmem:v16+s14+$0x0], $0xffff;
	[tilespmem:s25+$0xFFFFFF40] =	vst v13  }
0x37d: {  	v13 =	vor.u32 $0x180, v10;
	v17 =	vld.idx.msk [tilespmem:v17+s14+$0x0], $0xffff;
	[tilespmem:s24+$0x120] =	vst v14  }
0x37e: {  	v14 =	vor.u32 $0x180, v23;
	[tilespmem:s25+$0xFFFFFF70] =	vst v18;
	v18 =	vld.idx.msk [tilespmem:v19+s14+$0x0], $0xffff  }
0x37f: {  	v60 =	vor.u32 $0x380, v3;
	v44 =	vor.u32 $0x380, v7;
	v7 =	vor.u32 $0x180, v25;
	[tilespmem:s24+$0x140] =	vst v20;
	v9 =	vld.idx.msk [tilespmem:v9+s14+$0x0], $0xffff  }
0x380: {  	v61 =	vor.u32 $0x380, v2;
	v37 =	vor.u32 $0x380, v4;
	v43 =	vor.u32 $0x380, v5;
	v5 =	vld.idx.msk [tilespmem:v15+s14+$0x0], $0xffff;
	[tilespmem:s24+$0x1F0] =	vst v8  }
0x381: {  	v45 =	vor.u32 $0x380, v6;
	v46 =	vor.u32 $0x380, v10;
	v6 =	vor.u32 $0x180, v1;
	[tilespmem:s25+$0xFFFFFF10] =	vst v12;
	v11 =	vld.idx.msk [tilespmem:v11+s14+$0x0], $0xffff  }
0x382: {  	v38 =	vor.u32 $0x180, v24;
	v39 =	vor.u32 $0x180, v30;
	v29 =	vor.u32 $0x180, v31;
	v40 =	vld.idx.msk [tilespmem:v13+s14+$0x0], $0xffff;
	[tilespmem:s25+$0xFFFFFF30] =	vst v16  }
0x383: {  	v27 =	vor.u32 $0x200, v23;
	v26 =	vor.u32 $0x200, v25;
	v28 =	vor.u32 $0x200, v10;
	v62 =	vld.idx.msk [tilespmem:v14+s14+$0x0], $0xffff;
	[tilespmem:s25+$0xFFFFFF50] =	vst v17  }
0x384: {  	v22 =	vor.u32 $0x200, v24;
	v21 =	vor.u32 $0x200, v30;
	v20 =	vor.u32 $0x200, v31;
	v63 =	vld.idx.msk [tilespmem:v7+s14+$0x0], $0xffff;
	[tilespmem:s24+$0x110] =	vst v18  }
0x385: {  	v19 =	vor.u32 $0x280, v10;
	v15 =	vor.u32 $0x280, v30;
	v8 =	vor.u32 $0x300, v24;
	[tilespmem:s25+$0xFFFFFFE0] =	vst v9;
	v33 =	vld.idx.msk [tilespmem:v60+s14+$0x0], $0xffff  }
0x386: {  	v12 =	vor.u32 $0x300, v10;
	v10 =	vor.u32 $0x300, v31;
	v16 =	vor.u32 $0x280, v31;
	[tilespmem:s24+$0x130] =	vst v5;
	v36 =	vld.idx.msk [tilespmem:v6+s14+$0x0], $0xffff  }
0x387: {  	v13 =	vor.u32 $0x300, v25;
	v17 =	vor.u32 $0x280, v25;
	v14 =	vor.u32 $0x280, v24;
	v35 =	vld.idx.msk [tilespmem:v61+s14+$0x0], $0xffff;
	[tilespmem:s24+$0x150] =	vst v11  }
0x388: {  	v24 =	vor.u32 $0x380, v24;
	v18 =	vor.u32 $0x280, v23;
	v7 =	vor.u32 $0x380, v23;
	[tilespmem:s25+$0xFFFFFF80] =	vst v40;
	v34 =	vld.idx.msk [tilespmem:v37+s14+$0x0], $0xffff  }
0x389: {  	v9 =	vor.u32 $0x300, v23;
	v23 =	vor.u32 $0x380, v31;
	v11 =	vor.u32 $0x300, v30;
	[tilespmem:s25+$0xFFFFFFA0] =	vst v62;
	v32 =	vld.idx.msk [tilespmem:v38+s14+$0x0], $0xffff  }
0x38a: {  	s28 =	simm.s32 $0x80;
	s26 =	simm.s32 $0x4;
	v6 =	vor.u32 $0x380, v25;
	v25 =	vor.u32 $0x380, v30;
	v37 =	vor.u32 $0x200, v0;
	[tilespmem:s25+$0xFFFFFFC0] =	vst v63;
	v30 =	vld.idx.msk [tilespmem:v39+s14+$0x0], $0xffff  }
.LBB2_9:
0x38b: {  	[tilespmem:$0x1FF20] =	vst v6;
	s29 =	sand.u32 $0x3C0, s28;
	v29 =	vld.idx.msk [tilespmem:v29+s14+$0x0], $0xffff  }
0x38c: {  	v31 =	vld [tilespmem:s29+$0x430];
	[tilespmem:s24+$0x180] =	vst v33  }
0x38d: {  	[tilespmem:s24+$0x1A0] =	vst v35;
	v49 =	vld [tilespmem:s29+$0x400]  }
0x38e: {  	[tilespmem:s25+$0xFFFFFFF0] =	vst v36;
	v50 =	vld [tilespmem:s29+$0x410]  }
0x38f: {  	[tilespmem:s24+$0x1C0] =	vst v34;
	v48 =	vld.idx.msk [tilespmem:v37+s14+$0x0], $0xffff  }
0x390: {  	[tilespmem:s25+$0xFFFFFF90] =	vst v32;
	v52 =	vld [tilespmem:s29+$0x420]  }
0x391: {  	v2 =	vmov v24;
	[tilespmem:s25+$0xFFFFFFB0] =	vst v30;
	v28 =	vld.idx.msk [tilespmem:v28+s14+$0x0], $0xffff  }
0x392: {  	v51 =	vor.u32 $0x200, v1;
	[tilespmem:$0x1FF10] =	vst v2;
	v27 =	vld.idx.msk [tilespmem:v27+s14+$0x0], $0xffff  }
0x393: {  	v3 =	vmov v25;
	[tilespmem:s25+$0xFFFFFFD0] =	vst v29;
	v39 =	vld.idx.msk [tilespmem:v44+s14+$0x0], $0xffff;
	v29 =	vshll.u32 v31, $0x3;
	v53 =	vand.u32 $0x7F, v31  }
0x394: {  	[tilespmem:$0x1FF30] =	vst v3;
	v26 =	vld.idx.msk [tilespmem:v26+s14+$0x0], $0xffff;
	v29 =	vand.u32 $0x7FC00, v29;
	v30 =	vshll.u32 v49, $0x3;
	v38 =	vshll.u32 v50, $0x3  }
0x395: {  	v42 =	vld.idx.msk [tilespmem:v43+s14+$0x0], $0xffff;
	v55 =	vand.u32 $0x7F, v49;
	[tilespmem:s25+$0x60] =	vst v48;
	v54 =	vand.u32 $0x7FC00, v30;
	v30 =	vor.u32 v53, v29  }
0x396: {  	v2 =	vmovc v23;
	v40 =	vand.u32 $0x7F, v50;
	v56 =	vand.u32 $0x7FC00, v38;
	[tilespmem:s25+$0x0] =	vst v28;
	v28 =	vld.idx.msk [tilespmem:v45+s14+$0x0], $0xffff;
	v24 =	vor.u32 v55, v54  }
0x397: {  	v41 =	vor.u32 $0x280, v0;
	[tilespmem:$0x1FF00] =	vst v2;
	v29 =	vld.idx.msk [tilespmem:v51+s14+$0x0], $0xffff;
	v25 =	vor.u32 v40, v56  }
0x398: {  	v59 =	vshrl.u32 v49, $0x10;
	v57 =	vshll.u32 v52, $0x3;
	v58 =	vand.u32 $0x7F, v52;
	[tilespmem:s25+$0x20] =	vst v27;
	v22 =	vld.idx.msk [tilespmem:v22+s14+$0x0], $0xffff  }
0x399: {  	v27 =	vshrl.u32 v31, $0x10;
	v31 =	vshrl.u32 v31, $0xD;
	v38 =	vand.u32 $0x7FC00, v57;
	[tilespmem:s25+$0x40] =	vst v26;
	v21 =	vld.idx.msk [tilespmem:v21+s14+$0x0], $0xffff  }
0x39a: {  	v27 =	vand.u32 $0x7F, v27;
	v31 =	vand.u32 $0x7FC00, v31;
	[tilespmem:s24+$0x190] =	vst v39;
	v40 =	vor.u32 v58, v38;
	v60 =	vld.idx.msk [tilespmem:v30+s14+$0x0], $0xffff  }
0x39b: {  	v35 =	vshrl.u32 v49, $0xD;
	v23 =	vshrl.u32 v50, $0x10;
	[tilespmem:s24+$0x1B0] =	vst v42;
	v33 =	vor.u32 v27, v31;
	v31 =	vld.idx.msk [tilespmem:v24+s14+$0x0], $0xffff  }
0x39c: {  	v62 =	vand.u32 $0x7F, v59;
	v35 =	vand.u32 $0x7FC00, v35;
	v26 =	vshrl.u32 v50, $0xD;
	[tilespmem:s25+$0x70] =	vst v29;
	v63 =	vld.idx.msk [tilespmem:v25+s14+$0x0], $0xffff  }
0x39d: {  	v23 =	vand.u32 $0x7F, v23;
	v26 =	vand.u32 $0x7FC00, v26;
	[tilespmem:s24+$0x1D0] =	vst v28;
	s24 =	smov.u32 s25;
	v27 =	vld.idx.msk [tilespmem:v41+s14+$0x0], $0xffff;
	v41 =	vor.u32 v62, v35  }
0x39e: {  	v23 =	vor.u32 v23, v26;
	[tilespmem:s24+$0x10] =	vst v22;
	v20 =	vld.idx.msk [tilespmem:v20+s14+$0x0], $0xffff  }
0x39f: {  	v61 =	vshrl.u32 v52, $0xD;
	v29 =	vshrl.u32 v52, $0x10;
	s25 =	sadd.s32 $0x400, s25;
	[tilespmem:s24+$0x30] =	vst v21;
	v26 =	vld.idx.msk [tilespmem:v40+s14+$0x0], $0xffff  }
0x3a0: {  	v57 =	vor.u32 $0x280, v1;
	v28 =	vand.u32 $0x7FC00, v61;
	v29 =	vand.u32 $0x7F, v29;
	v19 =	vld.idx.msk [tilespmem:v19+s14+$0x0], $0xffff;
	[tilespmem:s25+$0xFFFFFE60] =	vst v60  }
0x3a1: {  	v44 =	vor.u32 v29, v28;
	v22 =	vld.idx.msk [tilespmem:v33+s14+$0x0], $0xffff;
	[tilespmem:s25+$0xFFFFFE00] =	vst v31  }
0x3a2: {  	v2 =	vor.u32 $0x300, v1;
	[tilespmem:s25+$0xFFFFFE20] =	vst v63;
	v54 =	vld.idx.msk [tilespmem:v41+s14+$0x0], $0xffff  }
0x3a3: {  	v56 =	vor.u32 $0x300, v0;
	v42 =	vor.u32 $0x80, v24;
	v52 =	vor.u32 $0x80, v30;
	[tilespmem:s24+$0xE0] =	vst v27;
	v55 =	vld.idx.msk [tilespmem:v23+s14+$0x0], $0xffff  }
0x3a4: {  	v43 =	vor.u32 $0x80, v25;
	v48 =	vor.u32 $0x100, v24;
	v49 =	vor.u32 $0x100, v25;
	[tilespmem:s25+$0xFFFFFE40] =	vst v26;
	v58 =	vld.idx.msk [tilespmem:v18+s14+$0x0], $0xffff  }
0x3a5: {  	v34 =	vor.u32 $0x180, v24;
	v36 =	vor.u32 $0x180, v25;
	v3 =	vor.u32 $0x380, v24;
	[tilespmem:s24+$0x80] =	vst v19;
	v53 =	vld.idx.msk [tilespmem:v57+s14+$0x0], $0xffff  }
0x3a6: {  	v6 =	vmovc v46;
	v47 =	vor.u32 $0x80, v40;
	v46 =	vor.u32 $0x80, v23;
	v39 =	vor.u32 $0x100, v23;
	v57 =	vld.idx.msk [tilespmem:v44+s14+$0x0], $0xffff;
	[tilespmem:s24+$0x50] =	vst v20  }
0x3a7: {  	v4 =	vor.u32 $0x300, v23;
	v61 =	vor.u32 $0x300, v24;
	v21 =	vor.u32 $0x200, v23;
	v59 =	vld.idx.msk [tilespmem:v17+s14+$0x0], $0xffff;
	[tilespmem:s25+$0xFFFFFE70] =	vst v22  }
0x3a8: {  	v45 =	vor.u32 $0x80, v41;
	v37 =	vor.u32 $0x100, v41;
	v32 =	vor.u32 $0x180, v41;
	v52 =	vld.idx.msk [tilespmem:v52+s14+$0x0], $0xffff;
	[tilespmem:s25+$0xFFFFFE10] =	vst v54  }
0x3a9: {  	v28 =	vor.u32 $0x200, v24;
	v50 =	vor.u32 $0x80, v44;
	v38 =	vor.u32 $0x100, v44;
	[tilespmem:s25+$0xFFFFFE30] =	vst v55;
	v42 =	vld.idx.msk [tilespmem:v42+s14+$0x0], $0xffff  }
0x3aa: {  	v29 =	vor.u32 $0x180, v44;
	v62 =	vor.u32 $0x280, v44;
	v60 =	vor.u32 $0x80, v33;
	[tilespmem:s24+$0xF0] =	vst v53;
	v43 =	vld.idx.msk [tilespmem:v43+s14+$0x0], $0xffff  }
0x3ab: {  	v5 =	vor.u32 $0x300, v44;
	v31 =	vor.u32 $0x180, v23;
	v63 =	vor.u32 $0x300, v41;
	[tilespmem:s25+$0xFFFFFE50] =	vst v57;
	v56 =	vld.idx.msk [tilespmem:v56+s14+$0x0], $0xffff  }
0x3ac: {  	v27 =	vor.u32 $0x200, v25;
	v19 =	vor.u32 $0x280, v24;
	v18 =	vor.u32 $0x280, v25;
	[tilespmem:s24+$0xA0] =	vst v58;
	v47 =	vld.idx.msk [tilespmem:v47+s14+$0x0], $0xffff  }
0x3ad: {  	v24 =	vor.u32 $0x380, v41;
	v20 =	vor.u32 $0x200, v44;
	v22 =	vor.u32 $0x200, v41;
	[tilespmem:s24+$0xC0] =	vst v59;
	v58 =	vld.idx.msk [tilespmem:v15+s14+$0x0], $0xffff  }
0x3ae: {  	v54 =	vor.u32 $0x280, v23;
	v55 =	vor.u32 $0x300, v25;
	v53 =	vor.u32 $0x280, v41;
	[tilespmem:s25+$0xFFFFFEE0] =	vst v52;
	v52 =	vld.idx.msk [tilespmem:v14+s14+$0x0], $0xffff  }
0x3af: {  	v41 =	vor.u32 $0x380, v25;
	v25 =	vor.u32 $0x380, v23;
	v23 =	vor.u32 $0x380, v44;
	v44 =	vld.idx.msk [tilespmem:v60+s14+$0x0], $0xffff;
	[tilespmem:s25+$0xFFFFFE80] =	vst v42  }
0x3b0: {  	[tilespmem:s25+$0xFFFFFEA0] =	vst v43;
	v45 =	vld.idx.msk [tilespmem:v45+s14+$0x0], $0xffff  }
0x3b1: {  	v59 =	vor.u32 $0x100, v30;
	[tilespmem:s24+$0x160] =	vst v56;
	v43 =	vld.idx.msk [tilespmem:v46+s14+$0x0], $0xffff  }
0x3b2: {  	[tilespmem:s25+$0xFFFFFEC0] =	vst v47;
	v2 =	vld.idx.msk [tilespmem:v2+s14+$0x0], $0xffff  }
0x3b3: {  	v60 =	vor.u32 $0x380, v0;
	v0 =	vmov v30;
	v30 =	vld.idx.msk [tilespmem:v50+s14+$0x0], $0xffff  }
0x3b4: {  	[tilespmem:s24+$0x90] =	vst v52;
	v52 =	vld.idx.msk [tilespmem:v16+s14+$0x0], $0xffff  }
0x3b5: {  	v15 =	vmov v54;
	[tilespmem:s25+$0xFFFFFEF0] =	vst v44;
	v54 =	vld.idx.msk [tilespmem:v12+s14+$0x0], $0xffff  }
0x3b6: {  	v51 =	vor.u32 $0x100, v40;
	[tilespmem:s24+$0xB0] =	vst v58;
	v42 =	vld.idx.msk [tilespmem:v59+s14+$0x0], $0xffff  }
0x3b7: {  	[tilespmem:s25+$0xFFFFFE90] =	vst v45;
	v45 =	vld [tilespmem:$0x1FF00]  }
0x3b8: {  	[tilespmem:s25+$0xFFFFFEB0] =	vst v43;
	v58 =	vld.idx.msk [tilespmem:v48+s14+$0x0], $0xffff  }
0x3b9: {  	[tilespmem:s24+$0x170] =	vst v2;
	v2 =	vor.u32 $0x100, v33;
	v43 =	vld.idx.msk [tilespmem:v49+s14+$0x0], $0xffff  }
0x3ba: {  	[tilespmem:s25+$0xFFFFFED0] =	vst v30;
	v56 =	vld.idx.msk [tilespmem:v60+s14+$0x0], $0xffff  }
0x3bb: {  	v59 =	vld.idx.msk [tilespmem:v51+s14+$0x0], $0xffff;
	[tilespmem:s24+$0xD0] =	vst v52  }
0x3bc: {  	v60 =	vld.idx.msk [tilespmem:v9+s14+$0x0], $0xffff;
	[tilespmem:s24+$0x100] =	vst v54  }
0x3bd: {  	v30 =	vor.u32 $0x380, v1;
	v44 =	vld.idx.msk [tilespmem:v13+s14+$0x0], $0xffff;
	[tilespmem:s25+$0xFFFFFF60] =	vst v42  }
0x3be: {  	v2 =	vld.idx.msk [tilespmem:v2+s14+$0x0], $0xffff;
	[tilespmem:s25+$0xFFFFFF00] =	vst v58  }
0x3bf: {  	[tilespmem:s25+$0xFFFFFF20] =	vst v43;
	v43 =	vld [tilespmem:$0x1FF30]  }
0x3c0: {  	v37 =	vld.idx.msk [tilespmem:v37+s14+$0x0], $0xffff  }
0x3c1: {  	[tilespmem:s24+$0x1E0] =	vst v56;
	v39 =	vld.idx.msk [tilespmem:v39+s14+$0x0], $0xffff  }
0x3c2: {  	v12 =	vmov v61;
	v61 =	vor.u32 $0x180, v0;
	[tilespmem:s25+$0xFFFFFF40] =	vst v59;
	v30 =	vld.idx.msk [tilespmem:v30+s14+$0x0], $0xffff  }
0x3c3: {  	v1 =	vmov v33;
	[tilespmem:s24+$0x120] =	vst v60;
	v33 =	vld.idx.msk [tilespmem:v38+s14+$0x0], $0xffff  }
0x3c4: {  	v42 =	vld.idx.msk [tilespmem:v11+s14+$0x0], $0xffff  }
0x3c5: {  	[tilespmem:s25+$0xFFFFFF70] =	vst v2;
	v2 =	vld.idx.msk [tilespmem:v8+s14+$0x0], $0xffff  }
0x3c6: {  	[tilespmem:s24+$0x140] =	vst v44;
	v44 =	vld [tilespmem:$0x1FF10]  }
0x3c7: {  	v35 =	vor.u32 $0x180, v40;
	v16 =	vmov v62;
	v62 =	vld.idx.msk [tilespmem:v61+s14+$0x0], $0xffff;
	[tilespmem:s25+$0xFFFFFF10] =	vst v37  }
0x3c8: {  	[tilespmem:s24+$0x1F0] =	vst v30;
	v30 =	vld.idx.msk [tilespmem:v10+s14+$0x0], $0xffff  }
0x3c9: {  	[tilespmem:s25+$0xFFFFFF30] =	vst v39;
	v10 =	vmov v5;
	v5 =	vld.idx.msk [tilespmem:v34+s14+$0x0], $0xffff  }
0x3ca: {  	v11 =	vmov v4;
	v4 =	vor.u32 $0x180, v1;
	[tilespmem:s24+$0x110] =	vst v2;
	v2 =	vld [tilespmem:$0x1FF20]  }
0x3cb: {  	v39 =	vld.idx.msk [tilespmem:v36+s14+$0x0], $0xffff;
	[tilespmem:s25+$0xFFFFFF50] =	vst v33  }
0x3cc: {  	s26 =	sadd.s32 $0x4, s26;
	v8 =	vmov v63;
	[tilespmem:s24+$0x130] =	vst v42;
	v63 =	vld.idx.msk [tilespmem:v35+s14+$0x0], $0xffff  }
0x3cd: {  	p0 =	slt.u32 s26, $0x3C;
	v35 =	vld.idx.msk [tilespmem:v7+s14+$0x0], $0xffff  }
.Ltmp3:
0x3ce: {  	[tilespmem:s25+$0xFFFFFFE0] =	vst v62;
	v33 =	vld.idx.msk [tilespmem:v6+s14+$0x0], $0xffff;
	(pc) =	sbr.rel @p0 .LBB2_9-.Ltmp3, $4  }
0x3cf: {  	v36 =	vld.idx.msk [tilespmem:v4+s14+$0x0], $0xffff;
	[tilespmem:s25+$0xFFFFFF80] =	vst v5  }
0x3d0: {  	v26 =	vor.u32 $0x200, v40;
	[tilespmem:s25+$0xFFFFFFA0] =	vst v39;
	v32 =	vld.idx.msk [tilespmem:v32+s14+$0x0], $0xffff  }
0x3d1: {  	v17 =	vor.u32 $0x280, v40;
	v57 =	vor.u32 $0x300, v40;
	v40 =	vor.u32 $0x380, v40;
	v14 =	vmovc v53;
	v46 =	vmovc v3;
	[tilespmem:s24+$0x150] =	vst v30;
	v30 =	vld.idx.msk [tilespmem:v31+s14+$0x0], $0xffff  }
0x3d2: {  	s28 =	sadd.s32 $0x40, s28;
	v9 =	vmovc v55;
	v13 =	vmovc v57;
	v37 =	vor.u32 $0x200, v0;
	v7 =	vmov v41;
	v6 =	vmov v40;
	v34 =	vld.idx.msk [tilespmem:v2+s14+$0x0], $0xffff;
	[tilespmem:s25+$0xFFFFFFC0] =	vst v63  }
0x3d3: {  	_ =	sdelay $0x3  }
0x3d4: {  	v2 =	vld.idx.msk [tilespmem:v29+s14+$0x0], $0xffff;
	_ =	sdelay $0x1  }
0x3d5: {  	[tilespmem:s25+$0xFFFFFFF0] =	vst v36  }
0x3d6: {  	v3 =	vld.idx.msk [tilespmem:v37+s14+$0x0], $0xffff;
	[tilespmem:s25+$0xFFFFFF90] =	vst v32  }
0x3d7: {  	v4 =	vor.u32 $0x200, v1;
	[tilespmem:s25+$0xFFFFFFB0] =	vst v30;
	v5 =	vld.idx.msk [tilespmem:v28+s14+$0x0], $0xffff  }
0x3d8: {  	v36 =	vld.idx.msk [tilespmem:v27+s14+$0x0], $0xffff;
	[tilespmem:s25+$0xFFFFFFD0] =	vst v2  }
0x3d9: {  	v26 =	vld.idx.msk [tilespmem:v26+s14+$0x0], $0xffff;
	_ =	sdelay $0x1  }
0x3da: {  	[tilespmem:s25+$0x60] =	vst v3  }
0x3db: {  	v3 =	vld.idx.msk [tilespmem:v4+s14+$0x0], $0xffff;
	[tilespmem:s25+$0x0] =	vst v5  }
0x3dc: {  	v37 =	vor.u32 $0x280, v0;
	v5 =	vld.idx.msk [tilespmem:v22+s14+$0x0], $0xffff;
	[tilespmem:s25+$0x20] =	vst v36  }
0x3dd: {  	v2 =	vld.idx.msk [tilespmem:v21+s14+$0x0], $0xffff;
	[tilespmem:s25+$0x40] =	vst v26  }
0x3de: {  	v20 =	vld.idx.msk [tilespmem:v20+s14+$0x0], $0xffff;
	_ =	sdelay $0x1  }
0x3df: {  	[tilespmem:s25+$0x70] =	vst v3  }
0x3e0: {  	v3 =	vld.idx.msk [tilespmem:v37+s14+$0x0], $0xffff;
	[tilespmem:s25+$0x10] =	vst v5  }
0x3e1: {  	v38 =	vor.u32 $0x280, v1;
	[tilespmem:s25+$0x30] =	vst v2;
	v39 =	vld.idx.msk [tilespmem:v19+s14+$0x0], $0xffff  }
0x3e2: {  	v40 =	vld.idx.msk [tilespmem:v18+s14+$0x0], $0xffff;
	[tilespmem:s25+$0x50] =	vst v20  }
0x3e3: {  	v17 =	vld.idx.msk [tilespmem:v17+s14+$0x0], $0xffff;
	_ =	sdelay $0x1  }
0x3e4: {  	[tilespmem:s25+$0xE0] =	vst v3  }
0x3e5: {  	v3 =	vld.idx.msk [tilespmem:v38+s14+$0x0], $0xffff;
	[tilespmem:s25+$0x80] =	vst v39  }
0x3e6: {  	v41 =	vor.u32 $0x300, v0;
	[tilespmem:s25+$0xA0] =	vst v40;
	v42 =	vld.idx.msk [tilespmem:v14+s14+$0x0], $0xffff  }
0x3e7: {  	v5 =	vld.idx.msk [tilespmem:v15+s14+$0x0], $0xffff;
	[tilespmem:s25+$0xC0] =	vst v17  }
0x3e8: {  	v47 =	vld.idx.msk [tilespmem:v16+s14+$0x0], $0xffff;
	_ =	sdelay $0x1  }
0x3e9: {  	[tilespmem:s25+$0xF0] =	vst v3  }
0x3ea: {  	v2 =	vld.idx.msk [tilespmem:v41+s14+$0x0], $0xffff;
	[tilespmem:s25+$0x90] =	vst v42  }
0x3eb: {  	v48 =	vor.u32 $0x300, v1;
	[tilespmem:s25+$0xB0] =	vst v5;
	v4 =	vld.idx.msk [tilespmem:v12+s14+$0x0], $0xffff  }
0x3ec: {  	v5 =	vld.idx.msk [tilespmem:v9+s14+$0x0], $0xffff;
	[tilespmem:s25+$0xD0] =	vst v47  }
0x3ed: {  	v49 =	vld.idx.msk [tilespmem:v13+s14+$0x0], $0xffff;
	_ =	sdelay $0x1  }
0x3ee: {  	[tilespmem:s25+$0x160] =	vst v2  }
0x3ef: {  	v2 =	vld.idx.msk [tilespmem:v48+s14+$0x0], $0xffff;
	[tilespmem:s25+$0x100] =	vst v4  }
0x3f0: {  	v50 =	vor.u32 $0x380, v0;
	[tilespmem:s25+$0x120] =	vst v5;
	v51 =	vld.idx.msk [tilespmem:v8+s14+$0x0], $0xffff  }
0x3f1: {  	v52 =	vld.idx.msk [tilespmem:v11+s14+$0x0], $0xffff;
	[tilespmem:s25+$0x140] =	vst v49  }
0x3f2: {  	[tilespmem:s24+$0x180] =	vst v33;
	v53 =	vld.idx.msk [tilespmem:v10+s14+$0x0], $0xffff  }
0x3f3: {  	[tilespmem:s24+$0x1A0] =	vst v35  }
0x3f4: {  	v54 =	vld.idx.msk [tilespmem:v44+s14+$0x0], $0xffff;
	[tilespmem:s25+$0x170] =	vst v2  }
0x3f5: {  	v0 =	vld.idx.msk [tilespmem:v50+s14+$0x0], $0xffff;
	[tilespmem:s25+$0x110] =	vst v51  }
0x3f6: {  	v55 =	vor.u32 $0x380, v1;
	v56 =	vld.idx.msk [tilespmem:v46+s14+$0x0], $0xffff;
	[tilespmem:s25+$0x130] =	vst v52  }
0x3f7: {  	v57 =	vld.idx.msk [tilespmem:v7+s14+$0x0], $0xffff;
	[tilespmem:s25+$0x150] =	vst v53  }
0x3f8: {  	[tilespmem:s24+$0x1C0] =	vst v34;
	v58 =	vld.idx.msk [tilespmem:v6+s14+$0x0], $0xffff  }
0x3f9: {  	v59 =	vld.idx.msk [tilespmem:v43+s14+$0x0], $0xffff;
	[tilespmem:s24+$0x190] =	vst v54  }
0x3fa: {  	v60 =	vld.idx.msk [tilespmem:v45+s14+$0x0], $0xffff;
	[tilespmem:s25+$0x1E0] =	vst v0  }
0x3fb: {  	v0 =	vld.idx.msk [tilespmem:v55+s14+$0x0], $0xffff;
	[tilespmem:s25+$0x180] =	vst v56  }
0x3fc: {  	[tilespmem:s25+$0x1A0] =	vst v57;
	v61 =	vld.idx.msk [tilespmem:v24+s14+$0x0], $0xffff  }
0x3fd: {  	v62 =	vld.idx.msk [tilespmem:v25+s14+$0x0], $0xffff;
	[tilespmem:s25+$0x1C0] =	vst v58  }
0x3fe: {  	s22 =	sadd.s32 $0x1, s22;
	[tilespmem:s24+$0x1B0] =	vst v59;
	v63 =	vld.idx.msk [tilespmem:v23+s14+$0x0], $0xffff  }
0x3ff: {  	p0 =	sne.s32 s22, $0x10;
	[tilespmem:s24+$0x1D0] =	vst v60  }
.Ltmp4:
0x400: {  	[tilespmem:s25+$0x1F0] =	vst v0;
	(pc) =	sbr.rel @p0 .LBB2_2-.Ltmp4, $4  }
0x401: {  	[tilespmem:s25+$0x190] =	vst v61  }
0x402: {  	[tilespmem:s25+$0x1B0] =	vst v62  }
0x403: {  	s23 =	sadd.s32 s23, s9;
	[tilespmem:s25+$0x1D0] =	vst v63  }
0x404: {  	[hbm4b:s23+s5] =	stream.linear.scatter [tilespmem:s17], [sflag:$0x4], $0x4000, $0x38;
	[tilespmem:$0x18800] =	vst v63  }
0x405: {  	s21 =	sadd.s32 $0x1, s21  }
0x406: {  	_ =	swait.ge [sflag:s19], $0x4000;
	p0 =	sne.s32 s21, s11  }
.Ltmp5:
0x407: {  	[sflag:s19] =	ssyncset.done $0x0;
	(pc) =	sbr.rel @p0 .LBB2_1-.Ltmp5, $4  }
0x408: {  	[sflag:s19] =	ssyncadd.s32 $0xFFFFC000  }
0x409: {  	_ =	swait.ge [sflag:s20], $0x4000  }
0x40a: {  	[sflag:s20] =	ssyncset.done $0x0  }
0x40b: {  	[sflag:s20] =	ssyncadd.s32 $0xFFFFC000  }
0x40c: {  	_ =	sfence.sel $0x180000  }
0x40d: {  	[bflag:$0x0] =	sbarrier.arrive $0xFFFF  }
0x40e: {  	p0 =	sne.s32 s3, $0x0;
	_ =	strace $0x90000047  }
0x40f: {  	s0 =	sadd.s32 @!p0 $0x100000, s0;
	[bflag:$0x2] =	sbarrier.arrive $0xFFFF  }
0x410: {  	[sflag:s0] =	ssyncadd.tile.s32 @!p0 $0x1;
	_ =	shalt  }
.Lfunc_end2:
_tile_overlayer_lowered:
.L_overlay_start_2:
0x411: {  	(tag) =	ssettag $0x2  }
0x412: {  	s0 =	rddreg [dreg:$0x0];
	s2 =	stileid.u32  }
0x413: {  	s1 =	rddreg [dreg:$0x1];
	p0 =	sne.s32 s2, $0x0  }
0x414: {  	s3 =	rddreg [dreg:$0x2];
	[bflag:$0x3] =	sbarrier.arrive $0xFFFF;
	s2 =	simm.s32 @!p0 $0x1C05  }
0x415: {  	[timem:s3], [sflag:s2] =	dma.local @!p0 [hbm:s0], s1  }
0x416: {  	s0 =	simm.s32 @!p0 $0x5  }
0x417: {  	_ =	swait.ge @!p0 [sflag:s0], s1  }
0x418: {  	s1 =	ssub.s32 @!p0 $0x0, s1;
	[sflag:s0] =	ssyncset.done @!p0 $0x0  }
0x419: {  	[sflag:s0] =	ssyncadd.s32 @!p0 s1  }
0x41a: {  	[bflag:$0x3] =	sbarrier.arrive $0xFFFF  }
0x41b: {  	_ =	shalt  }

</sc_bundles>
